<compile_context>
chip_gen: v7x
topology: tpu7x:2x2x1
jax: 0.10.2.dev20260603
libtpu: 0.0.44.dev20260713+nightly
codegen_flags: <defaults>
</compile_context>

<pallas_src>
import functools

import jax
import jax.numpy as jnp
from jax import lax
from jax.experimental import pallas as pl
from jax.experimental.pallas import tpu as pltpu
from jax.experimental.pallas import tpu_sc as plsc

D_MODEL = 768
L1 = 2048
L2 = 2048
BATCH = 16
NCOORD = 5
LANES = BATCH * NCOORD
H = 256
LTOT = L1 + L2
NUM_CHUNKS = LTOT // H
EXT = L2 + LTOT
DOUT = BATCH * D_MODEL
HALF = LTOT // 2


def _tc_body(lens1_ref, b1_ref, b2_ref, l1lane_ref, wbd_ref, out_ref):
    i = pl.program_id(0)
    j0 = i * H
    rowid = j0 + jax.lax.broadcasted_iota(jnp.int32, (H, 1), 0)
    laneq = jax.lax.broadcasted_iota(jnp.int32, (H, LANES), 1) // NCOORD
    src2 = jnp.zeros((H, LANES), jnp.float32)
    for col in range(BATCH):
        start = L2 + j0 - lens1_ref[col]
        win = b2_ref[pl.ds(start, H), :]
        src2 = jnp.where(laneq == col, win, src2)
    src = jnp.where(rowid < l1lane_ref[...], b1_ref[...], src2)
    out_ref[...] = jnp.zeros((H, BATCH, D_MODEL), jnp.float32) + src[0, 0]


def _sc_mask_body(l1_hbm, l2_hbm, out_hbm, l1v, l2v, flen2, row_v):
    wid = lax.axis_index("s") * 2 + lax.axis_index("c")
    b = wid // 2
    p0 = (wid % 2) * HALF
    pltpu.sync_copy(l1_hbm, l1v)
    pltpu.sync_copy(l2_hbm, l2v)
    lane = lax.broadcasted_iota(jnp.int32, (16,), 0)
    flen = l1v[...] + l2v[...]
    flen2[pl.ds(0, 16)] = flen
    flen2[pl.ds(16, 16)] = flen
    fb = flen2[pl.ds(b, 16)][0]
    for chunk in range(HALF // 16):
        pos = p0 + chunk * 16 + lane
        row_v[pl.ds(chunk * 16, 16)] = jnp.where(pos >= fb, 1, 0)
    pltpu.sync_copy(row_v, out_hbm.at[pl.ds(wid * HALF, HALF)])


def kernel(boxes1, lengths1, boxes2, lengths2, W, b):
    ones1 = jnp.ones((L1, BATCH, 1), jnp.float32)
    b1_flat = jnp.concatenate([boxes1, ones1], axis=2).reshape(L1, LANES)
    b2a = jnp.concatenate([boxes2, ones1], axis=2).reshape(L2, LANES)
    b2_flat = jnp.pad(b2a, ((L2, EXT - L2 - L2), (0, 0)))
    l1lane = jnp.repeat(lengths1, NCOORD).reshape(1, LANES)
    w5 = jnp.concatenate([W, b.reshape(1, D_MODEL)], axis=0)
    wbd = jnp.kron(jnp.eye(BATCH, dtype=W.dtype), w5)

    grid_spec = pltpu.PrefetchScalarGridSpec(
        num_scalar_prefetch=1,
        grid=(NUM_CHUNKS,),
        in_specs=[
            pl.BlockSpec((H, LANES), lambda i, s: (i, 0)),
            pl.BlockSpec((EXT, LANES), lambda i, s: (0, 0)),
            pl.BlockSpec((1, LANES), lambda i, s: (0, 0)),
            pl.BlockSpec((LANES, DOUT), lambda i, s: (0, 0)),
        ],
        out_specs=pl.BlockSpec((H, BATCH, D_MODEL), lambda i, s: (i, 0, 0)),
    )
    out = pl.pallas_call(
        _tc_body,
        grid_spec=grid_spec,
        out_shape=jax.ShapeDtypeStruct((LTOT, BATCH, D_MODEL), jnp.float32),
        compiler_params=pltpu.CompilerParams(
            dimension_semantics=("arbitrary",),
        ),
    )(lengths1, b1_flat, b2_flat, l1lane, wbd)

    mask_i32 = functools.partial(
        pl.kernel,
        out_type=jax.ShapeDtypeStruct((BATCH * LTOT,), jnp.int32),
        mesh=plsc.VectorSubcoreMesh(core_axis_name="c", subcore_axis_name="s"),
        scratch_types=[
            pltpu.VMEM((BATCH,), jnp.int32),
            pltpu.VMEM((BATCH,), jnp.int32),
            pltpu.VMEM((2 * BATCH,), jnp.int32),
            pltpu.VMEM((HALF,), jnp.int32),
        ],
    )(_sc_mask_body)(lengths1, lengths2)
    return out, mask_i32.reshape(BATCH, LTOT).astype(jnp.bool_)

# --- scband reference (transcript-rebuilt; emitter-appended) ---
"""Pipeline reference for scband-sequence-geometry-encoder-50568944943543 (READ-ONLY COPY).

The authoritative reference and input builder live on the scoring server;
editing this copy changes nothing except your own understanding.
"""

import jax, jax.numpy as jnp
import numpy as np

D_MODEL = 768
L1, L2, B = 2048, 2048, 16

def setup_inputs(seed: int = 0) -> dict:
    key = jax.random.key(seed)
    k1, k2, k3, k4, k5, k6 = jax.random.split(key, 6)
    boxes1 = jax.random.uniform(k1, (L1, B, 4), dtype=jnp.float32)
    boxes2 = jax.random.uniform(k2, (L2, B, 4), dtype=jnp.float32)
    lengths1 = jax.random.randint(k3, (B,), 0, L1, dtype=jnp.int32)
    lengths2 = jax.random.randint(k4, (B,), 0, L2, dtype=jnp.int32)
    W = jax.random.normal(k5, (4, D_MODEL), dtype=jnp.float32) * 0.02
    b = jax.random.normal(k6, (D_MODEL,), dtype=jnp.float32) * 0.02
    return {"boxes1": boxes1, "lengths1": lengths1, "boxes2": boxes2, "lengths2": lengths2, "W": W, "b": b}

def reference(boxes1, lengths1, boxes2, lengths2, W, b):
    l1, bs, _ = boxes1.shape
    l2 = boxes2.shape[0]
    d = W.shape[1]
    # right-padded masks built from lengths (1s for padded values, torch convention)
    mask1 = jnp.arange(l1)[None, :] >= lengths1[:, None]  # [B, L1]
    mask2 = jnp.arange(l2)[None, :] >= lengths2[:, None]  # [B, L2]
    # direct projection of box coordinates to d_model (boxes_direct_project=True)
    seq1 = boxes1 @ W + b  # [L1, B, d]
    seq2 = boxes2 @ W + b  # [L2, B, d]
    # concat_padded_sequences: contiguous right-padded concatenation via scatter
    actual1 = (~mask1).sum(axis=-1)  # [B]
    actual2 = (~mask2).sum(axis=-1)  # [B]
    final_lengths = actual1 + actual2
    max_length = l1 + l2
    concatenated_mask = jnp.arange(max_length)[None, :] >= final_lengths[:, None]  # [B, L1+L2]
    concatenated = jnp.zeros((max_length, bs, d), dtype=seq2.dtype)
    concatenated = concatenated.at[:l1].set(seq1)
    index = jnp.arange(l2)[:, None] + actual1[None, :]  # [L2, B]
    # scatter-overwrite along dim 0 per batch column: concatenated[index[i,b], b, :] = seq2[i, b, :]
    concatenated = concatenated.at[index, jnp.arange(bs)[None, :]].set(seq2)
    return concatenated, concatenated_mask

if __name__ == "__main__":
    import jax
    _d = setup_inputs()
    print(jax.jit(kernel)(*tuple(_d.values())))

</pallas_src>

<mosaic_0001>
#map = affine_map<(d0, d1) -> (0)>
module attributes {stable_mosaic.version = 14 : i64} {
  func.func @_sc_mask_body(%arg0: i32, %arg1: i32, %arg2: memref<16xi32, #tpu.memory_space<hbm>>, %arg3: memref<16xi32, #tpu.memory_space<hbm>>, %arg4: memref<65536xi32, #tpu.memory_space<hbm>>, %arg5: memref<16xi32, #tpu.memory_space<vmem>>, %arg6: memref<16xi32, #tpu.memory_space<vmem>>, %arg7: memref<32xi32, #tpu.memory_space<vmem>>, %arg8: memref<2048xi32, #tpu.memory_space<vmem>>) attributes {dimension_semantics = [#tpu.dimension_semantics<core_parallel>, #tpu.dimension_semantics<subcore_parallel>], iteration_bounds = array<i64: 2, 16>, scalar_prefetch = 0 : i64, scratch_operands = 4 : i64, tpu.core_type = #tpu.core_type<sc_vector_subcore>, window_params = [{transform_indices = #map}, {transform_indices = #map}, {transform_indices = #map}]} {
    %mul3A = arith.constant 2 : i32
    %mul3A_0 = arith.muli %arg1, %mul3A : i32
    %add3A = arith.addi %mul3A_0, %arg0 : i32
    %jit3A = arith.constant 2 : i32
    %div3A = arith.divsi %add3A, %jit3A : i32
    %sign3A = arith.constant 0 : i32
    %sign3A_1 = arith.cmpi sgt, %add3A, %sign3A : i32
    %sign3A_2 = arith.extui %sign3A_1 : i1 to i32
    %sign3A_3 = arith.constant 0 : i32
    %sign3A_4 = arith.cmpi slt, %add3A, %sign3A_3 : i32
    %sign3A_5 = arith.extui %sign3A_4 : i1 to i32
    %sign3A_6 = arith.subi %sign3A_2, %sign3A_5 : i32
    %sign3A_7 = arith.constant 0 : i32
    %sign3A_8 = arith.cmpi sgt, %jit3A, %sign3A_7 : i32
    %sign3A_9 = arith.extui %sign3A_8 : i1 to i32
    %sign3A_10 = arith.constant 0 : i32
    %sign3A_11 = arith.cmpi slt, %jit3A, %sign3A_10 : i32
    %sign3A_12 = arith.extui %sign3A_11 : i1 to i32
    %sign3A_13 = arith.subi %sign3A_9, %sign3A_12 : i32
    %ne3A = arith.cmpi ne, %sign3A_6, %sign3A_13 : i32
    %rem3A = arith.remsi %add3A, %jit3A : i32
    %ne3A_14 = arith.constant 0 : i32
    %ne3A_15 = arith.cmpi ne, %rem3A, %ne3A_14 : i32
    %and3A = arith.andi %ne3A, %ne3A_15 : i1
    %sub3A = arith.constant 1 : i32
    %sub3A_16 = arith.subi %div3A, %sub3A : i32
    %select_n3A = arith.select %and3A, %sub3A_16, %div3A : i32
    %jit3A_17 = arith.constant 2 : i32
    %eq3A = arith.constant 0 : i32
    %eq3A_18 = arith.cmpi eq, %jit3A_17, %eq3A : i32
    %jit3A_19 = arith.constant 1 : i32
    %select_n3A_20 = arith.select %eq3A_18, %jit3A_19, %jit3A_17 : i32
    %rem3A_21 = arith.remsi %add3A, %select_n3A_20 : i32
    %ne3A_22 = arith.constant 0 : i32
    %ne3A_23 = arith.cmpi ne, %rem3A_21, %ne3A_22 : i32
    %lt3A = arith.constant 0 : i32
    %lt3A_24 = arith.cmpi slt, %rem3A_21, %lt3A : i32
    %lt3A_25 = arith.constant 0 : i32
    %lt3A_26 = arith.cmpi slt, %select_n3A_20, %lt3A_25 : i32
    %ne3A_27 = arith.xori %lt3A_24, %lt3A_26 : i1
    %and3A_28 = arith.andi %ne3A_27, %ne3A_23 : i1
    %add3A_29 = arith.addi %rem3A_21, %select_n3A_20 : i32
    %select_n3A_30 = arith.select %and3A_28, %add3A_29, %rem3A_21 : i32
    %mul3A_31 = arith.constant 2048 : i32
    %mul3A_32 = arith.muli %select_n3A_30, %mul3A_31 : i32
    "tpu.region"() ({
      %run_scoped3A = tpu.sem_alloc : memref<!tpu.dma_semaphore, #tpu.memory_space<semaphore_mem>>
      tpu.enqueue_dma source(%arg2 : memref<16xi32, #tpu.memory_space<hbm>>) target(%arg5 : memref<16xi32, #tpu.memory_space<vmem>>) target_semaphore(%run_scoped3A : memref<!tpu.dma_semaphore, #tpu.memory_space<semaphore_mem>>)
      tpu.wait_dma2 semaphore(%run_scoped3A : memref<!tpu.dma_semaphore, #tpu.memory_space<semaphore_mem>>) src(%arg2 : memref<16xi32, #tpu.memory_space<hbm>>) dst(%arg5 : memref<16xi32, #tpu.memory_space<vmem>>)
      tpu.yield
    }) : () -> ()
    "tpu.region"() ({
      %run_scoped3A = tpu.sem_alloc : memref<!tpu.dma_semaphore, #tpu.memory_space<semaphore_mem>>
      tpu.enqueue_dma source(%arg3 : memref<16xi32, #tpu.memory_space<hbm>>) target(%arg6 : memref<16xi32, #tpu.memory_space<vmem>>) target_semaphore(%run_scoped3A : memref<!tpu.dma_semaphore, #tpu.memory_space<semaphore_mem>>)
      tpu.wait_dma2 semaphore(%run_scoped3A : memref<!tpu.dma_semaphore, #tpu.memory_space<semaphore_mem>>) src(%arg3 : memref<16xi32, #tpu.memory_space<hbm>>) dst(%arg6 : memref<16xi32, #tpu.memory_space<vmem>>)
      tpu.yield
    }) : () -> ()
    %iota3A = tpu.iota {dimensions = array<i32: 0>} : vector<16xi32>
    %get3A = arith.constant 0 : index
    %get3A_33 = tpu.vector_load %arg5[%get3A] {strides = array<i32>} : memref<16xi32, #tpu.memory_space<vmem>>, vector<16xi32>,
    %get3A_34 = vector.shape_cast %get3A_33 : vector<16xi32> to vector<16xi32>
    %get3A_35 = arith.constant 0 : index
    %get3A_36 = tpu.vector_load %arg6[%get3A_35] {strides = array<i32>} : memref<16xi32, #tpu.memory_space<vmem>>, vector<16xi32>,
    %get3A_37 = vector.shape_cast %get3A_36 : vector<16xi32> to vector<16xi32>
    %add3A_38 = arith.addi %get3A_34, %get3A_37 : vector<16xi32>
    %swap3A = arith.constant 0 : index
    %swap3A_39 = tpu.vector_load %arg7[%swap3A] {strides = array<i32>} : memref<32xi32, #tpu.memory_space<vmem>>, vector<16xi32>,
    %swap3A_40 = vector.shape_cast %swap3A_39 : vector<16xi32> to vector<16xi32>
    %swap3A_41 = vector.shape_cast %add3A_38 : vector<16xi32> to vector<16xi32>
    tpu.vector_store %arg7[%swap3A], %swap3A_41 {strides = array<i32>} : memref<32xi32, #tpu.memory_space<vmem>>, vector<16xi32>,
    %swap3A_42 = arith.constant 16 : index
    %swap3A_43 = tpu.vector_load %arg7[%swap3A_42] {strides = array<i32>} : memref<32xi32, #tpu.memory_space<vmem>>, vector<16xi32>,
    %swap3A_44 = vector.shape_cast %swap3A_43 : vector<16xi32> to vector<16xi32>
    %swap3A_45 = vector.shape_cast %add3A_38 : vector<16xi32> to vector<16xi32>
    tpu.vector_store %arg7[%swap3A_42], %swap3A_45 {strides = array<i32>} : memref<32xi32, #tpu.memory_space<vmem>>, vector<16xi32>,
    %get3A_46 = arith.index_cast %select_n3A : i32 to index
    %get3A_47 = tpu.vector_load %arg7[%get3A_46] {strides = array<i32>} : memref<32xi32, #tpu.memory_space<vmem>>, vector<16xi32>,
    %get3A_48 = vector.shape_cast %get3A_47 : vector<16xi32> to vector<16xi32>
    %slice3A = vector.extract_strided_slice %get3A_48 {offsets = [0], sizes = [1], strides = [1]} : vector<16xi32> to vector<1xi32>
    %squeeze3A = vector.extract %slice3A[0] : i32 from vector<1xi32>
    %add3A_49 = arith.constant 0 : i32
    %add3A_50 = arith.addi %mul3A_32, %add3A_49 : i32
    %add3A_51 = vector.broadcast %add3A_50 : i32 to vector<16xi32>
    %add3A_52 = arith.addi %add3A_51, %iota3A : vector<16xi32>
    %ge3A = vector.broadcast %squeeze3A : i32 to vector<16xi32>
    %ge3A_53 = arith.cmpi sge, %add3A_52, %ge3A : vector<16xi32>
    %jit3A_54 = arith.constant 1 : i32
    %jit3A_55 = arith.constant 0 : i32
    %broadcast_in_dim3A = vector.broadcast %jit3A_54 : i32 to vector<16xi32>
    %broadcast_in_dim3A_56 = vector.broadcast %jit3A_55 : i32 to vector<16xi32>
    %select_n3A_57 = arith.select %ge3A_53, %broadcast_in_dim3A, %broadcast_in_dim3A_56 : vector<16xi1>, vector<16xi32>
    %swap3A_58 = arith.constant 0 : index
    %swap3A_59 = tpu.vector_load %arg8[%swap3A_58] {strides = array<i32>} : memref<2048xi32, #tpu.memory_space<vmem>>, vector<16xi32>,
    %swap3A_60 = vector.shape_cast %swap3A_59 : vector<16xi32> to vector<16xi32>
    %swap3A_61 = vector.shape_cast %select_n3A_57 : vector<16xi32> to vector<16xi32>
    tpu.vector_store %arg8[%swap3A_58], %swap3A_61 {strides = array<i32>} : memref<2048xi32, #tpu.memory_space<vmem>>, vector<16xi32>,
    %add3A_62 = arith.constant 16 : i32
    %add3A_63 = arith.addi %mul3A_32, %add3A_62 : i32
    %add3A_64 = vector.broadcast %add3A_63 : i32 to vector<16xi32>
    %add3A_65 = arith.addi %add3A_64, %iota3A : vector<16xi32>
    %ge3A_66 = vector.broadcast %squeeze3A : i32 to vector<16xi32>
    %ge3A_67 = arith.cmpi sge, %add3A_65, %ge3A_66 : vector<16xi32>
    %jit3A_68 = arith.constant 1 : i32
    %jit3A_69 = arith.constant 0 : i32
    %broadcast_in_dim3A_70 = vector.broadcast %jit3A_68 : i32 to vector<16xi32>
    %broadcast_in_dim3A_71 = vector.broadcast %jit3A_69 : i32 to vector<16xi32>
    %select_n3A_72 = arith.select %ge3A_67, %broadcast_in_dim3A_70, %broadcast_in_dim3A_71 : vector<16xi1>, vector<16xi32>
    %swap3A_73 = arith.constant 16 : index
    %swap3A_74 = tpu.vector_load %arg8[%swap3A_73] {strides = array<i32>} : memref<2048xi32, #tpu.memory_space<vmem>>, vector<16xi32>,
    %swap3A_75 = vector.shape_cast %swap3A_74 : vector<16xi32> to vector<16xi32>
    %swap3A_76 = vector.shape_cast %select_n3A_72 : vector<16xi32> to vector<16xi32>
    tpu.vector_store %arg8[%swap3A_73], %swap3A_76 {strides = array<i32>} : memref<2048xi32, #tpu.memory_space<vmem>>, vector<16xi32>,
    %add3A_77 = arith.constant 32 : i32
    %add3A_78 = arith.addi %mul3A_32, %add3A_77 : i32
    %add3A_79 = vector.broadcast %add3A_78 : i32 to vector<16xi32>
    %add3A_80 = arith.addi %add3A_79, %iota3A : vector<16xi32>
    %ge3A_81 = vector.broadcast %squeeze3A : i32 to vector<16xi32>
    %ge3A_82 = arith.cmpi sge, %add3A_80, %ge3A_81 : vector<16xi32>
    %jit3A_83 = arith.constant 1 : i32
    %jit3A_84 = arith.constant 0 : i32
    %broadcast_in_dim3A_85 = vector.broadcast %jit3A_83 : i32 to vector<16xi32>
    %broadcast_in_dim3A_86 = vector.broadcast %jit3A_84 : i32 to vector<16xi32>
    %select_n3A_87 = arith.select %ge3A_82, %broadcast_in_dim3A_85, %broadcast_in_dim3A_86 : vector<16xi1>, vector<16xi32>
    %swap3A_88 = arith.constant 32 : index
    %swap3A_89 = tpu.vector_load %arg8[%swap3A_88] {strides = array<i32>} : memref<2048xi32, #tpu.memory_space<vmem>>, vector<16xi32>,
    %swap3A_90 = vector.shape_cast %swap3A_89 : vector<16xi32> to vector<16xi32>
    %swap3A_91 = vector.shape_cast %select_n3A_87 : vector<16xi32> to vector<16xi32>
    tpu.vector_store %arg8[%swap3A_88], %swap3A_91 {strides = array<i32>} : memref<2048xi32, #tpu.memory_space<vmem>>, vector<16xi32>,
    %add3A_92 = arith.constant 48 : i32
    %add3A_93 = arith.addi %mul3A_32, %add3A_92 : i32
    %add3A_94 = vector.broadcast %add3A_93 : i32 to vector<16xi32>
    %add3A_95 = arith.addi %add3A_94, %iota3A : vector<16xi32>
    %ge3A_96 = vector.broadcast %squeeze3A : i32 to vector<16xi32>
    %ge3A_97 = arith.cmpi sge, %add3A_95, %ge3A_96 : vector<16xi32>
    %jit3A_98 = arith.constant 1 : i32
    %jit3A_99 = arith.constant 0 : i32
    %broadcast_in_dim3A_100 = vector.broadcast %jit3A_98 : i32 to vector<16xi32>
    %broadcast_in_dim3A_101 = vector.broadcast %jit3A_99 : i32 to vector<16xi32>
    %select_n3A_102 = arith.select %ge3A_97, %broadcast_in_dim3A_100, %broadcast_in_dim3A_101 : vector<16xi1>, vector<16xi32>
    %swap3A_103 = arith.constant 48 : index
    %swap3A_104 = tpu.vector_load %arg8[%swap3A_103] {strides = array<i32>} : memref<2048xi32, #tpu.memory_space<vmem>>, vector<16xi32>,
    %swap3A_105 = vector.shape_cast %swap3A_104 : vector<16xi32> to vector<16xi32>
    %swap3A_106 = vector.shape_cast %select_n3A_102 : vector<16xi32> to vector<16xi32>
    tpu.vector_store %arg8[%swap3A_103], %swap3A_106 {strides = array<i32>} : memref<2048xi32, #tpu.memory_space<vmem>>, vector<16xi32>,
    %add3A_107 = arith.constant 64 : i32
    %add3A_108 = arith.addi %mul3A_32, %add3A_107 : i32
    %add3A_109 = vector.broadcast %add3A_108 : i32 to vector<16xi32>
    %add3A_110 = arith.addi %add3A_109, %iota3A : vector<16xi32>
    %ge3A_111 = vector.broadcast %squeeze3A : i32 to vector<16xi32>
    %ge3A_112 = arith.cmpi sge, %add3A_110, %ge3A_111 : vector<16xi32>
    %jit3A_113 = arith.constant 1 : i32
    %jit3A_114 = arith.constant 0 : i32
    %broadcast_in_dim3A_115 = vector.broadcast %jit3A_113 : i32 to vector<16xi32>
    %broadcast_in_dim3A_116 = vector.broadcast %jit3A_114 : i32 to vector<16xi32>
    %select_n3A_117 = arith.select %ge3A_112, %broadcast_in_dim3A_115, %broadcast_in_dim3A_116 : vector<16xi1>, vector<16xi32>
    %swap3A_118 = arith.constant 64 : index
    %swap3A_119 = tpu.vector_load %arg8[%swap3A_118] {strides = array<i32>} : memref<2048xi32, #tpu.memory_space<vmem>>, vector<16xi32>,
    %swap3A_120 = vector.shape_cast %swap3A_119 : vector<16xi32> to vector<16xi32>
    %swap3A_121 = vector.shape_cast %select_n3A_117 : vector<16xi32> to vector<16xi32>
    tpu.vector_store %arg8[%swap3A_118], %swap3A_121 {strides = array<i32>} : memref<2048xi32, #tpu.memory_space<vmem>>, vector<16xi32>,
    %add3A_122 = arith.constant 80 : i32
    %add3A_123 = arith.addi %mul3A_32, %add3A_122 : i32
    %add3A_124 = vector.broadcast %add3A_123 : i32 to vector<16xi32>
    %add3A_125 = arith.addi %add3A_124, %iota3A : vector<16xi32>
    %ge3A_126 = vector.broadcast %squeeze3A : i32 to vector<16xi32>
    %ge3A_127 = arith.cmpi sge, %add3A_125, %ge3A_126 : vector<16xi32>
    %jit3A_128 = arith.constant 1 : i32
    %jit3A_129 = arith.constant 0 : i32
    %broadcast_in_dim3A_130 = vector.broadcast %jit3A_128 : i32 to vector<16xi32>
    %broadcast_in_dim3A_131 = vector.broadcast %jit3A_129 : i32 to vector<16xi32>
    %select_n3A_132 = arith.select %ge3A_127, %broadcast_in_dim3A_130, %broadcast_in_dim3A_131 : vector<16xi1>, vector<16xi32>
    %swap3A_133 = arith.constant 80 : index
    %swap3A_134 = tpu.vector_load %arg8[%swap3A_133] {strides = array<i32>} : memref<2048xi32, #tpu.memory_space<vmem>>, vector<16xi32>,
    %swap3A_135 = vector.shape_cast %swap3A_134 : vector<16xi32> to vector<16xi32>
    %swap3A_136 = vector.shape_cast %select_n3A_132 : vector<16xi32> to vector<16xi32>
    tpu.vector_store %arg8[%swap3A_133], %swap3A_136 {strides = array<i32>} : memref<2048xi32, #tpu.memory_space<vmem>>, vector<16xi32>,
    %add3A_137 = arith.constant 96 : i32
    %add3A_138 = arith.addi %mul3A_32, %add3A_137 : i32
    %add3A_139 = vector.broadcast %add3A_138 : i32 to vector<16xi32>
    %add3A_140 = arith.addi %add3A_139, %iota3A : vector<16xi32>
    %ge3A_141 = vector.broadcast %squeeze3A : i32 to vector<16xi32>
    %ge3A_142 = arith.cmpi sge, %add3A_140, %ge3A_141 : vector<16xi32>
    %jit3A_143 = arith.constant 1 : i32
    %jit3A_144 = arith.constant 0 : i32
    %broadcast_in_dim3A_145 = vector.broadcast %jit3A_143 : i32 to vector<16xi32>
    %broadcast_in_dim3A_146 = vector.broadcast %jit3A_144 : i32 to vector<16xi32>
    %select_n3A_147 = arith.select %ge3A_142, %broadcast_in_dim3A_145, %broadcast_in_dim3A_146 : vector<16xi1>, vector<16xi32>
    %swap3A_148 = arith.constant 96 : index
    %swap3A_149 = tpu.vector_load %arg8[%swap3A_148] {strides = array<i32>} : memref<2048xi32, #tpu.memory_space<vmem>>, vector<16xi32>,
    %swap3A_150 = vector.shape_cast %swap3A_149 : vector<16xi32> to vector<16xi32>
    %swap3A_151 = vector.shape_cast %select_n3A_147 : vector<16xi32> to vector<16xi32>
    tpu.vector_store %arg8[%swap3A_148], %swap3A_151 {strides = array<i32>} : memref<2048xi32, #tpu.memory_space<vmem>>, vector<16xi32>,
    %add3A_152 = arith.constant 112 : i32
    %add3A_153 = arith.addi %mul3A_32, %add3A_152 : i32
    %add3A_154 = vector.broadcast %add3A_153 : i32 to vector<16xi32>
    %add3A_155 = arith.addi %add3A_154, %iota3A : vector<16xi32>
    %ge3A_156 = vector.broadcast %squeeze3A : i32 to vector<16xi32>
    %ge3A_157 = arith.cmpi sge, %add3A_155, %ge3A_156 : vector<16xi32>
    %jit3A_158 = arith.constant 1 : i32
    %jit3A_159 = arith.constant 0 : i32
    %broadcast_in_dim3A_160 = vector.broadcast %jit3A_158 : i32 to vector<16xi32>
    %broadcast_in_dim3A_161 = vector.broadcast %jit3A_159 : i32 to vector<16xi32>
    %select_n3A_162 = arith.select %ge3A_157, %broadcast_in_dim3A_160, %broadcast_in_dim3A_161 : vector<16xi1>, vector<16xi32>
    %swap3A_163 = arith.constant 112 : index
    %swap3A_164 = tpu.vector_load %arg8[%swap3A_163] {strides = array<i32>} : memref<2048xi32, #tpu.memory_space<vmem>>, vector<16xi32>,
    %swap3A_165 = vector.shape_cast %swap3A_164 : vector<16xi32> to vector<16xi32>
    %swap3A_166 = vector.shape_cast %select_n3A_162 : vector<16xi32> to vector<16xi32>
    tpu.vector_store %arg8[%swap3A_163], %swap3A_166 {strides = array<i32>} : memref<2048xi32, #tpu.memory_space<vmem>>, vector<16xi32>,
    %add3A_167 = arith.constant 128 : i32
    %add3A_168 = arith.addi %mul3A_32, %add3A_167 : i32
    %add3A_169 = vector.broadcast %add3A_168 : i32 to vector<16xi32>
    %add3A_170 = arith.addi %add3A_169, %iota3A : vector<16xi32>
    %ge3A_171 = vector.broadcast %squeeze3A : i32 to vector<16xi32>
    %ge3A_172 = arith.cmpi sge, %add3A_170, %ge3A_171 : vector<16xi32>
    %jit3A_173 = arith.constant 1 : i32
    %jit3A_174 = arith.constant 0 : i32
    %broadcast_in_dim3A_175 = vector.broadcast %jit3A_173 : i32 to vector<16xi32>
    %broadcast_in_dim3A_176 = vector.broadcast %jit3A_174 : i32 to vector<16xi32>
    %select_n3A_177 = arith.select %ge3A_172, %broadcast_in_dim3A_175, %broadcast_in_dim3A_176 : vector<16xi1>, vector<16xi32>
    %swap3A_178 = arith.constant 128 : index
    %swap3A_179 = tpu.vector_load %arg8[%swap3A_178] {strides = array<i32>} : memref<2048xi32, #tpu.memory_space<vmem>>, vector<16xi32>,
    %swap3A_180 = vector.shape_cast %swap3A_179 : vector<16xi32> to vector<16xi32>
    %swap3A_181 = vector.shape_cast %select_n3A_177 : vector<16xi32> to vector<16xi32>
    tpu.vector_store %arg8[%swap3A_178], %swap3A_181 {strides = array<i32>} : memref<2048xi32, #tpu.memory_space<vmem>>, vector<16xi32>,
    %add3A_182 = arith.constant 144 : i32
    %add3A_183 = arith.addi %mul3A_32, %add3A_182 : i32
    %add3A_184 = vector.broadcast %add3A_183 : i32 to vector<16xi32>
    %add3A_185 = arith.addi %add3A_184, %iota3A : vector<16xi32>
    %ge3A_186 = vector.broadcast %squeeze3A : i32 to vector<16xi32>
    %ge3A_187 = arith.cmpi sge, %add3A_185, %ge3A_186 : vector<16xi32>
    %jit3A_188 = arith.constant 1 : i32
    %jit3A_189 = arith.constant 0 : i32
    %broadcast_in_dim3A_190 = vector.broadcast %jit3A_188 : i32 to vector<16xi32>
    %broadcast_in_dim3A_191 = vector.broadcast %jit3A_189 : i32 to vector<16xi32>
    %select_n3A_192 = arith.select %ge3A_187, %broadcast_in_dim3A_190, %broadcast_in_dim3A_191 : vector<16xi1>, vector<16xi32>
    %swap3A_193 = arith.constant 144 : index
    %swap3A_194 = tpu.vector_load %arg8[%swap3A_193] {strides = array<i32>} : memref<2048xi32, #tpu.memory_space<vmem>>, vector<16xi32>,
    %swap3A_195 = vector.shape_cast %swap3A_194 : vector<16xi32> to vector<16xi32>
    %swap3A_196 = vector.shape_cast %select_n3A_192 : vector<16xi32> to vector<16xi32>
    tpu.vector_store %arg8[%swap3A_193], %swap3A_196 {strides = array<i32>} : memref<2048xi32, #tpu.memory_space<vmem>>, vector<16xi32>,
    %add3A_197 = arith.constant 160 : i32
    %add3A_198 = arith.addi %mul3A_32, %add3A_197 : i32
    %add3A_199 = vector.broadcast %add3A_198 : i32 to vector<16xi32>
    %add3A_200 = arith.addi %add3A_199, %iota3A : vector<16xi32>
    %ge3A_201 = vector.broadcast %squeeze3A : i32 to vector<16xi32>
    %ge3A_202 = arith.cmpi sge, %add3A_200, %ge3A_201 : vector<16xi32>
    %jit3A_203 = arith.constant 1 : i32
    %jit3A_204 = arith.constant 0 : i32
    %broadcast_in_dim3A_205 = vector.broadcast %jit3A_203 : i32 to vector<16xi32>
    %broadcast_in_dim3A_206 = vector.broadcast %jit3A_204 : i32 to vector<16xi32>
    %select_n3A_207 = arith.select %ge3A_202, %broadcast_in_dim3A_205, %broadcast_in_dim3A_206 : vector<16xi1>, vector<16xi32>
    %swap3A_208 = arith.constant 160 : index
    %swap3A_209 = tpu.vector_load %arg8[%swap3A_208] {strides = array<i32>} : memref<2048xi32, #tpu.memory_space<vmem>>, vector<16xi32>,
    %swap3A_210 = vector.shape_cast %swap3A_209 : vector<16xi32> to vector<16xi32>
    %swap3A_211 = vector.shape_cast %select_n3A_207 : vector<16xi32> to vector<16xi32>
    tpu.vector_store %arg8[%swap3A_208], %swap3A_211 {strides = array<i32>} : memref<2048xi32, #tpu.memory_space<vmem>>, vector<16xi32>,
    %add3A_212 = arith.constant 176 : i32
    %add3A_213 = arith.addi %mul3A_32, %add3A_212 : i32
    %add3A_214 = vector.broadcast %add3A_213 : i32 to vector<16xi32>
    %add3A_215 = arith.addi %add3A_214, %iota3A : vector<16xi32>
    %ge3A_216 = vector.broadcast %squeeze3A : i32 to vector<16xi32>
    %ge3A_217 = arith.cmpi sge, %add3A_215, %ge3A_216 : vector<16xi32>
    %jit3A_218 = arith.constant 1 : i32
    %jit3A_219 = arith.constant 0 : i32
    %broadcast_in_dim3A_220 = vector.broadcast %jit3A_218 : i32 to vector<16xi32>
    %broadcast_in_dim3A_221 = vector.broadcast %jit3A_219 : i32 to vector<16xi32>
    %select_n3A_222 = arith.select %ge3A_217, %broadcast_in_dim3A_220, %broadcast_in_dim3A_221 : vector<16xi1>, vector<16xi32>
    %swap3A_223 = arith.constant 176 : index
    %swap3A_224 = tpu.vector_load %arg8[%swap3A_223] {strides = array<i32>} : memref<2048xi32, #tpu.memory_space<vmem>>, vector<16xi32>,
    %swap3A_225 = vector.shape_cast %swap3A_224 : vector<16xi32> to vector<16xi32>
    %swap3A_226 = vector.shape_cast %select_n3A_222 : vector<16xi32> to vector<16xi32>
    tpu.vector_store %arg8[%swap3A_223], %swap3A_226 {strides = array<i32>} : memref<2048xi32, #tpu.memory_space<vmem>>, vector<16xi32>,
    %add3A_227 = arith.constant 192 : i32
    %add3A_228 = arith.addi %mul3A_32, %add3A_227 : i32
    %add3A_229 = vector.broadcast %add3A_228 : i32 to vector<16xi32>
    %add3A_230 = arith.addi %add3A_229, %iota3A : vector<16xi32>
    %ge3A_231 = vector.broadcast %squeeze3A : i32 to vector<16xi32>
    %ge3A_232 = arith.cmpi sge, %add3A_230, %ge3A_231 : vector<16xi32>
    %jit3A_233 = arith.constant 1 : i32
    %jit3A_234 = arith.constant 0 : i32
    %broadcast_in_dim3A_235 = vector.broadcast %jit3A_233 : i32 to vector<16xi32>
    %broadcast_in_dim3A_236 = vector.broadcast %jit3A_234 : i32 to vector<16xi32>
    %select_n3A_237 = arith.select %ge3A_232, %broadcast_in_dim3A_235, %broadcast_in_dim3A_236 : vector<16xi1>, vector<16xi32>
    %swap3A_238 = arith.constant 192 : index
    %swap3A_239 = tpu.vector_load %arg8[%swap3A_238] {strides = array<i32>} : memref<2048xi32, #tpu.memory_space<vmem>>, vector<16xi32>,
    %swap3A_240 = vector.shape_cast %swap3A_239 : vector<16xi32> to vector<16xi32>
    %swap3A_241 = vector.shape_cast %select_n3A_237 : vector<16xi32> to vector<16xi32>
    tpu.vector_store %arg8[%swap3A_238], %swap3A_241 {strides = array<i32>} : memref<2048xi32, #tpu.memory_space<vmem>>, vector<16xi32>,
    %add3A_242 = arith.constant 208 : i32
    %add3A_243 = arith.addi %mul3A_32, %add3A_242 : i32
    %add3A_244 = vector.broadcast %add3A_243 : i32 to vector<16xi32>
    %add3A_245 = arith.addi %add3A_244, %iota3A : vector<16xi32>
    %ge3A_246 = vector.broadcast %squeeze3A : i32 to vector<16xi32>
    %ge3A_247 = arith.cmpi sge, %add3A_245, %ge3A_246 : vector<16xi32>
    %jit3A_248 = arith.constant 1 : i32
    %jit3A_249 = arith.constant 0 : i32
    %broadcast_in_dim3A_250 = vector.broadcast %jit3A_248 : i32 to vector<16xi32>
    %broadcast_in_dim3A_251 = vector.broadcast %jit3A_249 : i32 to vector<16xi32>
    %select_n3A_252 = arith.select %ge3A_247, %broadcast_in_dim3A_250, %broadcast_in_dim3A_251 : vector<16xi1>, vector<16xi32>
    %swap3A_253 = arith.constant 208 : index
    %swap3A_254 = tpu.vector_load %arg8[%swap3A_253] {strides = array<i32>} : memref<2048xi32, #tpu.memory_space<vmem>>, vector<16xi32>,
    %swap3A_255 = vector.shape_cast %swap3A_254 : vector<16xi32> to vector<16xi32>
    %swap3A_256 = vector.shape_cast %select_n3A_252 : vector<16xi32> to vector<16xi32>
    tpu.vector_store %arg8[%swap3A_253], %swap3A_256 {strides = array<i32>} : memref<2048xi32, #tpu.memory_space<vmem>>, vector<16xi32>,
    %add3A_257 = arith.constant 224 : i32
    %add3A_258 = arith.addi %mul3A_32, %add3A_257 : i32
    %add3A_259 = vector.broadcast %add3A_258 : i32 to vector<16xi32>
    %add3A_260 = arith.addi %add3A_259, %iota3A : vector<16xi32>
    %ge3A_261 = vector.broadcast %squeeze3A : i32 to vector<16xi32>
    %ge3A_262 = arith.cmpi sge, %add3A_260, %ge3A_261 : vector<16xi32>
    %jit3A_263 = arith.constant 1 : i32
    %jit3A_264 = arith.constant 0 : i32
    %broadcast_in_dim3A_265 = vector.broadcast %jit3A_263 : i32 to vector<16xi32>
    %broadcast_in_dim3A_266 = vector.broadcast %jit3A_264 : i32 to vector<16xi32>
    %select_n3A_267 = arith.select %ge3A_262, %broadcast_in_dim3A_265, %broadcast_in_dim3A_266 : vector<16xi1>, vector<16xi32>
    %swap3A_268 = arith.constant 224 : index
    %swap3A_269 = tpu.vector_load %arg8[%swap3A_268] {strides = array<i32>} : memref<2048xi32, #tpu.memory_space<vmem>>, vector<16xi32>,
    %swap3A_270 = vector.shape_cast %swap3A_269 : vector<16xi32> to vector<16xi32>
    %swap3A_271 = vector.shape_cast %select_n3A_267 : vector<16xi32> to vector<16xi32>
    tpu.vector_store %arg8[%swap3A_268], %swap3A_271 {strides = array<i32>} : memref<2048xi32, #tpu.memory_space<vmem>>, vector<16xi32>,
    %add3A_272 = arith.constant 240 : i32
    %add3A_273 = arith.addi %mul3A_32, %add3A_272 : i32
    %add3A_274 = vector.broadcast %add3A_273 : i32 to vector<16xi32>
    %add3A_275 = arith.addi %add3A_274, %iota3A : vector<16xi32>
    %ge3A_276 = vector.broadcast %squeeze3A : i32 to vector<16xi32>
    %ge3A_277 = arith.cmpi sge, %add3A_275, %ge3A_276 : vector<16xi32>
    %jit3A_278 = arith.constant 1 : i32
    %jit3A_279 = arith.constant 0 : i32
    %broadcast_in_dim3A_280 = vector.broadcast %jit3A_278 : i32 to vector<16xi32>
    %broadcast_in_dim3A_281 = vector.broadcast %jit3A_279 : i32 to vector<16xi32>
    %select_n3A_282 = arith.select %ge3A_277, %broadcast_in_dim3A_280, %broadcast_in_dim3A_281 : vector<16xi1>, vector<16xi32>
    %swap3A_283 = arith.constant 240 : index
    %swap3A_284 = tpu.vector_load %arg8[%swap3A_283] {strides = array<i32>} : memref<2048xi32, #tpu.memory_space<vmem>>, vector<16xi32>,
    %swap3A_285 = vector.shape_cast %swap3A_284 : vector<16xi32> to vector<16xi32>
    %swap3A_286 = vector.shape_cast %select_n3A_282 : vector<16xi32> to vector<16xi32>
    tpu.vector_store %arg8[%swap3A_283], %swap3A_286 {strides = array<i32>} : memref<2048xi32, #tpu.memory_space<vmem>>, vector<16xi32>,
    %add3A_287 = arith.constant 256 : i32
    %add3A_288 = arith.addi %mul3A_32, %add3A_287 : i32
    %add3A_289 = vector.broadcast %add3A_288 : i32 to vector<16xi32>
    %add3A_290 = arith.addi %add3A_289, %iota3A : vector<16xi32>
    %ge3A_291 = vector.broadcast %squeeze3A : i32 to vector<16xi32>
    %ge3A_292 = arith.cmpi sge, %add3A_290, %ge3A_291 : vector<16xi32>
    %jit3A_293 = arith.constant 1 : i32
    %jit3A_294 = arith.constant 0 : i32
    %broadcast_in_dim3A_295 = vector.broadcast %jit3A_293 : i32 to vector<16xi32>
    %broadcast_in_dim3A_296 = vector.broadcast %jit3A_294 : i32 to vector<16xi32>
    %select_n3A_297 = arith.select %ge3A_292, %broadcast_in_dim3A_295, %broadcast_in_dim3A_296 : vector<16xi1>, vector<16xi32>
    %swap3A_298 = arith.constant 256 : index
    %swap3A_299 = tpu.vector_load %arg8[%swap3A_298] {strides = array<i32>} : memref<2048xi32, #tpu.memory_space<vmem>>, vector<16xi32>,
    %swap3A_300 = vector.shape_cast %swap3A_299 : vector<16xi32> to vector<16xi32>
    %swap3A_301 = vector.shape_cast %select_n3A_297 : vector<16xi32> to vector<16xi32>
    tpu.vector_store %arg8[%swap3A_298], %swap3A_301 {strides = array<i32>} : memref<2048xi32, #tpu.memory_space<vmem>>, vector<16xi32>,
    %add3A_302 = arith.constant 272 : i32
    %add3A_303 = arith.addi %mul3A_32, %add3A_302 : i32
    %add3A_304 = vector.broadcast %add3A_303 : i32 to vector<16xi32>
    %add3A_305 = arith.addi %add3A_304, %iota3A : vector<16xi32>
    %ge3A_306 = vector.broadcast %squeeze3A : i32 to vector<16xi32>
    %ge3A_307 = arith.cmpi sge, %add3A_305, %ge3A_306 : vector<16xi32>
    %jit3A_308 = arith.constant 1 : i32
    %jit3A_309 = arith.constant 0 : i32
    %broadcast_in_dim3A_310 = vector.broadcast %jit3A_308 : i32 to vector<16xi32>
    %broadcast_in_dim3A_311 = vector.broadcast %jit3A_309 : i32 to vector<16xi32>
    %select_n3A_312 = arith.select %ge3A_307, %broadcast_in_dim3A_310, %broadcast_in_dim3A_311 : vector<16xi1>, vector<16xi32>
    %swap3A_313 = arith.constant 272 : index
    %swap3A_314 = tpu.vector_load %arg8[%swap3A_313] {strides = array<i32>} : memref<2048xi32, #tpu.memory_space<vmem>>, vector<16xi32>,
    %swap3A_315 = vector.shape_cast %swap3A_314 : vector<16xi32> to vector<16xi32>
    %swap3A_316 = vector.shape_cast %select_n3A_312 : vector<16xi32> to vector<16xi32>
    tpu.vector_store %arg8[%swap3A_313], %swap3A_316 {strides = array<i32>} : memref<2048xi32, #tpu.memory_space<vmem>>, vector<16xi32>,
    %add3A_317 = arith.constant 288 : i32
    %add3A_318 = arith.addi %mul3A_32, %add3A_317 : i32
    %add3A_319 = vector.broadcast %add3A_318 : i32 to vector<16xi32>
    %add3A_320 = arith.addi %add3A_319, %iota3A : vector<16xi32>
    %ge3A_321 = vector.broadcast %squeeze3A : i32 to vector<16xi32>
    %ge3A_322 = arith.cmpi sge, %add3A_320, %ge3A_321 : vector<16xi32>
    %jit3A_323 = arith.constant 1 : i32
    %jit3A_324 = arith.constant 0 : i32
    %broadcast_in_dim3A_325 = vector.broadcast %jit3A_323 : i32 to vector<16xi32>
    %broadcast_in_dim3A_326 = vector.broadcast %jit3A_324 : i32 to vector<16xi32>
    %select_n3A_327 = arith.select %ge3A_322, %broadcast_in_dim3A_325, %broadcast_in_dim3A_326 : vector<16xi1>, vector<16xi32>
    %swap3A_328 = arith.constant 288 : index
    %swap3A_329 = tpu.vector_load %arg8[%swap3A_328] {strides = array<i32>} : memref<2048xi32, #tpu.memory_space<vmem>>, vector<16xi32>,
    %swap3A_330 = vector.shape_cast %swap3A_329 : vector<16xi32> to vector<16xi32>
    %swap3A_331 = vector.shape_cast %select_n3A_327 : vector<16xi32> to vector<16xi32>
    tpu.vector_store %arg8[%swap3A_328], %swap3A_331 {strides = array<i32>} : memref<2048xi32, #tpu.memory_space<vmem>>, vector<16xi32>,
    %add3A_332 = arith.constant 304 : i32
    %add3A_333 = arith.addi %mul3A_32, %add3A_332 : i32
    %add3A_334 = vector.broadcast %add3A_333 : i32 to vector<16xi32>
    %add3A_335 = arith.addi %add3A_334, %iota3A : vector<16xi32>
    %ge3A_336 = vector.broadcast %squeeze3A : i32 to vector<16xi32>
    %ge3A_337 = arith.cmpi sge, %add3A_335, %ge3A_336 : vector<16xi32>
    %jit3A_338 = arith.constant 1 : i32
    %jit3A_339 = arith.constant 0 : i32
    %broadcast_in_dim3A_340 = vector.broadcast %jit3A_338 : i32 to vector<16xi32>
    %broadcast_in_dim3A_341 = vector.broadcast %jit3A_339 : i32 to vector<16xi32>
    %select_n3A_342 = arith.select %ge3A_337, %broadcast_in_dim3A_340, %broadcast_in_dim3A_341 : vector<16xi1>, vector<16xi32>
    %swap3A_343 = arith.constant 304 : index
    %swap3A_344 = tpu.vector_load %arg8[%swap3A_343] {strides = array<i32>} : memref<2048xi32, #tpu.memory_space<vmem>>, vector<16xi32>,
    %swap3A_345 = vector.shape_cast %swap3A_344 : vector<16xi32> to vector<16xi32>
    %swap3A_346 = vector.shape_cast %select_n3A_342 : vector<16xi32> to vector<16xi32>
    tpu.vector_store %arg8[%swap3A_343], %swap3A_346 {strides = array<i32>} : memref<2048xi32, #tpu.memory_space<vmem>>, vector<16xi32>,
    %add3A_347 = arith.constant 320 : i32
    %add3A_348 = arith.addi %mul3A_32, %add3A_347 : i32
    %add3A_349 = vector.broadcast %add3A_348 : i32 to vector<16xi32>
    %add3A_350 = arith.addi %add3A_349, %iota3A : vector<16xi32>
    %ge3A_351 = vector.broadcast %squeeze3A : i32 to vector<16xi32>
    %ge3A_352 = arith.cmpi sge, %add3A_350, %ge3A_351 : vector<16xi32>
    %jit3A_353 = arith.constant 1 : i32
    %jit3A_354 = arith.constant 0 : i32
    %broadcast_in_dim3A_355 = vector.broadcast %jit3A_353 : i32 to vector<16xi32>
    %broadcast_in_dim3A_356 = vector.broadcast %jit3A_354 : i32 to vector<16xi32>
    %select_n3A_357 = arith.select %ge3A_352, %broadcast_in_dim3A_355, %broadcast_in_dim3A_356 : vector<16xi1>, vector<16xi32>
    %swap3A_358 = arith.constant 320 : index
    %swap3A_359 = tpu.vector_load %arg8[%swap3A_358] {strides = array<i32>} : memref<2048xi32, #tpu.memory_space<vmem>>, vector<16xi32>,
    %swap3A_360 = vector.shape_cast %swap3A_359 : vector<16xi32> to vector<16xi32>
    %swap3A_361 = vector.shape_cast %select_n3A_357 : vector<16xi32> to vector<16xi32>
    tpu.vector_store %arg8[%swap3A_358], %swap3A_361 {strides = array<i32>} : memref<2048xi32, #tpu.memory_space<vmem>>, vector<16xi32>,
    %add3A_362 = arith.constant 336 : i32
    %add3A_363 = arith.addi %mul3A_32, %add3A_362 : i32
    %add3A_364 = vector.broadcast %add3A_363 : i32 to vector<16xi32>
    %add3A_365 = arith.addi %add3A_364, %iota3A : vector<16xi32>
    %ge3A_366 = vector.broadcast %squeeze3A : i32 to vector<16xi32>
    %ge3A_367 = arith.cmpi sge, %add3A_365, %ge3A_366 : vector<16xi32>
    %jit3A_368 = arith.constant 1 : i32
    %jit3A_369 = arith.constant 0 : i32
    %broadcast_in_dim3A_370 = vector.broadcast %jit3A_368 : i32 to vector<16xi32>
    %broadcast_in_dim3A_371 = vector.broadcast %jit3A_369 : i32 to vector<16xi32>
    %select_n3A_372 = arith.select %ge3A_367, %broadcast_in_dim3A_370, %broadcast_in_dim3A_371 : vector<16xi1>, vector<16xi32>
    %swap3A_373 = arith.constant 336 : index
    %swap3A_374 = tpu.vector_load %arg8[%swap3A_373] {strides = array<i32>} : memref<2048xi32, #tpu.memory_space<vmem>>, vector<16xi32>,
    %swap3A_375 = vector.shape_cast %swap3A_374 : vector<16xi32> to vector<16xi32>
    %swap3A_376 = vector.shape_cast %select_n3A_372 : vector<16xi32> to vector<16xi32>
    tpu.vector_store %arg8[%swap3A_373], %swap3A_376 {strides = array<i32>} : memref<2048xi32, #tpu.memory_space<vmem>>, vector<16xi32>,
    %add3A_377 = arith.constant 352 : i32
    %add3A_378 = arith.addi %mul3A_32, %add3A_377 : i32
    %add3A_379 = vector.broadcast %add3A_378 : i32 to vector<16xi32>
    %add3A_380 = arith.addi %add3A_379, %iota3A : vector<16xi32>
    %ge3A_381 = vector.broadcast %squeeze3A : i32 to vector<16xi32>
    %ge3A_382 = arith.cmpi sge, %add3A_380, %ge3A_381 : vector<16xi32>
    %jit3A_383 = arith.constant 1 : i32
    %jit3A_384 = arith.constant 0 : i32
    %broadcast_in_dim3A_385 = vector.broadcast %jit3A_383 : i32 to vector<16xi32>
    %broadcast_in_dim3A_386 = vector.broadcast %jit3A_384 : i32 to vector<16xi32>
    %select_n3A_387 = arith.select %ge3A_382, %broadcast_in_dim3A_385, %broadcast_in_dim3A_386 : vector<16xi1>, vector<16xi32>
    %swap3A_388 = arith.constant 352 : index
    %swap3A_389 = tpu.vector_load %arg8[%swap3A_388] {strides = array<i32>} : memref<2048xi32, #tpu.memory_space<vmem>>, vector<16xi32>,
    %swap3A_390 = vector.shape_cast %swap3A_389 : vector<16xi32> to vector<16xi32>
    %swap3A_391 = vector.shape_cast %select_n3A_387 : vector<16xi32> to vector<16xi32>
    tpu.vector_store %arg8[%swap3A_388], %swap3A_391 {strides = array<i32>} : memref<2048xi32, #tpu.memory_space<vmem>>, vector<16xi32>,
    %add3A_392 = arith.constant 368 : i32
    %add3A_393 = arith.addi %mul3A_32, %add3A_392 : i32
    %add3A_394 = vector.broadcast %add3A_393 : i32 to vector<16xi32>
    %add3A_395 = arith.addi %add3A_394, %iota3A : vector<16xi32>
    %ge3A_396 = vector.broadcast %squeeze3A : i32 to vector<16xi32>
    %ge3A_397 = arith.cmpi sge, %add3A_395, %ge3A_396 : vector<16xi32>
    %jit3A_398 = arith.constant 1 : i32
    %jit3A_399 = arith.constant 0 : i32
    %broadcast_in_dim3A_400 = vector.broadcast %jit3A_398 : i32 to vector<16xi32>
    %broadcast_in_dim3A_401 = vector.broadcast %jit3A_399 : i32 to vector<16xi32>
    %select_n3A_402 = arith.select %ge3A_397, %broadcast_in_dim3A_400, %broadcast_in_dim3A_401 : vector<16xi1>, vector<16xi32>
    %swap3A_403 = arith.constant 368 : index
    %swap3A_404 = tpu.vector_load %arg8[%swap3A_403] {strides = array<i32>} : memref<2048xi32, #tpu.memory_space<vmem>>, vector<16xi32>,
    %swap3A_405 = vector.shape_cast %swap3A_404 : vector<16xi32> to vector<16xi32>
    %swap3A_406 = vector.shape_cast %select_n3A_402 : vector<16xi32> to vector<16xi32>
    tpu.vector_store %arg8[%swap3A_403], %swap3A_406 {strides = array<i32>} : memref<2048xi32, #tpu.memory_space<vmem>>, vector<16xi32>,
    %add3A_407 = arith.constant 384 : i32
    %add3A_408 = arith.addi %mul3A_32, %add3A_407 : i32
    %add3A_409 = vector.broadcast %add3A_408 : i32 to vector<16xi32>
    %add3A_410 = arith.addi %add3A_409, %iota3A : vector<16xi32>
    %ge3A_411 = vector.broadcast %squeeze3A : i32 to vector<16xi32>
    %ge3A_412 = arith.cmpi sge, %add3A_410, %ge3A_411 : vector<16xi32>
    %jit3A_413 = arith.constant 1 : i32
    %jit3A_414 = arith.constant 0 : i32
    %broadcast_in_dim3A_415 = vector.broadcast %jit3A_413 : i32 to vector<16xi32>
    %broadcast_in_dim3A_416 = vector.broadcast %jit3A_414 : i32 to vector<16xi32>
    %select_n3A_417 = arith.select %ge3A_412, %broadcast_in_dim3A_415, %broadcast_in_dim3A_416 : vector<16xi1>, vector<16xi32>
    %swap3A_418 = arith.constant 384 : index
    %swap3A_419 = tpu.vector_load %arg8[%swap3A_418] {strides = array<i32>} : memref<2048xi32, #tpu.memory_space<vmem>>, vector<16xi32>,
    %swap3A_420 = vector.shape_cast %swap3A_419 : vector<16xi32> to vector<16xi32>
    %swap3A_421 = vector.shape_cast %select_n3A_417 : vector<16xi32> to vector<16xi32>
    tpu.vector_store %arg8[%swap3A_418], %swap3A_421 {strides = array<i32>} : memref<2048xi32, #tpu.memory_space<vmem>>, vector<16xi32>,
    %add3A_422 = arith.constant 400 : i32
    %add3A_423 = arith.addi %mul3A_32, %add3A_422 : i32
    %add3A_424 = vector.broadcast %add3A_423 : i32 to vector<16xi32>
    %add3A_425 = arith.addi %add3A_424, %iota3A : vector<16xi32>
    %ge3A_426 = vector.broadcast %squeeze3A : i32 to vector<16xi32>
    %ge3A_427 = arith.cmpi sge, %add3A_425, %ge3A_426 : vector<16xi32>
    %jit3A_428 = arith.constant 1 : i32
    %jit3A_429 = arith.constant 0 : i32
    %broadcast_in_dim3A_430 = vector.broadcast %jit3A_428 : i32 to vector<16xi32>
    %broadcast_in_dim3A_431 = vector.broadcast %jit3A_429 : i32 to vector<16xi32>
    %select_n3A_432 = arith.select %ge3A_427, %broadcast_in_dim3A_430, %broadcast_in_dim3A_431 : vector<16xi1>, vector<16xi32>
    %swap3A_433 = arith.constant 400 : index
    %swap3A_434 = tpu.vector_load %arg8[%swap3A_433] {strides = array<i32>} : memref<2048xi32, #tpu.memory_space<vmem>>, vector<16xi32>,
    %swap3A_435 = vector.shape_cast %swap3A_434 : vector<16xi32> to vector<16xi32>
    %swap3A_436 = vector.shape_cast %select_n3A_432 : vector<16xi32> to vector<16xi32>
    tpu.vector_store %arg8[%swap3A_433], %swap3A_436 {strides = array<i32>} : memref<2048xi32, #tpu.memory_space<vmem>>, vector<16xi32>,
    %add3A_437 = arith.constant 416 : i32
    %add3A_438 = arith.addi %mul3A_32, %add3A_437 : i32
    %add3A_439 = vector.broadcast %add3A_438 : i32 to vector<16xi32>
    %add3A_440 = arith.addi %add3A_439, %iota3A : vector<16xi32>
    %ge3A_441 = vector.broadcast %squeeze3A : i32 to vector<16xi32>
    %ge3A_442 = arith.cmpi sge, %add3A_440, %ge3A_441 : vector<16xi32>
    %jit3A_443 = arith.constant 1 : i32
    %jit3A_444 = arith.constant 0 : i32
    %broadcast_in_dim3A_445 = vector.broadcast %jit3A_443 : i32 to vector<16xi32>
    %broadcast_in_dim3A_446 = vector.broadcast %jit3A_444 : i32 to vector<16xi32>
    %select_n3A_447 = arith.select %ge3A_442, %broadcast_in_dim3A_445, %broadcast_in_dim3A_446 : vector<16xi1>, vector<16xi32>
    %swap3A_448 = arith.constant 416 : index
    %swap3A_449 = tpu.vector_load %arg8[%swap3A_448] {strides = array<i32>} : memref<2048xi32, #tpu.memory_space<vmem>>, vector<16xi32>,
    %swap3A_450 = vector.shape_cast %swap3A_449 : vector<16xi32> to vector<16xi32>
    %swap3A_451 = vector.shape_cast %select_n3A_447 : vector<16xi32> to vector<16xi32>
    tpu.vector_store %arg8[%swap3A_448], %swap3A_451 {strides = array<i32>} : memref<2048xi32, #tpu.memory_space<vmem>>, vector<16xi32>,
    %add3A_452 = arith.constant 432 : i32
    %add3A_453 = arith.addi %mul3A_32, %add3A_452 : i32
    %add3A_454 = vector.broadcast %add3A_453 : i32 to vector<16xi32>
    %add3A_455 = arith.addi %add3A_454, %iota3A : vector<16xi32>
    %ge3A_456 = vector.broadcast %squeeze3A : i32 to vector<16xi32>
    %ge3A_457 = arith.cmpi sge, %add3A_455, %ge3A_456 : vector<16xi32>
    %jit3A_458 = arith.constant 1 : i32
    %jit3A_459 = arith.constant 0 : i32
    %broadcast_in_dim3A_460 = vector.broadcast %jit3A_458 : i32 to vector<16xi32>
    %broadcast_in_dim3A_461 = vector.broadcast %jit3A_459 : i32 to vector<16xi32>
    %select_n3A_462 = arith.select %ge3A_457, %broadcast_in_dim3A_460, %broadcast_in_dim3A_461 : vector<16xi1>, vector<16xi32>
    %swap3A_463 = arith.constant 432 : index
    %swap3A_464 = tpu.vector_load %arg8[%swap3A_463] {strides = array<i32>} : memref<2048xi32, #tpu.memory_space<vmem>>, vector<16xi32>,
    %swap3A_465 = vector.shape_cast %swap3A_464 : vector<16xi32> to vector<16xi32>
    %swap3A_466 = vector.shape_cast %select_n3A_462 : vector<16xi32> to vector<16xi32>
    tpu.vector_store %arg8[%swap3A_463], %swap3A_466 {strides = array<i32>} : memref<2048xi32, #tpu.memory_space<vmem>>, vector<16xi32>,
    %add3A_467 = arith.constant 448 : i32
    %add3A_468 = arith.addi %mul3A_32, %add3A_467 : i32
    %add3A_469 = vector.broadcast %add3A_468 : i32 to vector<16xi32>
    %add3A_470 = arith.addi %add3A_469, %iota3A : vector<16xi32>
    %ge3A_471 = vector.broadcast %squeeze3A : i32 to vector<16xi32>
    %ge3A_472 = arith.cmpi sge, %add3A_470, %ge3A_471 : vector<16xi32>
    %jit3A_473 = arith.constant 1 : i32
    %jit3A_474 = arith.constant 0 : i32
    %broadcast_in_dim3A_475 = vector.broadcast %jit3A_473 : i32 to vector<16xi32>
    %broadcast_in_dim3A_476 = vector.broadcast %jit3A_474 : i32 to vector<16xi32>
    %select_n3A_477 = arith.select %ge3A_472, %broadcast_in_dim3A_475, %broadcast_in_dim3A_476 : vector<16xi1>, vector<16xi32>
    %swap3A_478 = arith.constant 448 : index
    %swap3A_479 = tpu.vector_load %arg8[%swap3A_478] {strides = array<i32>} : memref<2048xi32, #tpu.memory_space<vmem>>, vector<16xi32>,
    %swap3A_480 = vector.shape_cast %swap3A_479 : vector<16xi32> to vector<16xi32>
    %swap3A_481 = vector.shape_cast %select_n3A_477 : vector<16xi32> to vector<16xi32>
    tpu.vector_store %arg8[%swap3A_478], %swap3A_481 {strides = array<i32>} : memref<2048xi32, #tpu.memory_space<vmem>>, vector<16xi32>,
    %add3A_482 = arith.constant 464 : i32
    %add3A_483 = arith.addi %mul3A_32, %add3A_482 : i32
    %add3A_484 = vector.broadcast %add3A_483 : i32 to vector<16xi32>
    %add3A_485 = arith.addi %add3A_484, %iota3A : vector<16xi32>
    %ge3A_486 = vector.broadcast %squeeze3A : i32 to vector<16xi32>
    %ge3A_487 = arith.cmpi sge, %add3A_485, %ge3A_486 : vector<16xi32>
    %jit3A_488 = arith.constant 1 : i32
    %jit3A_489 = arith.constant 0 : i32
    %broadcast_in_dim3A_490 = vector.broadcast %jit3A_488 : i32 to vector<16xi32>
    %broadcast_in_dim3A_491 = vector.broadcast %jit3A_489 : i32 to vector<16xi32>
    %select_n3A_492 = arith.select %ge3A_487, %broadcast_in_dim3A_490, %broadcast_in_dim3A_491 : vector<16xi1>, vector<16xi32>
    %swap3A_493 = arith.constant 464 : index
    %swap3A_494 = tpu.vector_load %arg8[%swap3A_493] {strides = array<i32>} : memref<2048xi32, #tpu.memory_space<vmem>>, vector<16xi32>,
    %swap3A_495 = vector.shape_cast %swap3A_494 : vector<16xi32> to vector<16xi32>
    %swap3A_496 = vector.shape_cast %select_n3A_492 : vector<16xi32> to vector<16xi32>
    tpu.vector_store %arg8[%swap3A_493], %swap3A_496 {strides = array<i32>} : memref<2048xi32, #tpu.memory_space<vmem>>, vector<16xi32>,
    %add3A_497 = arith.constant 480 : i32
    %add3A_498 = arith.addi %mul3A_32, %add3A_497 : i32
    %add3A_499 = vector.broadcast %add3A_498 : i32 to vector<16xi32>
    %add3A_500 = arith.addi %add3A_499, %iota3A : vector<16xi32>
    %ge3A_501 = vector.broadcast %squeeze3A : i32 to vector<16xi32>
    %ge3A_502 = arith.cmpi sge, %add3A_500, %ge3A_501 : vector<16xi32>
    %jit3A_503 = arith.constant 1 : i32
    %jit3A_504 = arith.constant 0 : i32
    %broadcast_in_dim3A_505 = vector.broadcast %jit3A_503 : i32 to vector<16xi32>
    %broadcast_in_dim3A_506 = vector.broadcast %jit3A_504 : i32 to vector<16xi32>
    %select_n3A_507 = arith.select %ge3A_502, %broadcast_in_dim3A_505, %broadcast_in_dim3A_506 : vector<16xi1>, vector<16xi32>
    %swap3A_508 = arith.constant 480 : index
    %swap3A_509 = tpu.vector_load %arg8[%swap3A_508] {strides = array<i32>} : memref<2048xi32, #tpu.memory_space<vmem>>, vector<16xi32>,
    %swap3A_510 = vector.shape_cast %swap3A_509 : vector<16xi32> to vector<16xi32>
    %swap3A_511 = vector.shape_cast %select_n3A_507 : vector<16xi32> to vector<16xi32>
    tpu.vector_store %arg8[%swap3A_508], %swap3A_511 {strides = array<i32>} : memref<2048xi32, #tpu.memory_space<vmem>>, vector<16xi32>,
    %add3A_512 = arith.constant 496 : i32
    %add3A_513 = arith.addi %mul3A_32, %add3A_512 : i32
    %add3A_514 = vector.broadcast %add3A_513 : i32 to vector<16xi32>
    %add3A_515 = arith.addi %add3A_514, %iota3A : vector<16xi32>
    %ge3A_516 = vector.broadcast %squeeze3A : i32 to vector<16xi32>
    %ge3A_517 = arith.cmpi sge, %add3A_515, %ge3A_516 : vector<16xi32>
    %jit3A_518 = arith.constant 1 : i32
    %jit3A_519 = arith.constant 0 : i32
    %broadcast_in_dim3A_520 = vector.broadcast %jit3A_518 : i32 to vector<16xi32>
    %broadcast_in_dim3A_521 = vector.broadcast %jit3A_519 : i32 to vector<16xi32>
    %select_n3A_522 = arith.select %ge3A_517, %broadcast_in_dim3A_520, %broadcast_in_dim3A_521 : vector<16xi1>, vector<16xi32>
    %swap3A_523 = arith.constant 496 : index
    %swap3A_524 = tpu.vector_load %arg8[%swap3A_523] {strides = array<i32>} : memref<2048xi32, #tpu.memory_space<vmem>>, vector<16xi32>,
    %swap3A_525 = vector.shape_cast %swap3A_524 : vector<16xi32> to vector<16xi32>
    %swap3A_526 = vector.shape_cast %select_n3A_522 : vector<16xi32> to vector<16xi32>
    tpu.vector_store %arg8[%swap3A_523], %swap3A_526 {strides = array<i32>} : memref<2048xi32, #tpu.memory_space<vmem>>, vector<16xi32>,
    %add3A_527 = arith.constant 512 : i32
    %add3A_528 = arith.addi %mul3A_32, %add3A_527 : i32
    %add3A_529 = vector.broadcast %add3A_528 : i32 to vector<16xi32>
    %add3A_530 = arith.addi %add3A_529, %iota3A : vector<16xi32>
    %ge3A_531 = vector.broadcast %squeeze3A : i32 to vector<16xi32>
    %ge3A_532 = arith.cmpi sge, %add3A_530, %ge3A_531 : vector<16xi32>
    %jit3A_533 = arith.constant 1 : i32
    %jit3A_534 = arith.constant 0 : i32
    %broadcast_in_dim3A_535 = vector.broadcast %jit3A_533 : i32 to vector<16xi32>
    %broadcast_in_dim3A_536 = vector.broadcast %jit3A_534 : i32 to vector<16xi32>
    %select_n3A_537 = arith.select %ge3A_532, %broadcast_in_dim3A_535, %broadcast_in_dim3A_536 : vector<16xi1>, vector<16xi32>
    %swap3A_538 = arith.constant 512 : index
    %swap3A_539 = tpu.vector_load %arg8[%swap3A_538] {strides = array<i32>} : memref<2048xi32, #tpu.memory_space<vmem>>, vector<16xi32>,
    %swap3A_540 = vector.shape_cast %swap3A_539 : vector<16xi32> to vector<16xi32>
    %swap3A_541 = vector.shape_cast %select_n3A_537 : vector<16xi32> to vector<16xi32>
    tpu.vector_store %arg8[%swap3A_538], %swap3A_541 {strides = array<i32>} : memref<2048xi32, #tpu.memory_space<vmem>>, vector<16xi32>,
    %add3A_542 = arith.constant 528 : i32
    %add3A_543 = arith.addi %mul3A_32, %add3A_542 : i32
    %add3A_544 = vector.broadcast %add3A_543 : i32 to vector<16xi32>
    %add3A_545 = arith.addi %add3A_544, %iota3A : vector<16xi32>
    %ge3A_546 = vector.broadcast %squeeze3A : i32 to vector<16xi32>
    %ge3A_547 = arith.cmpi sge, %add3A_545, %ge3A_546 : vector<16xi32>
    %jit3A_548 = arith.constant 1 : i32
    %jit3A_549 = arith.constant 0 : i32
    %broadcast_in_dim3A_550 = vector.broadcast %jit3A_548 : i32 to vector<16xi32>
    %broadcast_in_dim3A_551 = vector.broadcast %jit3A_549 : i32 to vector<16xi32>
    %select_n3A_552 = arith.select %ge3A_547, %broadcast_in_dim3A_550, %broadcast_in_dim3A_551 : vector<16xi1>, vector<16xi32>
    %swap3A_553 = arith.constant 528 : index
    %swap3A_554 = tpu.vector_load %arg8[%swap3A_553] {strides = array<i32>} : memref<2048xi32, #tpu.memory_space<vmem>>, vector<16xi32>,
    %swap3A_555 = vector.shape_cast %swap3A_554 : vector<16xi32> to vector<16xi32>
    %swap3A_556 = vector.shape_cast %select_n3A_552 : vector<16xi32> to vector<16xi32>
    tpu.vector_store %arg8[%swap3A_553], %swap3A_556 {strides = array<i32>} : memref<2048xi32, #tpu.memory_space<vmem>>, vector<16xi32>,
    %add3A_557 = arith.constant 544 : i32
    %add3A_558 = arith.addi %mul3A_32, %add3A_557 : i32
    %add3A_559 = vector.broadcast %add3A_558 : i32 to vector<16xi32>
    %add3A_560 = arith.addi %add3A_559, %iota3A : vector<16xi32>
    %ge3A_561 = vector.broadcast %squeeze3A : i32 to vector<16xi32>
    %ge3A_562 = arith.cmpi sge, %add3A_560, %ge3A_561 : vector<16xi32>
    %jit3A_563 = arith.constant 1 : i32
    %jit3A_564 = arith.constant 0 : i32
    %broadcast_in_dim3A_565 = vector.broadcast %jit3A_563 : i32 to vector<16xi32>
    %broadcast_in_dim3A_566 = vector.broadcast %jit3A_564 : i32 to vector<16xi32>
    %select_n3A_567 = arith.select %ge3A_562, %broadcast_in_dim3A_565, %broadcast_in_dim3A_566 : vector<16xi1>, vector<16xi32>
    %swap3A_568 = arith.constant 544 : index
    %swap3A_569 = tpu.vector_load %arg8[%swap3A_568] {strides = array<i32>} : memref<2048xi32, #tpu.memory_space<vmem>>, vector<16xi32>,
    %swap3A_570 = vector.shape_cast %swap3A_569 : vector<16xi32> to vector<16xi32>
    %swap3A_571 = vector.shape_cast %select_n3A_567 : vector<16xi32> to vector<16xi32>
    tpu.vector_store %arg8[%swap3A_568], %swap3A_571 {strides = array<i32>} : memref<2048xi32, #tpu.memory_space<vmem>>, vector<16xi32>,
    %add3A_572 = arith.constant 560 : i32
    %add3A_573 = arith.addi %mul3A_32, %add3A_572 : i32
    %add3A_574 = vector.broadcast %add3A_573 : i32 to vector<16xi32>
    %add3A_575 = arith.addi %add3A_574, %iota3A : vector<16xi32>
    %ge3A_576 = vector.broadcast %squeeze3A : i32 to vector<16xi32>
    %ge3A_577 = arith.cmpi sge, %add3A_575, %ge3A_576 : vector<16xi32>
    %jit3A_578 = arith.constant 1 : i32
    %jit3A_579 = arith.constant 0 : i32
    %broadcast_in_dim3A_580 = vector.broadcast %jit3A_578 : i32 to vector<16xi32>
    %broadcast_in_dim3A_581 = vector.broadcast %jit3A_579 : i32 to vector<16xi32>
    %select_n3A_582 = arith.select %ge3A_577, %broadcast_in_dim3A_580, %broadcast_in_dim3A_581 : vector<16xi1>, vector<16xi32>
    %swap3A_583 = arith.constant 560 : index
    %swap3A_584 = tpu.vector_load %arg8[%swap3A_583] {strides = array<i32>} : memref<2048xi32, #tpu.memory_space<vmem>>, vector<16xi32>,
    %swap3A_585 = vector.shape_cast %swap3A_584 : vector<16xi32> to vector<16xi32>
    %swap3A_586 = vector.shape_cast %select_n3A_582 : vector<16xi32> to vector<16xi32>
    tpu.vector_store %arg8[%swap3A_583], %swap3A_586 {strides = array<i32>} : memref<2048xi32, #tpu.memory_space<vmem>>, vector<16xi32>,
    %add3A_587 = arith.constant 576 : i32
    %add3A_588 = arith.addi %mul3A_32, %add3A_587 : i32
    %add3A_589 = vector.broadcast %add3A_588 : i32 to vector<16xi32>
    %add3A_590 = arith.addi %add3A_589, %iota3A : vector<16xi32>
    %ge3A_591 = vector.broadcast %squeeze3A : i32 to vector<16xi32>
    %ge3A_592 = arith.cmpi sge, %add3A_590, %ge3A_591 : vector<16xi32>
    %jit3A_593 = arith.constant 1 : i32
    %jit3A_594 = arith.constant 0 : i32
    %broadcast_in_dim3A_595 = vector.broadcast %jit3A_593 : i32 to vector<16xi32>
    %broadcast_in_dim3A_596 = vector.broadcast %jit3A_594 : i32 to vector<16xi32>
    %select_n3A_597 = arith.select %ge3A_592, %broadcast_in_dim3A_595, %broadcast_in_dim3A_596 : vector<16xi1>, vector<16xi32>
    %swap3A_598 = arith.constant 576 : index
    %swap3A_599 = tpu.vector_load %arg8[%swap3A_598] {strides = array<i32>} : memref<2048xi32, #tpu.memory_space<vmem>>, vector<16xi32>,
    %swap3A_600 = vector.shape_cast %swap3A_599 : vector<16xi32> to vector<16xi32>
    %swap3A_601 = vector.shape_cast %select_n3A_597 : vector<16xi32> to vector<16xi32>
    tpu.vector_store %arg8[%swap3A_598], %swap3A_601 {strides = array<i32>} : memref<2048xi32, #tpu.memory_space<vmem>>, vector<16xi32>,
    %add3A_602 = arith.constant 592 : i32
    %add3A_603 = arith.addi %mul3A_32, %add3A_602 : i32
    %add3A_604 = vector.broadcast %add3A_603 : i32 to vector<16xi32>
    %add3A_605 = arith.addi %add3A_604, %iota3A : vector<16xi32>
    %ge3A_606 = vector.broadcast %squeeze3A : i32 to vector<16xi32>
    %ge3A_607 = arith.cmpi sge, %add3A_605, %ge3A_606 : vector<16xi32>
    %jit3A_608 = arith.constant 1 : i32
    %jit3A_609 = arith.constant 0 : i32
    %broadcast_in_dim3A_610 = vector.broadcast %jit3A_608 : i32 to vector<16xi32>
    %broadcast_in_dim3A_611 = vector.broadcast %jit3A_609 : i32 to vector<16xi32>
    %select_n3A_612 = arith.select %ge3A_607, %broadcast_in_dim3A_610, %broadcast_in_dim3A_611 : vector<16xi1>, vector<16xi32>
    %swap3A_613 = arith.constant 592 : index
    %swap3A_614 = tpu.vector_load %arg8[%swap3A_613] {strides = array<i32>} : memref<2048xi32, #tpu.memory_space<vmem>>, vector<16xi32>,
    %swap3A_615 = vector.shape_cast %swap3A_614 : vector<16xi32> to vector<16xi32>
    %swap3A_616 = vector.shape_cast %select_n3A_612 : vector<16xi32> to vector<16xi32>
    tpu.vector_store %arg8[%swap3A_613], %swap3A_616 {strides = array<i32>} : memref<2048xi32, #tpu.memory_space<vmem>>, vector<16xi32>,
    %add3A_617 = arith.constant 608 : i32
    %add3A_618 = arith.addi %mul3A_32, %add3A_617 : i32
    %add3A_619 = vector.broadcast %add3A_618 : i32 to vector<16xi32>
    %add3A_620 = arith.addi %add3A_619, %iota3A : vector<16xi32>
    %ge3A_621 = vector.broadcast %squeeze3A : i32 to vector<16xi32>
    %ge3A_622 = arith.cmpi sge, %add3A_620, %ge3A_621 : vector<16xi32>
    %jit3A_623 = arith.constant 1 : i32
    %jit3A_624 = arith.constant 0 : i32
    %broadcast_in_dim3A_625 = vector.broadcast %jit3A_623 : i32 to vector<16xi32>
    %broadcast_in_dim3A_626 = vector.broadcast %jit3A_624 : i32 to vector<16xi32>
    %select_n3A_627 = arith.select %ge3A_622, %broadcast_in_dim3A_625, %broadcast_in_dim3A_626 : vector<16xi1>, vector<16xi32>
    %swap3A_628 = arith.constant 608 : index
    %swap3A_629 = tpu.vector_load %arg8[%swap3A_628] {strides = array<i32>} : memref<2048xi32, #tpu.memory_space<vmem>>, vector<16xi32>,
    %swap3A_630 = vector.shape_cast %swap3A_629 : vector<16xi32> to vector<16xi32>
    %swap3A_631 = vector.shape_cast %select_n3A_627 : vector<16xi32> to vector<16xi32>
    tpu.vector_store %arg8[%swap3A_628], %swap3A_631 {strides = array<i32>} : memref<2048xi32, #tpu.memory_space<vmem>>, vector<16xi32>,
    %add3A_632 = arith.constant 624 : i32
    %add3A_633 = arith.addi %mul3A_32, %add3A_632 : i32
    %add3A_634 = vector.broadcast %add3A_633 : i32 to vector<16xi32>
    %add3A_635 = arith.addi %add3A_634, %iota3A : vector<16xi32>
    %ge3A_636 = vector.broadcast %squeeze3A : i32 to vector<16xi32>
    %ge3A_637 = arith.cmpi sge, %add3A_635, %ge3A_636 : vector<16xi32>
    %jit3A_638 = arith.constant 1 : i32
    %jit3A_639 = arith.constant 0 : i32
    %broadcast_in_dim3A_640 = vector.broadcast %jit3A_638 : i32 to vector<16xi32>
    %broadcast_in_dim3A_641 = vector.broadcast %jit3A_639 : i32 to vector<16xi32>
    %select_n3A_642 = arith.select %ge3A_637, %broadcast_in_dim3A_640, %broadcast_in_dim3A_641 : vector<16xi1>, vector<16xi32>
    %swap3A_643 = arith.constant 624 : index
    %swap3A_644 = tpu.vector_load %arg8[%swap3A_643] {strides = array<i32>} : memref<2048xi32, #tpu.memory_space<vmem>>, vector<16xi32>,
    %swap3A_645 = vector.shape_cast %swap3A_644 : vector<16xi32> to vector<16xi32>
    %swap3A_646 = vector.shape_cast %select_n3A_642 : vector<16xi32> to vector<16xi32>
    tpu.vector_store %arg8[%swap3A_643], %swap3A_646 {strides = array<i32>} : memref<2048xi32, #tpu.memory_space<vmem>>, vector<16xi32>,
    %add3A_647 = arith.constant 640 : i32
    %add3A_648 = arith.addi %mul3A_32, %add3A_647 : i32
    %add3A_649 = vector.broadcast %add3A_648 : i32 to vector<16xi32>
    %add3A_650 = arith.addi %add3A_649, %iota3A : vector<16xi32>
    %ge3A_651 = vector.broadcast %squeeze3A : i32 to vector<16xi32>
    %ge3A_652 = arith.cmpi sge, %add3A_650, %ge3A_651 : vector<16xi32>
    %jit3A_653 = arith.constant 1 : i32
    %jit3A_654 = arith.constant 0 : i32
    %broadcast_in_dim3A_655 = vector.broadcast %jit3A_653 : i32 to vector<16xi32>
    %broadcast_in_dim3A_656 = vector.broadcast %jit3A_654 : i32 to vector<16xi32>
    %select_n3A_657 = arith.select %ge3A_652, %broadcast_in_dim3A_655, %broadcast_in_dim3A_656 : vector<16xi1>, vector<16xi32>
    %swap3A_658 = arith.constant 640 : index
    %swap3A_659 = tpu.vector_load %arg8[%swap3A_658] {strides = array<i32>} : memref<2048xi32, #tpu.memory_space<vmem>>, vector<16xi32>,
    %swap3A_660 = vector.shape_cast %swap3A_659 : vector<16xi32> to vector<16xi32>
    %swap3A_661 = vector.shape_cast %select_n3A_657 : vector<16xi32> to vector<16xi32>
    tpu.vector_store %arg8[%swap3A_658], %swap3A_661 {strides = array<i32>} : memref<2048xi32, #tpu.memory_space<vmem>>, vector<16xi32>,
    %add3A_662 = arith.constant 656 : i32
    %add3A_663 = arith.addi %mul3A_32, %add3A_662 : i32
    %add3A_664 = vector.broadcast %add3A_663 : i32 to vector<16xi32>
    %add3A_665 = arith.addi %add3A_664, %iota3A : vector<16xi32>
    %ge3A_666 = vector.broadcast %squeeze3A : i32 to vector<16xi32>
    %ge3A_667 = arith.cmpi sge, %add3A_665, %ge3A_666 : vector<16xi32>
    %jit3A_668 = arith.constant 1 : i32
    %jit3A_669 = arith.constant 0 : i32
    %broadcast_in_dim3A_670 = vector.broadcast %jit3A_668 : i32 to vector<16xi32>
    %broadcast_in_dim3A_671 = vector.broadcast %jit3A_669 : i32 to vector<16xi32>
    %select_n3A_672 = arith.select %ge3A_667, %broadcast_in_dim3A_670, %broadcast_in_dim3A_671 : vector<16xi1>, vector<16xi32>
    %swap3A_673 = arith.constant 656 : index
    %swap3A_674 = tpu.vector_load %arg8[%swap3A_673] {strides = array<i32>} : memref<2048xi32, #tpu.memory_space<vmem>>, vector<16xi32>,
    %swap3A_675 = vector.shape_cast %swap3A_674 : vector<16xi32> to vector<16xi32>
    %swap3A_676 = vector.shape_cast %select_n3A_672 : vector<16xi32> to vector<16xi32>
    tpu.vector_store %arg8[%swap3A_673], %swap3A_676 {strides = array<i32>} : memref<2048xi32, #tpu.memory_space<vmem>>, vector<16xi32>,
    %add3A_677 = arith.constant 672 : i32
    %add3A_678 = arith.addi %mul3A_32, %add3A_677 : i32
    %add3A_679 = vector.broadcast %add3A_678 : i32 to vector<16xi32>
    %add3A_680 = arith.addi %add3A_679, %iota3A : vector<16xi32>
    %ge3A_681 = vector.broadcast %squeeze3A : i32 to vector<16xi32>
    %ge3A_682 = arith.cmpi sge, %add3A_680, %ge3A_681 : vector<16xi32>
    %jit3A_683 = arith.constant 1 : i32
    %jit3A_684 = arith.constant 0 : i32
    %broadcast_in_dim3A_685 = vector.broadcast %jit3A_683 : i32 to vector<16xi32>
    %broadcast_in_dim3A_686 = vector.broadcast %jit3A_684 : i32 to vector<16xi32>
    %select_n3A_687 = arith.select %ge3A_682, %broadcast_in_dim3A_685, %broadcast_in_dim3A_686 : vector<16xi1>, vector<16xi32>
    %swap3A_688 = arith.constant 672 : index
    %swap3A_689 = tpu.vector_load %arg8[%swap3A_688] {strides = array<i32>} : memref<2048xi32, #tpu.memory_space<vmem>>, vector<16xi32>,
    %swap3A_690 = vector.shape_cast %swap3A_689 : vector<16xi32> to vector<16xi32>
    %swap3A_691 = vector.shape_cast %select_n3A_687 : vector<16xi32> to vector<16xi32>
    tpu.vector_store %arg8[%swap3A_688], %swap3A_691 {strides = array<i32>} : memref<2048xi32, #tpu.memory_space<vmem>>, vector<16xi32>,
    %add3A_692 = arith.constant 688 : i32
    %add3A_693 = arith.addi %mul3A_32, %add3A_692 : i32
    %add3A_694 = vector.broadcast %add3A_693 : i32 to vector<16xi32>
    %add3A_695 = arith.addi %add3A_694, %iota3A : vector<16xi32>
    %ge3A_696 = vector.broadcast %squeeze3A : i32 to vector<16xi32>
    %ge3A_697 = arith.cmpi sge, %add3A_695, %ge3A_696 : vector<16xi32>
    %jit3A_698 = arith.constant 1 : i32
    %jit3A_699 = arith.constant 0 : i32
    %broadcast_in_dim3A_700 = vector.broadcast %jit3A_698 : i32 to vector<16xi32>
    %broadcast_in_dim3A_701 = vector.broadcast %jit3A_699 : i32 to vector<16xi32>
    %select_n3A_702 = arith.select %ge3A_697, %broadcast_in_dim3A_700, %broadcast_in_dim3A_701 : vector<16xi1>, vector<16xi32>
    %swap3A_703 = arith.constant 688 : index
    %swap3A_704 = tpu.vector_load %arg8[%swap3A_703] {strides = array<i32>} : memref<2048xi32, #tpu.memory_space<vmem>>, vector<16xi32>,
    %swap3A_705 = vector.shape_cast %swap3A_704 : vector<16xi32> to vector<16xi32>
    %swap3A_706 = vector.shape_cast %select_n3A_702 : vector<16xi32> to vector<16xi32>
    tpu.vector_store %arg8[%swap3A_703], %swap3A_706 {strides = array<i32>} : memref<2048xi32, #tpu.memory_space<vmem>>, vector<16xi32>,
    %add3A_707 = arith.constant 704 : i32
    %add3A_708 = arith.addi %mul3A_32, %add3A_707 : i32
    %add3A_709 = vector.broadcast %add3A_708 : i32 to vector<16xi32>
    %add3A_710 = arith.addi %add3A_709, %iota3A : vector<16xi32>
    %ge3A_711 = vector.broadcast %squeeze3A : i32 to vector<16xi32>
    %ge3A_712 = arith.cmpi sge, %add3A_710, %ge3A_711 : vector<16xi32>
    %jit3A_713 = arith.constant 1 : i32
    %jit3A_714 = arith.constant 0 : i32
    %broadcast_in_dim3A_715 = vector.broadcast %jit3A_713 : i32 to vector<16xi32>
    %broadcast_in_dim3A_716 = vector.broadcast %jit3A_714 : i32 to vector<16xi32>
    %select_n3A_717 = arith.select %ge3A_712, %broadcast_in_dim3A_715, %broadcast_in_dim3A_716 : vector<16xi1>, vector<16xi32>
    %swap3A_718 = arith.constant 704 : index
    %swap3A_719 = tpu.vector_load %arg8[%swap3A_718] {strides = array<i32>} : memref<2048xi32, #tpu.memory_space<vmem>>, vector<16xi32>,
    %swap3A_720 = vector.shape_cast %swap3A_719 : vector<16xi32> to vector<16xi32>
    %swap3A_721 = vector.shape_cast %select_n3A_717 : vector<16xi32> to vector<16xi32>
    tpu.vector_store %arg8[%swap3A_718], %swap3A_721 {strides = array<i32>} : memref<2048xi32, #tpu.memory_space<vmem>>, vector<16xi32>,
    %add3A_722 = arith.constant 720 : i32
    %add3A_723 = arith.addi %mul3A_32, %add3A_722 : i32
    %add3A_724 = vector.broadcast %add3A_723 : i32 to vector<16xi32>
    %add3A_725 = arith.addi %add3A_724, %iota3A : vector<16xi32>
    %ge3A_726 = vector.broadcast %squeeze3A : i32 to vector<16xi32>
    %ge3A_727 = arith.cmpi sge, %add3A_725, %ge3A_726 : vector<16xi32>
    %jit3A_728 = arith.constant 1 : i32
    %jit3A_729 = arith.constant 0 : i32
    %broadcast_in_dim3A_730 = vector.broadcast %jit3A_728 : i32 to vector<16xi32>
    %broadcast_in_dim3A_731 = vector.broadcast %jit3A_729 : i32 to vector<16xi32>
    %select_n3A_732 = arith.select %ge3A_727, %broadcast_in_dim3A_730, %broadcast_in_dim3A_731 : vector<16xi1>, vector<16xi32>
    %swap3A_733 = arith.constant 720 : index
    %swap3A_734 = tpu.vector_load %arg8[%swap3A_733] {strides = array<i32>} : memref<2048xi32, #tpu.memory_space<vmem>>, vector<16xi32>,
    %swap3A_735 = vector.shape_cast %swap3A_734 : vector<16xi32> to vector<16xi32>
    %swap3A_736 = vector.shape_cast %select_n3A_732 : vector<16xi32> to vector<16xi32>
    tpu.vector_store %arg8[%swap3A_733], %swap3A_736 {strides = array<i32>} : memref<2048xi32, #tpu.memory_space<vmem>>, vector<16xi32>,
    %add3A_737 = arith.constant 736 : i32
    %add3A_738 = arith.addi %mul3A_32, %add3A_737 : i32
    %add3A_739 = vector.broadcast %add3A_738 : i32 to vector<16xi32>
    %add3A_740 = arith.addi %add3A_739, %iota3A : vector<16xi32>
    %ge3A_741 = vector.broadcast %squeeze3A : i32 to vector<16xi32>
    %ge3A_742 = arith.cmpi sge, %add3A_740, %ge3A_741 : vector<16xi32>
    %jit3A_743 = arith.constant 1 : i32
    %jit3A_744 = arith.constant 0 : i32
    %broadcast_in_dim3A_745 = vector.broadcast %jit3A_743 : i32 to vector<16xi32>
    %broadcast_in_dim3A_746 = vector.broadcast %jit3A_744 : i32 to vector<16xi32>
    %select_n3A_747 = arith.select %ge3A_742, %broadcast_in_dim3A_745, %broadcast_in_dim3A_746 : vector<16xi1>, vector<16xi32>
    %swap3A_748 = arith.constant 736 : index
    %swap3A_749 = tpu.vector_load %arg8[%swap3A_748] {strides = array<i32>} : memref<2048xi32, #tpu.memory_space<vmem>>, vector<16xi32>,
    %swap3A_750 = vector.shape_cast %swap3A_749 : vector<16xi32> to vector<16xi32>
    %swap3A_751 = vector.shape_cast %select_n3A_747 : vector<16xi32> to vector<16xi32>
    tpu.vector_store %arg8[%swap3A_748], %swap3A_751 {strides = array<i32>} : memref<2048xi32, #tpu.memory_space<vmem>>, vector<16xi32>,
    %add3A_752 = arith.constant 752 : i32
    %add3A_753 = arith.addi %mul3A_32, %add3A_752 : i32
    %add3A_754 = vector.broadcast %add3A_753 : i32 to vector<16xi32>
    %add3A_755 = arith.addi %add3A_754, %iota3A : vector<16xi32>
    %ge3A_756 = vector.broadcast %squeeze3A : i32 to vector<16xi32>
    %ge3A_757 = arith.cmpi sge, %add3A_755, %ge3A_756 : vector<16xi32>
    %jit3A_758 = arith.constant 1 : i32
    %jit3A_759 = arith.constant 0 : i32
    %broadcast_in_dim3A_760 = vector.broadcast %jit3A_758 : i32 to vector<16xi32>
    %broadcast_in_dim3A_761 = vector.broadcast %jit3A_759 : i32 to vector<16xi32>
    %select_n3A_762 = arith.select %ge3A_757, %broadcast_in_dim3A_760, %broadcast_in_dim3A_761 : vector<16xi1>, vector<16xi32>
    %swap3A_763 = arith.constant 752 : index
    %swap3A_764 = tpu.vector_load %arg8[%swap3A_763] {strides = array<i32>} : memref<2048xi32, #tpu.memory_space<vmem>>, vector<16xi32>,
    %swap3A_765 = vector.shape_cast %swap3A_764 : vector<16xi32> to vector<16xi32>
    %swap3A_766 = vector.shape_cast %select_n3A_762 : vector<16xi32> to vector<16xi32>
    tpu.vector_store %arg8[%swap3A_763], %swap3A_766 {strides = array<i32>} : memref<2048xi32, #tpu.memory_space<vmem>>, vector<16xi32>,
    %add3A_767 = arith.constant 768 : i32
    %add3A_768 = arith.addi %mul3A_32, %add3A_767 : i32
    %add3A_769 = vector.broadcast %add3A_768 : i32 to vector<16xi32>
    %add3A_770 = arith.addi %add3A_769, %iota3A : vector<16xi32>
    %ge3A_771 = vector.broadcast %squeeze3A : i32 to vector<16xi32>
    %ge3A_772 = arith.cmpi sge, %add3A_770, %ge3A_771 : vector<16xi32>
    %jit3A_773 = arith.constant 1 : i32
    %jit3A_774 = arith.constant 0 : i32
    %broadcast_in_dim3A_775 = vector.broadcast %jit3A_773 : i32 to vector<16xi32>
    %broadcast_in_dim3A_776 = vector.broadcast %jit3A_774 : i32 to vector<16xi32>
    %select_n3A_777 = arith.select %ge3A_772, %broadcast_in_dim3A_775, %broadcast_in_dim3A_776 : vector<16xi1>, vector<16xi32>
    %swap3A_778 = arith.constant 768 : index
    %swap3A_779 = tpu.vector_load %arg8[%swap3A_778] {strides = array<i32>} : memref<2048xi32, #tpu.memory_space<vmem>>, vector<16xi32>,
    %swap3A_780 = vector.shape_cast %swap3A_779 : vector<16xi32> to vector<16xi32>
    %swap3A_781 = vector.shape_cast %select_n3A_777 : vector<16xi32> to vector<16xi32>
    tpu.vector_store %arg8[%swap3A_778], %swap3A_781 {strides = array<i32>} : memref<2048xi32, #tpu.memory_space<vmem>>, vector<16xi32>,
    %add3A_782 = arith.constant 784 : i32
    %add3A_783 = arith.addi %mul3A_32, %add3A_782 : i32
    %add3A_784 = vector.broadcast %add3A_783 : i32 to vector<16xi32>
    %add3A_785 = arith.addi %add3A_784, %iota3A : vector<16xi32>
    %ge3A_786 = vector.broadcast %squeeze3A : i32 to vector<16xi32>
    %ge3A_787 = arith.cmpi sge, %add3A_785, %ge3A_786 : vector<16xi32>
    %jit3A_788 = arith.constant 1 : i32
    %jit3A_789 = arith.constant 0 : i32
    %broadcast_in_dim3A_790 = vector.broadcast %jit3A_788 : i32 to vector<16xi32>
    %broadcast_in_dim3A_791 = vector.broadcast %jit3A_789 : i32 to vector<16xi32>
    %select_n3A_792 = arith.select %ge3A_787, %broadcast_in_dim3A_790, %broadcast_in_dim3A_791 : vector<16xi1>, vector<16xi32>
    %swap3A_793 = arith.constant 784 : index
    %swap3A_794 = tpu.vector_load %arg8[%swap3A_793] {strides = array<i32>} : memref<2048xi32, #tpu.memory_space<vmem>>, vector<16xi32>,
    %swap3A_795 = vector.shape_cast %swap3A_794 : vector<16xi32> to vector<16xi32>
    %swap3A_796 = vector.shape_cast %select_n3A_792 : vector<16xi32> to vector<16xi32>
    tpu.vector_store %arg8[%swap3A_793], %swap3A_796 {strides = array<i32>} : memref<2048xi32, #tpu.memory_space<vmem>>, vector<16xi32>,
    %add3A_797 = arith.constant 800 : i32
    %add3A_798 = arith.addi %mul3A_32, %add3A_797 : i32
    %add3A_799 = vector.broadcast %add3A_798 : i32 to vector<16xi32>
    %add3A_800 = arith.addi %add3A_799, %iota3A : vector<16xi32>
    %ge3A_801 = vector.broadcast %squeeze3A : i32 to vector<16xi32>
    %ge3A_802 = arith.cmpi sge, %add3A_800, %ge3A_801 : vector<16xi32>
    %jit3A_803 = arith.constant 1 : i32
    %jit3A_804 = arith.constant 0 : i32
    %broadcast_in_dim3A_805 = vector.broadcast %jit3A_803 : i32 to vector<16xi32>
    %broadcast_in_dim3A_806 = vector.broadcast %jit3A_804 : i32 to vector<16xi32>
    %select_n3A_807 = arith.select %ge3A_802, %broadcast_in_dim3A_805, %broadcast_in_dim3A_806 : vector<16xi1>, vector<16xi32>
    %swap3A_808 = arith.constant 800 : index
    %swap3A_809 = tpu.vector_load %arg8[%swap3A_808] {strides = array<i32>} : memref<2048xi32, #tpu.memory_space<vmem>>, vector<16xi32>,
    %swap3A_810 = vector.shape_cast %swap3A_809 : vector<16xi32> to vector<16xi32>
    %swap3A_811 = vector.shape_cast %select_n3A_807 : vector<16xi32> to vector<16xi32>
    tpu.vector_store %arg8[%swap3A_808], %swap3A_811 {strides = array<i32>} : memref<2048xi32, #tpu.memory_space<vmem>>, vector<16xi32>,
    %add3A_812 = arith.constant 816 : i32
    %add3A_813 = arith.addi %mul3A_32, %add3A_812 : i32
    %add3A_814 = vector.broadcast %add3A_813 : i32 to vector<16xi32>
    %add3A_815 = arith.addi %add3A_814, %iota3A : vector<16xi32>
    %ge3A_816 = vector.broadcast %squeeze3A : i32 to vector<16xi32>
    %ge3A_817 = arith.cmpi sge, %add3A_815, %ge3A_816 : vector<16xi32>
    %jit3A_818 = arith.constant 1 : i32
    %jit3A_819 = arith.constant 0 : i32
    %broadcast_in_dim3A_820 = vector.broadcast %jit3A_818 : i32 to vector<16xi32>
    %broadcast_in_dim3A_821 = vector.broadcast %jit3A_819 : i32 to vector<16xi32>
    %select_n3A_822 = arith.select %ge3A_817, %broadcast_in_dim3A_820, %broadcast_in_dim3A_821 : vector<16xi1>, vector<16xi32>
    %swap3A_823 = arith.constant 816 : index
    %swap3A_824 = tpu.vector_load %arg8[%swap3A_823] {strides = array<i32>} : memref<2048xi32, #tpu.memory_space<vmem>>, vector<16xi32>,
    %swap3A_825 = vector.shape_cast %swap3A_824 : vector<16xi32> to vector<16xi32>
    %swap3A_826 = vector.shape_cast %select_n3A_822 : vector<16xi32> to vector<16xi32>
    tpu.vector_store %arg8[%swap3A_823], %swap3A_826 {strides = array<i32>} : memref<2048xi32, #tpu.memory_space<vmem>>, vector<16xi32>,
    %add3A_827 = arith.constant 832 : i32
    %add3A_828 = arith.addi %mul3A_32, %add3A_827 : i32
    %add3A_829 = vector.broadcast %add3A_828 : i32 to vector<16xi32>
    %add3A_830 = arith.addi %add3A_829, %iota3A : vector<16xi32>
    %ge3A_831 = vector.broadcast %squeeze3A : i32 to vector<16xi32>
    %ge3A_832 = arith.cmpi sge, %add3A_830, %ge3A_831 : vector<16xi32>
    %jit3A_833 = arith.constant 1 : i32
    %jit3A_834 = arith.constant 0 : i32
    %broadcast_in_dim3A_835 = vector.broadcast %jit3A_833 : i32 to vector<16xi32>
    %broadcast_in_dim3A_836 = vector.broadcast %jit3A_834 : i32 to vector<16xi32>
    %select_n3A_837 = arith.select %ge3A_832, %broadcast_in_dim3A_835, %broadcast_in_dim3A_836 : vector<16xi1>, vector<16xi32>
    %swap3A_838 = arith.constant 832 : index
    %swap3A_839 = tpu.vector_load %arg8[%swap3A_838] {strides = array<i32>} : memref<2048xi32, #tpu.memory_space<vmem>>, vector<16xi32>,
    %swap3A_840 = vector.shape_cast %swap3A_839 : vector<16xi32> to vector<16xi32>
    %swap3A_841 = vector.shape_cast %select_n3A_837 : vector<16xi32> to vector<16xi32>
    tpu.vector_store %arg8[%swap3A_838], %swap3A_841 {strides = array<i32>} : memref<2048xi32, #tpu.memory_space<vmem>>, vector<16xi32>,
    %add3A_842 = arith.constant 848 : i32
    %add3A_843 = arith.addi %mul3A_32, %add3A_842 : i32
    %add3A_844 = vector.broadcast %add3A_843 : i32 to vector<16xi32>
    %add3A_845 = arith.addi %add3A_844, %iota3A : vector<16xi32>
    %ge3A_846 = vector.broadcast %squeeze3A : i32 to vector<16xi32>
    %ge3A_847 = arith.cmpi sge, %add3A_845, %ge3A_846 : vector<16xi32>
    %jit3A_848 = arith.constant 1 : i32
    %jit3A_849 = arith.constant 0 : i32
    %broadcast_in_dim3A_850 = vector.broadcast %jit3A_848 : i32 to vector<16xi32>
    %broadcast_in_dim3A_851 = vector.broadcast %jit3A_849 : i32 to vector<16xi32>
    %select_n3A_852 = arith.select %ge3A_847, %broadcast_in_dim3A_850, %broadcast_in_dim3A_851 : vector<16xi1>, vector<16xi32>
    %swap3A_853 = arith.constant 848 : index
    %swap3A_854 = tpu.vector_load %arg8[%swap3A_853] {strides = array<i32>} : memref<2048xi32, #tpu.memory_space<vmem>>, vector<16xi32>,
    %swap3A_855 = vector.shape_cast %swap3A_854 : vector<16xi32> to vector<16xi32>
    %swap3A_856 = vector.shape_cast %select_n3A_852 : vector<16xi32> to vector<16xi32>
    tpu.vector_store %arg8[%swap3A_853], %swap3A_856 {strides = array<i32>} : memref<2048xi32, #tpu.memory_space<vmem>>, vector<16xi32>,
    %add3A_857 = arith.constant 864 : i32
    %add3A_858 = arith.addi %mul3A_32, %add3A_857 : i32
    %add3A_859 = vector.broadcast %add3A_858 : i32 to vector<16xi32>
    %add3A_860 = arith.addi %add3A_859, %iota3A : vector<16xi32>
    %ge3A_861 = vector.broadcast %squeeze3A : i32 to vector<16xi32>
    %ge3A_862 = arith.cmpi sge, %add3A_860, %ge3A_861 : vector<16xi32>
    %jit3A_863 = arith.constant 1 : i32
    %jit3A_864 = arith.constant 0 : i32
    %broadcast_in_dim3A_865 = vector.broadcast %jit3A_863 : i32 to vector<16xi32>
    %broadcast_in_dim3A_866 = vector.broadcast %jit3A_864 : i32 to vector<16xi32>
    %select_n3A_867 = arith.select %ge3A_862, %broadcast_in_dim3A_865, %broadcast_in_dim3A_866 : vector<16xi1>, vector<16xi32>
    %swap3A_868 = arith.constant 864 : index
    %swap3A_869 = tpu.vector_load %arg8[%swap3A_868] {strides = array<i32>} : memref<2048xi32, #tpu.memory_space<vmem>>, vector<16xi32>,
    %swap3A_870 = vector.shape_cast %swap3A_869 : vector<16xi32> to vector<16xi32>
    %swap3A_871 = vector.shape_cast %select_n3A_867 : vector<16xi32> to vector<16xi32>
    tpu.vector_store %arg8[%swap3A_868], %swap3A_871 {strides = array<i32>} : memref<2048xi32, #tpu.memory_space<vmem>>, vector<16xi32>,
    %add3A_872 = arith.constant 880 : i32
    %add3A_873 = arith.addi %mul3A_32, %add3A_872 : i32
    %add3A_874 = vector.broadcast %add3A_873 : i32 to vector<16xi32>
    %add3A_875 = arith.addi %add3A_874, %iota3A : vector<16xi32>
    %ge3A_876 = vector.broadcast %squeeze3A : i32 to vector<16xi32>
    %ge3A_877 = arith.cmpi sge, %add3A_875, %ge3A_876 : vector<16xi32>
    %jit3A_878 = arith.constant 1 : i32
    %jit3A_879 = arith.constant 0 : i32
    %broadcast_in_dim3A_880 = vector.broadcast %jit3A_878 : i32 to vector<16xi32>
    %broadcast_in_dim3A_881 = vector.broadcast %jit3A_879 : i32 to vector<16xi32>
    %select_n3A_882 = arith.select %ge3A_877, %broadcast_in_dim3A_880, %broadcast_in_dim3A_881 : vector<16xi1>, vector<16xi32>
    %swap3A_883 = arith.constant 880 : index
    %swap3A_884 = tpu.vector_load %arg8[%swap3A_883] {strides = array<i32>} : memref<2048xi32, #tpu.memory_space<vmem>>, vector<16xi32>,
    %swap3A_885 = vector.shape_cast %swap3A_884 : vector<16xi32> to vector<16xi32>
    %swap3A_886 = vector.shape_cast %select_n3A_882 : vector<16xi32> to vector<16xi32>
    tpu.vector_store %arg8[%swap3A_883], %swap3A_886 {strides = array<i32>} : memref<2048xi32, #tpu.memory_space<vmem>>, vector<16xi32>,
    %add3A_887 = arith.constant 896 : i32
    %add3A_888 = arith.addi %mul3A_32, %add3A_887 : i32
    %add3A_889 = vector.broadcast %add3A_888 : i32 to vector<16xi32>
    %add3A_890 = arith.addi %add3A_889, %iota3A : vector<16xi32>
    %ge3A_891 = vector.broadcast %squeeze3A : i32 to vector<16xi32>
    %ge3A_892 = arith.cmpi sge, %add3A_890, %ge3A_891 : vector<16xi32>
    %jit3A_893 = arith.constant 1 : i32
    %jit3A_894 = arith.constant 0 : i32
    %broadcast_in_dim3A_895 = vector.broadcast %jit3A_893 : i32 to vector<16xi32>
    %broadcast_in_dim3A_896 = vector.broadcast %jit3A_894 : i32 to vector<16xi32>
    %select_n3A_897 = arith.select %ge3A_892, %broadcast_in_dim3A_895, %broadcast_in_dim3A_896 : vector<16xi1>, vector<16xi32>
    %swap3A_898 = arith.constant 896 : index
    %swap3A_899 = tpu.vector_load %arg8[%swap3A_898] {strides = array<i32>} : memref<2048xi32, #tpu.memory_space<vmem>>, vector<16xi32>,
    %swap3A_900 = vector.shape_cast %swap3A_899 : vector<16xi32> to vector<16xi32>
    %swap3A_901 = vector.shape_cast %select_n3A_897 : vector<16xi32> to vector<16xi32>
    tpu.vector_store %arg8[%swap3A_898], %swap3A_901 {strides = array<i32>} : memref<2048xi32, #tpu.memory_space<vmem>>, vector<16xi32>,
    %add3A_902 = arith.constant 912 : i32
    %add3A_903 = arith.addi %mul3A_32, %add3A_902 : i32
    %add3A_904 = vector.broadcast %add3A_903 : i32 to vector<16xi32>
    %add3A_905 = arith.addi %add3A_904, %iota3A : vector<16xi32>
    %ge3A_906 = vector.broadcast %squeeze3A : i32 to vector<16xi32>
    %ge3A_907 = arith.cmpi sge, %add3A_905, %ge3A_906 : vector<16xi32>
    %jit3A_908 = arith.constant 1 : i32
    %jit3A_909 = arith.constant 0 : i32
    %broadcast_in_dim3A_910 = vector.broadcast %jit3A_908 : i32 to vector<16xi32>
    %broadcast_in_dim3A_911 = vector.broadcast %jit3A_909 : i32 to vector<16xi32>
    %select_n3A_912 = arith.select %ge3A_907, %broadcast_in_dim3A_910, %broadcast_in_dim3A_911 : vector<16xi1>, vector<16xi32>
    %swap3A_913 = arith.constant 912 : index
    %swap3A_914 = tpu.vector_load %arg8[%swap3A_913] {strides = array<i32>} : memref<2048xi32, #tpu.memory_space<vmem>>, vector<16xi32>,
    %swap3A_915 = vector.shape_cast %swap3A_914 : vector<16xi32> to vector<16xi32>
    %swap3A_916 = vector.shape_cast %select_n3A_912 : vector<16xi32> to vector<16xi32>
    tpu.vector_store %arg8[%swap3A_913], %swap3A_916 {strides = array<i32>} : memref<2048xi32, #tpu.memory_space<vmem>>, vector<16xi32>,
    %add3A_917 = arith.constant 928 : i32
    %add3A_918 = arith.addi %mul3A_32, %add3A_917 : i32
    %add3A_919 = vector.broadcast %add3A_918 : i32 to vector<16xi32>
    %add3A_920 = arith.addi %add3A_919, %iota3A : vector<16xi32>
    %ge3A_921 = vector.broadcast %squeeze3A : i32 to vector<16xi32>
    %ge3A_922 = arith.cmpi sge, %add3A_920, %ge3A_921 : vector<16xi32>
    %jit3A_923 = arith.constant 1 : i32
    %jit3A_924 = arith.constant 0 : i32
    %broadcast_in_dim3A_925 = vector.broadcast %jit3A_923 : i32 to vector<16xi32>
    %broadcast_in_dim3A_926 = vector.broadcast %jit3A_924 : i32 to vector<16xi32>
    %select_n3A_927 = arith.select %ge3A_922, %broadcast_in_dim3A_925, %broadcast_in_dim3A_926 : vector<16xi1>, vector<16xi32>
    %swap3A_928 = arith.constant 928 : index
    %swap3A_929 = tpu.vector_load %arg8[%swap3A_928] {strides = array<i32>} : memref<2048xi32, #tpu.memory_space<vmem>>, vector<16xi32>,
    %swap3A_930 = vector.shape_cast %swap3A_929 : vector<16xi32> to vector<16xi32>
    %swap3A_931 = vector.shape_cast %select_n3A_927 : vector<16xi32> to vector<16xi32>
    tpu.vector_store %arg8[%swap3A_928], %swap3A_931 {strides = array<i32>} : memref<2048xi32, #tpu.memory_space<vmem>>, vector<16xi32>,
    %add3A_932 = arith.constant 944 : i32
    %add3A_933 = arith.addi %mul3A_32, %add3A_932 : i32
    %add3A_934 = vector.broadcast %add3A_933 : i32 to vector<16xi32>
    %add3A_935 = arith.addi %add3A_934, %iota3A : vector<16xi32>
    %ge3A_936 = vector.broadcast %squeeze3A : i32 to vector<16xi32>
    %ge3A_937 = arith.cmpi sge, %add3A_935, %ge3A_936 : vector<16xi32>
    %jit3A_938 = arith.constant 1 : i32
    %jit3A_939 = arith.constant 0 : i32
    %broadcast_in_dim3A_940 = vector.broadcast %jit3A_938 : i32 to vector<16xi32>
    %broadcast_in_dim3A_941 = vector.broadcast %jit3A_939 : i32 to vector<16xi32>
    %select_n3A_942 = arith.select %ge3A_937, %broadcast_in_dim3A_940, %broadcast_in_dim3A_941 : vector<16xi1>, vector<16xi32>
    %swap3A_943 = arith.constant 944 : index
    %swap3A_944 = tpu.vector_load %arg8[%swap3A_943] {strides = array<i32>} : memref<2048xi32, #tpu.memory_space<vmem>>, vector<16xi32>,
    %swap3A_945 = vector.shape_cast %swap3A_944 : vector<16xi32> to vector<16xi32>
    %swap3A_946 = vector.shape_cast %select_n3A_942 : vector<16xi32> to vector<16xi32>
    tpu.vector_store %arg8[%swap3A_943], %swap3A_946 {strides = array<i32>} : memref<2048xi32, #tpu.memory_space<vmem>>, vector<16xi32>,
    %add3A_947 = arith.constant 960 : i32
    %add3A_948 = arith.addi %mul3A_32, %add3A_947 : i32
    %add3A_949 = vector.broadcast %add3A_948 : i32 to vector<16xi32>
    %add3A_950 = arith.addi %add3A_949, %iota3A : vector<16xi32>
    %ge3A_951 = vector.broadcast %squeeze3A : i32 to vector<16xi32>
    %ge3A_952 = arith.cmpi sge, %add3A_950, %ge3A_951 : vector<16xi32>
    %jit3A_953 = arith.constant 1 : i32
    %jit3A_954 = arith.constant 0 : i32
    %broadcast_in_dim3A_955 = vector.broadcast %jit3A_953 : i32 to vector<16xi32>
    %broadcast_in_dim3A_956 = vector.broadcast %jit3A_954 : i32 to vector<16xi32>
    %select_n3A_957 = arith.select %ge3A_952, %broadcast_in_dim3A_955, %broadcast_in_dim3A_956 : vector<16xi1>, vector<16xi32>
    %swap3A_958 = arith.constant 960 : index
    %swap3A_959 = tpu.vector_load %arg8[%swap3A_958] {strides = array<i32>} : memref<2048xi32, #tpu.memory_space<vmem>>, vector<16xi32>,
    %swap3A_960 = vector.shape_cast %swap3A_959 : vector<16xi32> to vector<16xi32>
    %swap3A_961 = vector.shape_cast %select_n3A_957 : vector<16xi32> to vector<16xi32>
    tpu.vector_store %arg8[%swap3A_958], %swap3A_961 {strides = array<i32>} : memref<2048xi32, #tpu.memory_space<vmem>>, vector<16xi32>,
    %add3A_962 = arith.constant 976 : i32
    %add3A_963 = arith.addi %mul3A_32, %add3A_962 : i32
    %add3A_964 = vector.broadcast %add3A_963 : i32 to vector<16xi32>
    %add3A_965 = arith.addi %add3A_964, %iota3A : vector<16xi32>
    %ge3A_966 = vector.broadcast %squeeze3A : i32 to vector<16xi32>
    %ge3A_967 = arith.cmpi sge, %add3A_965, %ge3A_966 : vector<16xi32>
    %jit3A_968 = arith.constant 1 : i32
    %jit3A_969 = arith.constant 0 : i32
    %broadcast_in_dim3A_970 = vector.broadcast %jit3A_968 : i32 to vector<16xi32>
    %broadcast_in_dim3A_971 = vector.broadcast %jit3A_969 : i32 to vector<16xi32>
    %select_n3A_972 = arith.select %ge3A_967, %broadcast_in_dim3A_970, %broadcast_in_dim3A_971 : vector<16xi1>, vector<16xi32>
    %swap3A_973 = arith.constant 976 : index
    %swap3A_974 = tpu.vector_load %arg8[%swap3A_973] {strides = array<i32>} : memref<2048xi32, #tpu.memory_space<vmem>>, vector<16xi32>,
    %swap3A_975 = vector.shape_cast %swap3A_974 : vector<16xi32> to vector<16xi32>
    %swap3A_976 = vector.shape_cast %select_n3A_972 : vector<16xi32> to vector<16xi32>
    tpu.vector_store %arg8[%swap3A_973], %swap3A_976 {strides = array<i32>} : memref<2048xi32, #tpu.memory_space<vmem>>, vector<16xi32>,
    %add3A_977 = arith.constant 992 : i32
    %add3A_978 = arith.addi %mul3A_32, %add3A_977 : i32
    %add3A_979 = vector.broadcast %add3A_978 : i32 to vector<16xi32>
    %add3A_980 = arith.addi %add3A_979, %iota3A : vector<16xi32>
    %ge3A_981 = vector.broadcast %squeeze3A : i32 to vector<16xi32>
    %ge3A_982 = arith.cmpi sge, %add3A_980, %ge3A_981 : vector<16xi32>
    %jit3A_983 = arith.constant 1 : i32
    %jit3A_984 = arith.constant 0 : i32
    %broadcast_in_dim3A_985 = vector.broadcast %jit3A_983 : i32 to vector<16xi32>
    %broadcast_in_dim3A_986 = vector.broadcast %jit3A_984 : i32 to vector<16xi32>
    %select_n3A_987 = arith.select %ge3A_982, %broadcast_in_dim3A_985, %broadcast_in_dim3A_986 : vector<16xi1>, vector<16xi32>
    %swap3A_988 = arith.constant 992 : index
    %swap3A_989 = tpu.vector_load %arg8[%swap3A_988] {strides = array<i32>} : memref<2048xi32, #tpu.memory_space<vmem>>, vector<16xi32>,
    %swap3A_990 = vector.shape_cast %swap3A_989 : vector<16xi32> to vector<16xi32>
    %swap3A_991 = vector.shape_cast %select_n3A_987 : vector<16xi32> to vector<16xi32>
    tpu.vector_store %arg8[%swap3A_988], %swap3A_991 {strides = array<i32>} : memref<2048xi32, #tpu.memory_space<vmem>>, vector<16xi32>,
    %add3A_992 = arith.constant 1008 : i32
    %add3A_993 = arith.addi %mul3A_32, %add3A_992 : i32
    %add3A_994 = vector.broadcast %add3A_993 : i32 to vector<16xi32>
    %add3A_995 = arith.addi %add3A_994, %iota3A : vector<16xi32>
    %ge3A_996 = vector.broadcast %squeeze3A : i32 to vector<16xi32>
    %ge3A_997 = arith.cmpi sge, %add3A_995, %ge3A_996 : vector<16xi32>
    %jit3A_998 = arith.constant 1 : i32
    %jit3A_999 = arith.constant 0 : i32
    %broadcast_in_dim3A_1000 = vector.broadcast %jit3A_998 : i32 to vector<16xi32>
    %broadcast_in_dim3A_1001 = vector.broadcast %jit3A_999 : i32 to vector<16xi32>
    %select_n3A_1002 = arith.select %ge3A_997, %broadcast_in_dim3A_1000, %broadcast_in_dim3A_1001 : vector<16xi1>, vector<16xi32>
    %swap3A_1003 = arith.constant 1008 : index
    %swap3A_1004 = tpu.vector_load %arg8[%swap3A_1003] {strides = array<i32>} : memref<2048xi32, #tpu.memory_space<vmem>>, vector<16xi32>,
    %swap3A_1005 = vector.shape_cast %swap3A_1004 : vector<16xi32> to vector<16xi32>
    %swap3A_1006 = vector.shape_cast %select_n3A_1002 : vector<16xi32> to vector<16xi32>
    tpu.vector_store %arg8[%swap3A_1003], %swap3A_1006 {strides = array<i32>} : memref<2048xi32, #tpu.memory_space<vmem>>, vector<16xi32>,
    %add3A_1007 = arith.constant 1024 : i32
    %add3A_1008 = arith.addi %mul3A_32, %add3A_1007 : i32
    %add3A_1009 = vector.broadcast %add3A_1008 : i32 to vector<16xi32>
    %add3A_1010 = arith.addi %add3A_1009, %iota3A : vector<16xi32>
    %ge3A_1011 = vector.broadcast %squeeze3A : i32 to vector<16xi32>
    %ge3A_1012 = arith.cmpi sge, %add3A_1010, %ge3A_1011 : vector<16xi32>
    %jit3A_1013 = arith.constant 1 : i32
    %jit3A_1014 = arith.constant 0 : i32
    %broadcast_in_dim3A_1015 = vector.broadcast %jit3A_1013 : i32 to vector<16xi32>
    %broadcast_in_dim3A_1016 = vector.broadcast %jit3A_1014 : i32 to vector<16xi32>
    %select_n3A_1017 = arith.select %ge3A_1012, %broadcast_in_dim3A_1015, %broadcast_in_dim3A_1016 : vector<16xi1>, vector<16xi32>
    %swap3A_1018 = arith.constant 1024 : index
    %swap3A_1019 = tpu.vector_load %arg8[%swap3A_1018] {strides = array<i32>} : memref<2048xi32, #tpu.memory_space<vmem>>, vector<16xi32>,
    %swap3A_1020 = vector.shape_cast %swap3A_1019 : vector<16xi32> to vector<16xi32>
    %swap3A_1021 = vector.shape_cast %select_n3A_1017 : vector<16xi32> to vector<16xi32>
    tpu.vector_store %arg8[%swap3A_1018], %swap3A_1021 {strides = array<i32>} : memref<2048xi32, #tpu.memory_space<vmem>>, vector<16xi32>,
    %add3A_1022 = arith.constant 1040 : i32
    %add3A_1023 = arith.addi %mul3A_32, %add3A_1022 : i32
    %add3A_1024 = vector.broadcast %add3A_1023 : i32 to vector<16xi32>
    %add3A_1025 = arith.addi %add3A_1024, %iota3A : vector<16xi32>
    %ge3A_1026 = vector.broadcast %squeeze3A : i32 to vector<16xi32>
    %ge3A_1027 = arith.cmpi sge, %add3A_1025, %ge3A_1026 : vector<16xi32>
    %jit3A_1028 = arith.constant 1 : i32
    %jit3A_1029 = arith.constant 0 : i32
    %broadcast_in_dim3A_1030 = vector.broadcast %jit3A_1028 : i32 to vector<16xi32>
    %broadcast_in_dim3A_1031 = vector.broadcast %jit3A_1029 : i32 to vector<16xi32>
    %select_n3A_1032 = arith.select %ge3A_1027, %broadcast_in_dim3A_1030, %broadcast_in_dim3A_1031 : vector<16xi1>, vector<16xi32>
    %swap3A_1033 = arith.constant 1040 : index
    %swap3A_1034 = tpu.vector_load %arg8[%swap3A_1033] {strides = array<i32>} : memref<2048xi32, #tpu.memory_space<vmem>>, vector<16xi32>,
    %swap3A_1035 = vector.shape_cast %swap3A_1034 : vector<16xi32> to vector<16xi32>
    %swap3A_1036 = vector.shape_cast %select_n3A_1032 : vector<16xi32> to vector<16xi32>
    tpu.vector_store %arg8[%swap3A_1033], %swap3A_1036 {strides = array<i32>} : memref<2048xi32, #tpu.memory_space<vmem>>, vector<16xi32>,
    %add3A_1037 = arith.constant 1056 : i32
    %add3A_1038 = arith.addi %mul3A_32, %add3A_1037 : i32
    %add3A_1039 = vector.broadcast %add3A_1038 : i32 to vector<16xi32>
    %add3A_1040 = arith.addi %add3A_1039, %iota3A : vector<16xi32>
    %ge3A_1041 = vector.broadcast %squeeze3A : i32 to vector<16xi32>
    %ge3A_1042 = arith.cmpi sge, %add3A_1040, %ge3A_1041 : vector<16xi32>
    %jit3A_1043 = arith.constant 1 : i32
    %jit3A_1044 = arith.constant 0 : i32
    %broadcast_in_dim3A_1045 = vector.broadcast %jit3A_1043 : i32 to vector<16xi32>
    %broadcast_in_dim3A_1046 = vector.broadcast %jit3A_1044 : i32 to vector<16xi32>
    %select_n3A_1047 = arith.select %ge3A_1042, %broadcast_in_dim3A_1045, %broadcast_in_dim3A_1046 : vector<16xi1>, vector<16xi32>
    %swap3A_1048 = arith.constant 1056 : index
    %swap3A_1049 = tpu.vector_load %arg8[%swap3A_1048] {strides = array<i32>} : memref<2048xi32, #tpu.memory_space<vmem>>, vector<16xi32>,
    %swap3A_1050 = vector.shape_cast %swap3A_1049 : vector<16xi32> to vector<16xi32>
    %swap3A_1051 = vector.shape_cast %select_n3A_1047 : vector<16xi32> to vector<16xi32>
    tpu.vector_store %arg8[%swap3A_1048], %swap3A_1051 {strides = array<i32>} : memref<2048xi32, #tpu.memory_space<vmem>>, vector<16xi32>,
    %add3A_1052 = arith.constant 1072 : i32
    %add3A_1053 = arith.addi %mul3A_32, %add3A_1052 : i32
    %add3A_1054 = vector.broadcast %add3A_1053 : i32 to vector<16xi32>
    %add3A_1055 = arith.addi %add3A_1054, %iota3A : vector<16xi32>
    %ge3A_1056 = vector.broadcast %squeeze3A : i32 to vector<16xi32>
    %ge3A_1057 = arith.cmpi sge, %add3A_1055, %ge3A_1056 : vector<16xi32>
    %jit3A_1058 = arith.constant 1 : i32
    %jit3A_1059 = arith.constant 0 : i32
    %broadcast_in_dim3A_1060 = vector.broadcast %jit3A_1058 : i32 to vector<16xi32>
    %broadcast_in_dim3A_1061 = vector.broadcast %jit3A_1059 : i32 to vector<16xi32>
    %select_n3A_1062 = arith.select %ge3A_1057, %broadcast_in_dim3A_1060, %broadcast_in_dim3A_1061 : vector<16xi1>, vector<16xi32>
    %swap3A_1063 = arith.constant 1072 : index
    %swap3A_1064 = tpu.vector_load %arg8[%swap3A_1063] {strides = array<i32>} : memref<2048xi32, #tpu.memory_space<vmem>>, vector<16xi32>,
    %swap3A_1065 = vector.shape_cast %swap3A_1064 : vector<16xi32> to vector<16xi32>
    %swap3A_1066 = vector.shape_cast %select_n3A_1062 : vector<16xi32> to vector<16xi32>
    tpu.vector_store %arg8[%swap3A_1063], %swap3A_1066 {strides = array<i32>} : memref<2048xi32, #tpu.memory_space<vmem>>, vector<16xi32>,
    %add3A_1067 = arith.constant 1088 : i32
    %add3A_1068 = arith.addi %mul3A_32, %add3A_1067 : i32
    %add3A_1069 = vector.broadcast %add3A_1068 : i32 to vector<16xi32>
    %add3A_1070 = arith.addi %add3A_1069, %iota3A : vector<16xi32>
    %ge3A_1071 = vector.broadcast %squeeze3A : i32 to vector<16xi32>
    %ge3A_1072 = arith.cmpi sge, %add3A_1070, %ge3A_1071 : vector<16xi32>
    %jit3A_1073 = arith.constant 1 : i32
    %jit3A_1074 = arith.constant 0 : i32
    %broadcast_in_dim3A_1075 = vector.broadcast %jit3A_1073 : i32 to vector<16xi32>
    %broadcast_in_dim3A_1076 = vector.broadcast %jit3A_1074 : i32 to vector<16xi32>
    %select_n3A_1077 = arith.select %ge3A_1072, %broadcast_in_dim3A_1075, %broadcast_in_dim3A_1076 : vector<16xi1>, vector<16xi32>
    %swap3A_1078 = arith.constant 1088 : index
    %swap3A_1079 = tpu.vector_load %arg8[%swap3A_1078] {strides = array<i32>} : memref<2048xi32, #tpu.memory_space<vmem>>, vector<16xi32>,
    %swap3A_1080 = vector.shape_cast %swap3A_1079 : vector<16xi32> to vector<16xi32>
    %swap3A_1081 = vector.shape_cast %select_n3A_1077 : vector<16xi32> to vector<16xi32>
    tpu.vector_store %arg8[%swap3A_1078], %swap3A_1081 {strides = array<i32>} : memref<2048xi32, #tpu.memory_space<vmem>>, vector<16xi32>,
    %add3A_1082 = arith.constant 1104 : i32
    %add3A_1083 = arith.addi %mul3A_32, %add3A_1082 : i32
    %add3A_1084 = vector.broadcast %add3A_1083 : i32 to vector<16xi32>
    %add3A_1085 = arith.addi %add3A_1084, %iota3A : vector<16xi32>
    %ge3A_1086 = vector.broadcast %squeeze3A : i32 to vector<16xi32>
    %ge3A_1087 = arith.cmpi sge, %add3A_1085, %ge3A_1086 : vector<16xi32>
    %jit3A_1088 = arith.constant 1 : i32
    %jit3A_1089 = arith.constant 0 : i32
    %broadcast_in_dim3A_1090 = vector.broadcast %jit3A_1088 : i32 to vector<16xi32>
    %broadcast_in_dim3A_1091 = vector.broadcast %jit3A_1089 : i32 to vector<16xi32>
    %select_n3A_1092 = arith.select %ge3A_1087, %broadcast_in_dim3A_1090, %broadcast_in_dim3A_1091 : vector<16xi1>, vector<16xi32>
    %swap3A_1093 = arith.constant 1104 : index
    %swap3A_1094 = tpu.vector_load %arg8[%swap3A_1093] {strides = array<i32>} : memref<2048xi32, #tpu.memory_space<vmem>>, vector<16xi32>,
    %swap3A_1095 = vector.shape_cast %swap3A_1094 : vector<16xi32> to vector<16xi32>
    %swap3A_1096 = vector.shape_cast %select_n3A_1092 : vector<16xi32> to vector<16xi32>
    tpu.vector_store %arg8[%swap3A_1093], %swap3A_1096 {strides = array<i32>} : memref<2048xi32, #tpu.memory_space<vmem>>, vector<16xi32>,
    %add3A_1097 = arith.constant 1120 : i32
    %add3A_1098 = arith.addi %mul3A_32, %add3A_1097 : i32
    %add3A_1099 = vector.broadcast %add3A_1098 : i32 to vector<16xi32>
    %add3A_1100 = arith.addi %add3A_1099, %iota3A : vector<16xi32>
    %ge3A_1101 = vector.broadcast %squeeze3A : i32 to vector<16xi32>
    %ge3A_1102 = arith.cmpi sge, %add3A_1100, %ge3A_1101 : vector<16xi32>
    %jit3A_1103 = arith.constant 1 : i32
    %jit3A_1104 = arith.constant 0 : i32
    %broadcast_in_dim3A_1105 = vector.broadcast %jit3A_1103 : i32 to vector<16xi32>
    %broadcast_in_dim3A_1106 = vector.broadcast %jit3A_1104 : i32 to vector<16xi32>
    %select_n3A_1107 = arith.select %ge3A_1102, %broadcast_in_dim3A_1105, %broadcast_in_dim3A_1106 : vector<16xi1>, vector<16xi32>
    %swap3A_1108 = arith.constant 1120 : index
    %swap3A_1109 = tpu.vector_load %arg8[%swap3A_1108] {strides = array<i32>} : memref<2048xi32, #tpu.memory_space<vmem>>, vector<16xi32>,
    %swap3A_1110 = vector.shape_cast %swap3A_1109 : vector<16xi32> to vector<16xi32>
    %swap3A_1111 = vector.shape_cast %select_n3A_1107 : vector<16xi32> to vector<16xi32>
    tpu.vector_store %arg8[%swap3A_1108], %swap3A_1111 {strides = array<i32>} : memref<2048xi32, #tpu.memory_space<vmem>>, vector<16xi32>,
    %add3A_1112 = arith.constant 1136 : i32
    %add3A_1113 = arith.addi %mul3A_32, %add3A_1112 : i32
    %add3A_1114 = vector.broadcast %add3A_1113 : i32 to vector<16xi32>
    %add3A_1115 = arith.addi %add3A_1114, %iota3A : vector<16xi32>
    %ge3A_1116 = vector.broadcast %squeeze3A : i32 to vector<16xi32>
    %ge3A_1117 = arith.cmpi sge, %add3A_1115, %ge3A_1116 : vector<16xi32>
    %jit3A_1118 = arith.constant 1 : i32
    %jit3A_1119 = arith.constant 0 : i32
    %broadcast_in_dim3A_1120 = vector.broadcast %jit3A_1118 : i32 to vector<16xi32>
    %broadcast_in_dim3A_1121 = vector.broadcast %jit3A_1119 : i32 to vector<16xi32>
    %select_n3A_1122 = arith.select %ge3A_1117, %broadcast_in_dim3A_1120, %broadcast_in_dim3A_1121 : vector<16xi1>, vector<16xi32>
    %swap3A_1123 = arith.constant 1136 : index
    %swap3A_1124 = tpu.vector_load %arg8[%swap3A_1123] {strides = array<i32>} : memref<2048xi32, #tpu.memory_space<vmem>>, vector<16xi32>,
    %swap3A_1125 = vector.shape_cast %swap3A_1124 : vector<16xi32> to vector<16xi32>
    %swap3A_1126 = vector.shape_cast %select_n3A_1122 : vector<16xi32> to vector<16xi32>
    tpu.vector_store %arg8[%swap3A_1123], %swap3A_1126 {strides = array<i32>} : memref<2048xi32, #tpu.memory_space<vmem>>, vector<16xi32>,
    %add3A_1127 = arith.constant 1152 : i32
    %add3A_1128 = arith.addi %mul3A_32, %add3A_1127 : i32
    %add3A_1129 = vector.broadcast %add3A_1128 : i32 to vector<16xi32>
    %add3A_1130 = arith.addi %add3A_1129, %iota3A : vector<16xi32>
    %ge3A_1131 = vector.broadcast %squeeze3A : i32 to vector<16xi32>
    %ge3A_1132 = arith.cmpi sge, %add3A_1130, %ge3A_1131 : vector<16xi32>
    %jit3A_1133 = arith.constant 1 : i32
    %jit3A_1134 = arith.constant 0 : i32
    %broadcast_in_dim3A_1135 = vector.broadcast %jit3A_1133 : i32 to vector<16xi32>
    %broadcast_in_dim3A_1136 = vector.broadcast %jit3A_1134 : i32 to vector<16xi32>
    %select_n3A_1137 = arith.select %ge3A_1132, %broadcast_in_dim3A_1135, %broadcast_in_dim3A_1136 : vector<16xi1>, vector<16xi32>
    %swap3A_1138 = arith.constant 1152 : index
    %swap3A_1139 = tpu.vector_load %arg8[%swap3A_1138] {strides = array<i32>} : memref<2048xi32, #tpu.memory_space<vmem>>, vector<16xi32>,
    %swap3A_1140 = vector.shape_cast %swap3A_1139 : vector<16xi32> to vector<16xi32>
    %swap3A_1141 = vector.shape_cast %select_n3A_1137 : vector<16xi32> to vector<16xi32>
    tpu.vector_store %arg8[%swap3A_1138], %swap3A_1141 {strides = array<i32>} : memref<2048xi32, #tpu.memory_space<vmem>>, vector<16xi32>,
    %add3A_1142 = arith.constant 1168 : i32
    %add3A_1143 = arith.addi %mul3A_32, %add3A_1142 : i32
    %add3A_1144 = vector.broadcast %add3A_1143 : i32 to vector<16xi32>
    %add3A_1145 = arith.addi %add3A_1144, %iota3A : vector<16xi32>
    %ge3A_1146 = vector.broadcast %squeeze3A : i32 to vector<16xi32>
    %ge3A_1147 = arith.cmpi sge, %add3A_1145, %ge3A_1146 : vector<16xi32>
    %jit3A_1148 = arith.constant 1 : i32
    %jit3A_1149 = arith.constant 0 : i32
    %broadcast_in_dim3A_1150 = vector.broadcast %jit3A_1148 : i32 to vector<16xi32>
    %broadcast_in_dim3A_1151 = vector.broadcast %jit3A_1149 : i32 to vector<16xi32>
    %select_n3A_1152 = arith.select %ge3A_1147, %broadcast_in_dim3A_1150, %broadcast_in_dim3A_1151 : vector<16xi1>, vector<16xi32>
    %swap3A_1153 = arith.constant 1168 : index
    %swap3A_1154 = tpu.vector_load %arg8[%swap3A_1153] {strides = array<i32>} : memref<2048xi32, #tpu.memory_space<vmem>>, vector<16xi32>,
    %swap3A_1155 = vector.shape_cast %swap3A_1154 : vector<16xi32> to vector<16xi32>
    %swap3A_1156 = vector.shape_cast %select_n3A_1152 : vector<16xi32> to vector<16xi32>
    tpu.vector_store %arg8[%swap3A_1153], %swap3A_1156 {strides = array<i32>} : memref<2048xi32, #tpu.memory_space<vmem>>, vector<16xi32>,
    %add3A_1157 = arith.constant 1184 : i32
    %add3A_1158 = arith.addi %mul3A_32, %add3A_1157 : i32
    %add3A_1159 = vector.broadcast %add3A_1158 : i32 to vector<16xi32>
    %add3A_1160 = arith.addi %add3A_1159, %iota3A : vector<16xi32>
    %ge3A_1161 = vector.broadcast %squeeze3A : i32 to vector<16xi32>
    %ge3A_1162 = arith.cmpi sge, %add3A_1160, %ge3A_1161 : vector<16xi32>
    %jit3A_1163 = arith.constant 1 : i32
    %jit3A_1164 = arith.constant 0 : i32
    %broadcast_in_dim3A_1165 = vector.broadcast %jit3A_1163 : i32 to vector<16xi32>
    %broadcast_in_dim3A_1166 = vector.broadcast %jit3A_1164 : i32 to vector<16xi32>
    %select_n3A_1167 = arith.select %ge3A_1162, %broadcast_in_dim3A_1165, %broadcast_in_dim3A_1166 : vector<16xi1>, vector<16xi32>
    %swap3A_1168 = arith.constant 1184 : index
    %swap3A_1169 = tpu.vector_load %arg8[%swap3A_1168] {strides = array<i32>} : memref<2048xi32, #tpu.memory_space<vmem>>, vector<16xi32>,
    %swap3A_1170 = vector.shape_cast %swap3A_1169 : vector<16xi32> to vector<16xi32>
    %swap3A_1171 = vector.shape_cast %select_n3A_1167 : vector<16xi32> to vector<16xi32>
    tpu.vector_store %arg8[%swap3A_1168], %swap3A_1171 {strides = array<i32>} : memref<2048xi32, #tpu.memory_space<vmem>>, vector<16xi32>,
    %add3A_1172 = arith.constant 1200 : i32
    %add3A_1173 = arith.addi %mul3A_32, %add3A_1172 : i32
    %add3A_1174 = vector.broadcast %add3A_1173 : i32 to vector<16xi32>
    %add3A_1175 = arith.addi %add3A_1174, %iota3A : vector<16xi32>
    %ge3A_1176 = vector.broadcast %squeeze3A : i32 to vector<16xi32>
    %ge3A_1177 = arith.cmpi sge, %add3A_1175, %ge3A_1176 : vector<16xi32>
    %jit3A_1178 = arith.constant 1 : i32
    %jit3A_1179 = arith.constant 0 : i32
    %broadcast_in_dim3A_1180 = vector.broadcast %jit3A_1178 : i32 to vector<16xi32>
    %broadcast_in_dim3A_1181 = vector.broadcast %jit3A_1179 : i32 to vector<16xi32>
    %select_n3A_1182 = arith.select %ge3A_1177, %broadcast_in_dim3A_1180, %broadcast_in_dim3A_1181 : vector<16xi1>, vector<16xi32>
    %swap3A_1183 = arith.constant 1200 : index
    %swap3A_1184 = tpu.vector_load %arg8[%swap3A_1183] {strides = array<i32>} : memref<2048xi32, #tpu.memory_space<vmem>>, vector<16xi32>,
    %swap3A_1185 = vector.shape_cast %swap3A_1184 : vector<16xi32> to vector<16xi32>
    %swap3A_1186 = vector.shape_cast %select_n3A_1182 : vector<16xi32> to vector<16xi32>
    tpu.vector_store %arg8[%swap3A_1183], %swap3A_1186 {strides = array<i32>} : memref<2048xi32, #tpu.memory_space<vmem>>, vector<16xi32>,
    %add3A_1187 = arith.constant 1216 : i32
    %add3A_1188 = arith.addi %mul3A_32, %add3A_1187 : i32
    %add3A_1189 = vector.broadcast %add3A_1188 : i32 to vector<16xi32>
    %add3A_1190 = arith.addi %add3A_1189, %iota3A : vector<16xi32>
    %ge3A_1191 = vector.broadcast %squeeze3A : i32 to vector<16xi32>
    %ge3A_1192 = arith.cmpi sge, %add3A_1190, %ge3A_1191 : vector<16xi32>
    %jit3A_1193 = arith.constant 1 : i32
    %jit3A_1194 = arith.constant 0 : i32
    %broadcast_in_dim3A_1195 = vector.broadcast %jit3A_1193 : i32 to vector<16xi32>
    %broadcast_in_dim3A_1196 = vector.broadcast %jit3A_1194 : i32 to vector<16xi32>
    %select_n3A_1197 = arith.select %ge3A_1192, %broadcast_in_dim3A_1195, %broadcast_in_dim3A_1196 : vector<16xi1>, vector<16xi32>
    %swap3A_1198 = arith.constant 1216 : index
    %swap3A_1199 = tpu.vector_load %arg8[%swap3A_1198] {strides = array<i32>} : memref<2048xi32, #tpu.memory_space<vmem>>, vector<16xi32>,
    %swap3A_1200 = vector.shape_cast %swap3A_1199 : vector<16xi32> to vector<16xi32>
    %swap3A_1201 = vector.shape_cast %select_n3A_1197 : vector<16xi32> to vector<16xi32>
    tpu.vector_store %arg8[%swap3A_1198], %swap3A_1201 {strides = array<i32>} : memref<2048xi32, #tpu.memory_space<vmem>>, vector<16xi32>,
    %add3A_1202 = arith.constant 1232 : i32
    %add3A_1203 = arith.addi %mul3A_32, %add3A_1202 : i32
    %add3A_1204 = vector.broadcast %add3A_1203 : i32 to vector<16xi32>
    %add3A_1205 = arith.addi %add3A_1204, %iota3A : vector<16xi32>
    %ge3A_1206 = vector.broadcast %squeeze3A : i32 to vector<16xi32>
    %ge3A_1207 = arith.cmpi sge, %add3A_1205, %ge3A_1206 : vector<16xi32>
    %jit3A_1208 = arith.constant 1 : i32
    %jit3A_1209 = arith.constant 0 : i32
    %broadcast_in_dim3A_1210 = vector.broadcast %jit3A_1208 : i32 to vector<16xi32>
    %broadcast_in_dim3A_1211 = vector.broadcast %jit3A_1209 : i32 to vector<16xi32>
    %select_n3A_1212 = arith.select %ge3A_1207, %broadcast_in_dim3A_1210, %broadcast_in_dim3A_1211 : vector<16xi1>, vector<16xi32>
    %swap3A_1213 = arith.constant 1232 : index
    %swap3A_1214 = tpu.vector_load %arg8[%swap3A_1213] {strides = array<i32>} : memref<2048xi32, #tpu.memory_space<vmem>>, vector<16xi32>,
    %swap3A_1215 = vector.shape_cast %swap3A_1214 : vector<16xi32> to vector<16xi32>
    %swap3A_1216 = vector.shape_cast %select_n3A_1212 : vector<16xi32> to vector<16xi32>
    tpu.vector_store %arg8[%swap3A_1213], %swap3A_1216 {strides = array<i32>} : memref<2048xi32, #tpu.memory_space<vmem>>, vector<16xi32>,
    %add3A_1217 = arith.constant 1248 : i32
    %add3A_1218 = arith.addi %mul3A_32, %add3A_1217 : i32
    %add3A_1219 = vector.broadcast %add3A_1218 : i32 to vector<16xi32>
    %add3A_1220 = arith.addi %add3A_1219, %iota3A : vector<16xi32>
    %ge3A_1221 = vector.broadcast %squeeze3A : i32 to vector<16xi32>
    %ge3A_1222 = arith.cmpi sge, %add3A_1220, %ge3A_1221 : vector<16xi32>
    %jit3A_1223 = arith.constant 1 : i32
    %jit3A_1224 = arith.constant 0 : i32
    %broadcast_in_dim3A_1225 = vector.broadcast %jit3A_1223 : i32 to vector<16xi32>
    %broadcast_in_dim3A_1226 = vector.broadcast %jit3A_1224 : i32 to vector<16xi32>
    %select_n3A_1227 = arith.select %ge3A_1222, %broadcast_in_dim3A_1225, %broadcast_in_dim3A_1226 : vector<16xi1>, vector<16xi32>
    %swap3A_1228 = arith.constant 1248 : index
    %swap3A_1229 = tpu.vector_load %arg8[%swap3A_1228] {strides = array<i32>} : memref<2048xi32, #tpu.memory_space<vmem>>, vector<16xi32>,
    %swap3A_1230 = vector.shape_cast %swap3A_1229 : vector<16xi32> to vector<16xi32>
    %swap3A_1231 = vector.shape_cast %select_n3A_1227 : vector<16xi32> to vector<16xi32>
    tpu.vector_store %arg8[%swap3A_1228], %swap3A_1231 {strides = array<i32>} : memref<2048xi32, #tpu.memory_space<vmem>>, vector<16xi32>,
    %add3A_1232 = arith.constant 1264 : i32
    %add3A_1233 = arith.addi %mul3A_32, %add3A_1232 : i32
    %add3A_1234 = vector.broadcast %add3A_1233 : i32 to vector<16xi32>
    %add3A_1235 = arith.addi %add3A_1234, %iota3A : vector<16xi32>
    %ge3A_1236 = vector.broadcast %squeeze3A : i32 to vector<16xi32>
    %ge3A_1237 = arith.cmpi sge, %add3A_1235, %ge3A_1236 : vector<16xi32>
    %jit3A_1238 = arith.constant 1 : i32
    %jit3A_1239 = arith.constant 0 : i32
    %broadcast_in_dim3A_1240 = vector.broadcast %jit3A_1238 : i32 to vector<16xi32>
    %broadcast_in_dim3A_1241 = vector.broadcast %jit3A_1239 : i32 to vector<16xi32>
    %select_n3A_1242 = arith.select %ge3A_1237, %broadcast_in_dim3A_1240, %broadcast_in_dim3A_1241 : vector<16xi1>, vector<16xi32>
    %swap3A_1243 = arith.constant 1264 : index
    %swap3A_1244 = tpu.vector_load %arg8[%swap3A_1243] {strides = array<i32>} : memref<2048xi32, #tpu.memory_space<vmem>>, vector<16xi32>,
    %swap3A_1245 = vector.shape_cast %swap3A_1244 : vector<16xi32> to vector<16xi32>
    %swap3A_1246 = vector.shape_cast %select_n3A_1242 : vector<16xi32> to vector<16xi32>
    tpu.vector_store %arg8[%swap3A_1243], %swap3A_1246 {strides = array<i32>} : memref<2048xi32, #tpu.memory_space<vmem>>, vector<16xi32>,
    %add3A_1247 = arith.constant 1280 : i32
    %add3A_1248 = arith.addi %mul3A_32, %add3A_1247 : i32
    %add3A_1249 = vector.broadcast %add3A_1248 : i32 to vector<16xi32>
    %add3A_1250 = arith.addi %add3A_1249, %iota3A : vector<16xi32>
    %ge3A_1251 = vector.broadcast %squeeze3A : i32 to vector<16xi32>
    %ge3A_1252 = arith.cmpi sge, %add3A_1250, %ge3A_1251 : vector<16xi32>
    %jit3A_1253 = arith.constant 1 : i32
    %jit3A_1254 = arith.constant 0 : i32
    %broadcast_in_dim3A_1255 = vector.broadcast %jit3A_1253 : i32 to vector<16xi32>
    %broadcast_in_dim3A_1256 = vector.broadcast %jit3A_1254 : i32 to vector<16xi32>
    %select_n3A_1257 = arith.select %ge3A_1252, %broadcast_in_dim3A_1255, %broadcast_in_dim3A_1256 : vector<16xi1>, vector<16xi32>
    %swap3A_1258 = arith.constant 1280 : index
    %swap3A_1259 = tpu.vector_load %arg8[%swap3A_1258] {strides = array<i32>} : memref<2048xi32, #tpu.memory_space<vmem>>, vector<16xi32>,
    %swap3A_1260 = vector.shape_cast %swap3A_1259 : vector<16xi32> to vector<16xi32>
    %swap3A_1261 = vector.shape_cast %select_n3A_1257 : vector<16xi32> to vector<16xi32>
    tpu.vector_store %arg8[%swap3A_1258], %swap3A_1261 {strides = array<i32>} : memref<2048xi32, #tpu.memory_space<vmem>>, vector<16xi32>,
    %add3A_1262 = arith.constant 1296 : i32
    %add3A_1263 = arith.addi %mul3A_32, %add3A_1262 : i32
    %add3A_1264 = vector.broadcast %add3A_1263 : i32 to vector<16xi32>
    %add3A_1265 = arith.addi %add3A_1264, %iota3A : vector<16xi32>
    %ge3A_1266 = vector.broadcast %squeeze3A : i32 to vector<16xi32>
    %ge3A_1267 = arith.cmpi sge, %add3A_1265, %ge3A_1266 : vector<16xi32>
    %jit3A_1268 = arith.constant 1 : i32
    %jit3A_1269 = arith.constant 0 : i32
    %broadcast_in_dim3A_1270 = vector.broadcast %jit3A_1268 : i32 to vector<16xi32>
    %broadcast_in_dim3A_1271 = vector.broadcast %jit3A_1269 : i32 to vector<16xi32>
    %select_n3A_1272 = arith.select %ge3A_1267, %broadcast_in_dim3A_1270, %broadcast_in_dim3A_1271 : vector<16xi1>, vector<16xi32>
    %swap3A_1273 = arith.constant 1296 : index
    %swap3A_1274 = tpu.vector_load %arg8[%swap3A_1273] {strides = array<i32>} : memref<2048xi32, #tpu.memory_space<vmem>>, vector<16xi32>,
    %swap3A_1275 = vector.shape_cast %swap3A_1274 : vector<16xi32> to vector<16xi32>
    %swap3A_1276 = vector.shape_cast %select_n3A_1272 : vector<16xi32> to vector<16xi32>
    tpu.vector_store %arg8[%swap3A_1273], %swap3A_1276 {strides = array<i32>} : memref<2048xi32, #tpu.memory_space<vmem>>, vector<16xi32>,
    %add3A_1277 = arith.constant 1312 : i32
    %add3A_1278 = arith.addi %mul3A_32, %add3A_1277 : i32
    %add3A_1279 = vector.broadcast %add3A_1278 : i32 to vector<16xi32>
    %add3A_1280 = arith.addi %add3A_1279, %iota3A : vector<16xi32>
    %ge3A_1281 = vector.broadcast %squeeze3A : i32 to vector<16xi32>
    %ge3A_1282 = arith.cmpi sge, %add3A_1280, %ge3A_1281 : vector<16xi32>
    %jit3A_1283 = arith.constant 1 : i32
    %jit3A_1284 = arith.constant 0 : i32
    %broadcast_in_dim3A_1285 = vector.broadcast %jit3A_1283 : i32 to vector<16xi32>
    %broadcast_in_dim3A_1286 = vector.broadcast %jit3A_1284 : i32 to vector<16xi32>
    %select_n3A_1287 = arith.select %ge3A_1282, %broadcast_in_dim3A_1285, %broadcast_in_dim3A_1286 : vector<16xi1>, vector<16xi32>
    %swap3A_1288 = arith.constant 1312 : index
    %swap3A_1289 = tpu.vector_load %arg8[%swap3A_1288] {strides = array<i32>} : memref<2048xi32, #tpu.memory_space<vmem>>, vector<16xi32>,
    %swap3A_1290 = vector.shape_cast %swap3A_1289 : vector<16xi32> to vector<16xi32>
    %swap3A_1291 = vector.shape_cast %select_n3A_1287 : vector<16xi32> to vector<16xi32>
    tpu.vector_store %arg8[%swap3A_1288], %swap3A_1291 {strides = array<i32>} : memref<2048xi32, #tpu.memory_space<vmem>>, vector<16xi32>,
    %add3A_1292 = arith.constant 1328 : i32
    %add3A_1293 = arith.addi %mul3A_32, %add3A_1292 : i32
    %add3A_1294 = vector.broadcast %add3A_1293 : i32 to vector<16xi32>
    %add3A_1295 = arith.addi %add3A_1294, %iota3A : vector<16xi32>
    %ge3A_1296 = vector.broadcast %squeeze3A : i32 to vector<16xi32>
    %ge3A_1297 = arith.cmpi sge, %add3A_1295, %ge3A_1296 : vector<16xi32>
    %jit3A_1298 = arith.constant 1 : i32
    %jit3A_1299 = arith.constant 0 : i32
    %broadcast_in_dim3A_1300 = vector.broadcast %jit3A_1298 : i32 to vector<16xi32>
    %broadcast_in_dim3A_1301 = vector.broadcast %jit3A_1299 : i32 to vector<16xi32>
    %select_n3A_1302 = arith.select %ge3A_1297, %broadcast_in_dim3A_1300, %broadcast_in_dim3A_1301 : vector<16xi1>, vector<16xi32>
    %swap3A_1303 = arith.constant 1328 : index
    %swap3A_1304 = tpu.vector_load %arg8[%swap3A_1303] {strides = array<i32>} : memref<2048xi32, #tpu.memory_space<vmem>>, vector<16xi32>,
    %swap3A_1305 = vector.shape_cast %swap3A_1304 : vector<16xi32> to vector<16xi32>
    %swap3A_1306 = vector.shape_cast %select_n3A_1302 : vector<16xi32> to vector<16xi32>
    tpu.vector_store %arg8[%swap3A_1303], %swap3A_1306 {strides = array<i32>} : memref<2048xi32, #tpu.memory_space<vmem>>, vector<16xi32>,
    %add3A_1307 = arith.constant 1344 : i32
    %add3A_1308 = arith.addi %mul3A_32, %add3A_1307 : i32
    %add3A_1309 = vector.broadcast %add3A_1308 : i32 to vector<16xi32>
    %add3A_1310 = arith.addi %add3A_1309, %iota3A : vector<16xi32>
    %ge3A_1311 = vector.broadcast %squeeze3A : i32 to vector<16xi32>
    %ge3A_1312 = arith.cmpi sge, %add3A_1310, %ge3A_1311 : vector<16xi32>
    %jit3A_1313 = arith.constant 1 : i32
    %jit3A_1314 = arith.constant 0 : i32
    %broadcast_in_dim3A_1315 = vector.broadcast %jit3A_1313 : i32 to vector<16xi32>
    %broadcast_in_dim3A_1316 = vector.broadcast %jit3A_1314 : i32 to vector<16xi32>
    %select_n3A_1317 = arith.select %ge3A_1312, %broadcast_in_dim3A_1315, %broadcast_in_dim3A_1316 : vector<16xi1>, vector<16xi32>
    %swap3A_1318 = arith.constant 1344 : index
    %swap3A_1319 = tpu.vector_load %arg8[%swap3A_1318] {strides = array<i32>} : memref<2048xi32, #tpu.memory_space<vmem>>, vector<16xi32>,
    %swap3A_1320 = vector.shape_cast %swap3A_1319 : vector<16xi32> to vector<16xi32>
    %swap3A_1321 = vector.shape_cast %select_n3A_1317 : vector<16xi32> to vector<16xi32>
    tpu.vector_store %arg8[%swap3A_1318], %swap3A_1321 {strides = array<i32>} : memref<2048xi32, #tpu.memory_space<vmem>>, vector<16xi32>,
    %add3A_1322 = arith.constant 1360 : i32
    %add3A_1323 = arith.addi %mul3A_32, %add3A_1322 : i32
    %add3A_1324 = vector.broadcast %add3A_1323 : i32 to vector<16xi32>
    %add3A_1325 = arith.addi %add3A_1324, %iota3A : vector<16xi32>
    %ge3A_1326 = vector.broadcast %squeeze3A : i32 to vector<16xi32>
    %ge3A_1327 = arith.cmpi sge, %add3A_1325, %ge3A_1326 : vector<16xi32>
    %jit3A_1328 = arith.constant 1 : i32
    %jit3A_1329 = arith.constant 0 : i32
    %broadcast_in_dim3A_1330 = vector.broadcast %jit3A_1328 : i32 to vector<16xi32>
    %broadcast_in_dim3A_1331 = vector.broadcast %jit3A_1329 : i32 to vector<16xi32>
    %select_n3A_1332 = arith.select %ge3A_1327, %broadcast_in_dim3A_1330, %broadcast_in_dim3A_1331 : vector<16xi1>, vector<16xi32>
    %swap3A_1333 = arith.constant 1360 : index
    %swap3A_1334 = tpu.vector_load %arg8[%swap3A_1333] {strides = array<i32>} : memref<2048xi32, #tpu.memory_space<vmem>>, vector<16xi32>,
    %swap3A_1335 = vector.shape_cast %swap3A_1334 : vector<16xi32> to vector<16xi32>
    %swap3A_1336 = vector.shape_cast %select_n3A_1332 : vector<16xi32> to vector<16xi32>
    tpu.vector_store %arg8[%swap3A_1333], %swap3A_1336 {strides = array<i32>} : memref<2048xi32, #tpu.memory_space<vmem>>, vector<16xi32>,
    %add3A_1337 = arith.constant 1376 : i32
    %add3A_1338 = arith.addi %mul3A_32, %add3A_1337 : i32
    %add3A_1339 = vector.broadcast %add3A_1338 : i32 to vector<16xi32>
    %add3A_1340 = arith.addi %add3A_1339, %iota3A : vector<16xi32>
    %ge3A_1341 = vector.broadcast %squeeze3A : i32 to vector<16xi32>
    %ge3A_1342 = arith.cmpi sge, %add3A_1340, %ge3A_1341 : vector<16xi32>
    %jit3A_1343 = arith.constant 1 : i32
    %jit3A_1344 = arith.constant 0 : i32
    %broadcast_in_dim3A_1345 = vector.broadcast %jit3A_1343 : i32 to vector<16xi32>
    %broadcast_in_dim3A_1346 = vector.broadcast %jit3A_1344 : i32 to vector<16xi32>
    %select_n3A_1347 = arith.select %ge3A_1342, %broadcast_in_dim3A_1345, %broadcast_in_dim3A_1346 : vector<16xi1>, vector<16xi32>
    %swap3A_1348 = arith.constant 1376 : index
    %swap3A_1349 = tpu.vector_load %arg8[%swap3A_1348] {strides = array<i32>} : memref<2048xi32, #tpu.memory_space<vmem>>, vector<16xi32>,
    %swap3A_1350 = vector.shape_cast %swap3A_1349 : vector<16xi32> to vector<16xi32>
    %swap3A_1351 = vector.shape_cast %select_n3A_1347 : vector<16xi32> to vector<16xi32>
    tpu.vector_store %arg8[%swap3A_1348], %swap3A_1351 {strides = array<i32>} : memref<2048xi32, #tpu.memory_space<vmem>>, vector<16xi32>,
    %add3A_1352 = arith.constant 1392 : i32
    %add3A_1353 = arith.addi %mul3A_32, %add3A_1352 : i32
    %add3A_1354 = vector.broadcast %add3A_1353 : i32 to vector<16xi32>
    %add3A_1355 = arith.addi %add3A_1354, %iota3A : vector<16xi32>
    %ge3A_1356 = vector.broadcast %squeeze3A : i32 to vector<16xi32>
    %ge3A_1357 = arith.cmpi sge, %add3A_1355, %ge3A_1356 : vector<16xi32>
    %jit3A_1358 = arith.constant 1 : i32
    %jit3A_1359 = arith.constant 0 : i32
    %broadcast_in_dim3A_1360 = vector.broadcast %jit3A_1358 : i32 to vector<16xi32>
    %broadcast_in_dim3A_1361 = vector.broadcast %jit3A_1359 : i32 to vector<16xi32>
    %select_n3A_1362 = arith.select %ge3A_1357, %broadcast_in_dim3A_1360, %broadcast_in_dim3A_1361 : vector<16xi1>, vector<16xi32>
    %swap3A_1363 = arith.constant 1392 : index
    %swap3A_1364 = tpu.vector_load %arg8[%swap3A_1363] {strides = array<i32>} : memref<2048xi32, #tpu.memory_space<vmem>>, vector<16xi32>,
    %swap3A_1365 = vector.shape_cast %swap3A_1364 : vector<16xi32> to vector<16xi32>
    %swap3A_1366 = vector.shape_cast %select_n3A_1362 : vector<16xi32> to vector<16xi32>
    tpu.vector_store %arg8[%swap3A_1363], %swap3A_1366 {strides = array<i32>} : memref<2048xi32, #tpu.memory_space<vmem>>, vector<16xi32>,
    %add3A_1367 = arith.constant 1408 : i32
    %add3A_1368 = arith.addi %mul3A_32, %add3A_1367 : i32
    %add3A_1369 = vector.broadcast %add3A_1368 : i32 to vector<16xi32>
    %add3A_1370 = arith.addi %add3A_1369, %iota3A : vector<16xi32>
    %ge3A_1371 = vector.broadcast %squeeze3A : i32 to vector<16xi32>
    %ge3A_1372 = arith.cmpi sge, %add3A_1370, %ge3A_1371 : vector<16xi32>
    %jit3A_1373 = arith.constant 1 : i32
    %jit3A_1374 = arith.constant 0 : i32
    %broadcast_in_dim3A_1375 = vector.broadcast %jit3A_1373 : i32 to vector<16xi32>
    %broadcast_in_dim3A_1376 = vector.broadcast %jit3A_1374 : i32 to vector<16xi32>
    %select_n3A_1377 = arith.select %ge3A_1372, %broadcast_in_dim3A_1375, %broadcast_in_dim3A_1376 : vector<16xi1>, vector<16xi32>
    %swap3A_1378 = arith.constant 1408 : index
    %swap3A_1379 = tpu.vector_load %arg8[%swap3A_1378] {strides = array<i32>} : memref<2048xi32, #tpu.memory_space<vmem>>, vector<16xi32>,
    %swap3A_1380 = vector.shape_cast %swap3A_1379 : vector<16xi32> to vector<16xi32>
    %swap3A_1381 = vector.shape_cast %select_n3A_1377 : vector<16xi32> to vector<16xi32>
    tpu.vector_store %arg8[%swap3A_1378], %swap3A_1381 {strides = array<i32>} : memref<2048xi32, #tpu.memory_space<vmem>>, vector<16xi32>,
    %add3A_1382 = arith.constant 1424 : i32
    %add3A_1383 = arith.addi %mul3A_32, %add3A_1382 : i32
    %add3A_1384 = vector.broadcast %add3A_1383 : i32 to vector<16xi32>
    %add3A_1385 = arith.addi %add3A_1384, %iota3A : vector<16xi32>
    %ge3A_1386 = vector.broadcast %squeeze3A : i32 to vector<16xi32>
    %ge3A_1387 = arith.cmpi sge, %add3A_1385, %ge3A_1386 : vector<16xi32>
    %jit3A_1388 = arith.constant 1 : i32
    %jit3A_1389 = arith.constant 0 : i32
    %broadcast_in_dim3A_1390 = vector.broadcast %jit3A_1388 : i32 to vector<16xi32>
    %broadcast_in_dim3A_1391 = vector.broadcast %jit3A_1389 : i32 to vector<16xi32>
    %select_n3A_1392 = arith.select %ge3A_1387, %broadcast_in_dim3A_1390, %broadcast_in_dim3A_1391 : vector<16xi1>, vector<16xi32>
    %swap3A_1393 = arith.constant 1424 : index
    %swap3A_1394 = tpu.vector_load %arg8[%swap3A_1393] {strides = array<i32>} : memref<2048xi32, #tpu.memory_space<vmem>>, vector<16xi32>,
    %swap3A_1395 = vector.shape_cast %swap3A_1394 : vector<16xi32> to vector<16xi32>
    %swap3A_1396 = vector.shape_cast %select_n3A_1392 : vector<16xi32> to vector<16xi32>
    tpu.vector_store %arg8[%swap3A_1393], %swap3A_1396 {strides = array<i32>} : memref<2048xi32, #tpu.memory_space<vmem>>, vector<16xi32>,
    %add3A_1397 = arith.constant 1440 : i32
    %add3A_1398 = arith.addi %mul3A_32, %add3A_1397 : i32
    %add3A_1399 = vector.broadcast %add3A_1398 : i32 to vector<16xi32>
    %add3A_1400 = arith.addi %add3A_1399, %iota3A : vector<16xi32>
    %ge3A_1401 = vector.broadcast %squeeze3A : i32 to vector<16xi32>
    %ge3A_1402 = arith.cmpi sge, %add3A_1400, %ge3A_1401 : vector<16xi32>
    %jit3A_1403 = arith.constant 1 : i32
    %jit3A_1404 = arith.constant 0 : i32
    %broadcast_in_dim3A_1405 = vector.broadcast %jit3A_1403 : i32 to vector<16xi32>
    %broadcast_in_dim3A_1406 = vector.broadcast %jit3A_1404 : i32 to vector<16xi32>
    %select_n3A_1407 = arith.select %ge3A_1402, %broadcast_in_dim3A_1405, %broadcast_in_dim3A_1406 : vector<16xi1>, vector<16xi32>
    %swap3A_1408 = arith.constant 1440 : index
    %swap3A_1409 = tpu.vector_load %arg8[%swap3A_1408] {strides = array<i32>} : memref<2048xi32, #tpu.memory_space<vmem>>, vector<16xi32>,
    %swap3A_1410 = vector.shape_cast %swap3A_1409 : vector<16xi32> to vector<16xi32>
    %swap3A_1411 = vector.shape_cast %select_n3A_1407 : vector<16xi32> to vector<16xi32>
    tpu.vector_store %arg8[%swap3A_1408], %swap3A_1411 {strides = array<i32>} : memref<2048xi32, #tpu.memory_space<vmem>>, vector<16xi32>,
    %add3A_1412 = arith.constant 1456 : i32
    %add3A_1413 = arith.addi %mul3A_32, %add3A_1412 : i32
    %add3A_1414 = vector.broadcast %add3A_1413 : i32 to vector<16xi32>
    %add3A_1415 = arith.addi %add3A_1414, %iota3A : vector<16xi32>
    %ge3A_1416 = vector.broadcast %squeeze3A : i32 to vector<16xi32>
    %ge3A_1417 = arith.cmpi sge, %add3A_1415, %ge3A_1416 : vector<16xi32>
    %jit3A_1418 = arith.constant 1 : i32
    %jit3A_1419 = arith.constant 0 : i32
    %broadcast_in_dim3A_1420 = vector.broadcast %jit3A_1418 : i32 to vector<16xi32>
    %broadcast_in_dim3A_1421 = vector.broadcast %jit3A_1419 : i32 to vector<16xi32>
    %select_n3A_1422 = arith.select %ge3A_1417, %broadcast_in_dim3A_1420, %broadcast_in_dim3A_1421 : vector<16xi1>, vector<16xi32>
    %swap3A_1423 = arith.constant 1456 : index
    %swap3A_1424 = tpu.vector_load %arg8[%swap3A_1423] {strides = array<i32>} : memref<2048xi32, #tpu.memory_space<vmem>>, vector<16xi32>,
    %swap3A_1425 = vector.shape_cast %swap3A_1424 : vector<16xi32> to vector<16xi32>
    %swap3A_1426 = vector.shape_cast %select_n3A_1422 : vector<16xi32> to vector<16xi32>
    tpu.vector_store %arg8[%swap3A_1423], %swap3A_1426 {strides = array<i32>} : memref<2048xi32, #tpu.memory_space<vmem>>, vector<16xi32>,
    %add3A_1427 = arith.constant 1472 : i32
    %add3A_1428 = arith.addi %mul3A_32, %add3A_1427 : i32
    %add3A_1429 = vector.broadcast %add3A_1428 : i32 to vector<16xi32>
    %add3A_1430 = arith.addi %add3A_1429, %iota3A : vector<16xi32>
    %ge3A_1431 = vector.broadcast %squeeze3A : i32 to vector<16xi32>
    %ge3A_1432 = arith.cmpi sge, %add3A_1430, %ge3A_1431 : vector<16xi32>
    %jit3A_1433 = arith.constant 1 : i32
    %jit3A_1434 = arith.constant 0 : i32
    %broadcast_in_dim3A_1435 = vector.broadcast %jit3A_1433 : i32 to vector<16xi32>
    %broadcast_in_dim3A_1436 = vector.broadcast %jit3A_1434 : i32 to vector<16xi32>
    %select_n3A_1437 = arith.select %ge3A_1432, %broadcast_in_dim3A_1435, %broadcast_in_dim3A_1436 : vector<16xi1>, vector<16xi32>
    %swap3A_1438 = arith.constant 1472 : index
    %swap3A_1439 = tpu.vector_load %arg8[%swap3A_1438] {strides = array<i32>} : memref<2048xi32, #tpu.memory_space<vmem>>, vector<16xi32>,
    %swap3A_1440 = vector.shape_cast %swap3A_1439 : vector<16xi32> to vector<16xi32>
    %swap3A_1441 = vector.shape_cast %select_n3A_1437 : vector<16xi32> to vector<16xi32>
    tpu.vector_store %arg8[%swap3A_1438], %swap3A_1441 {strides = array<i32>} : memref<2048xi32, #tpu.memory_space<vmem>>, vector<16xi32>,
    %add3A_1442 = arith.constant 1488 : i32
    %add3A_1443 = arith.addi %mul3A_32, %add3A_1442 : i32
    %add3A_1444 = vector.broadcast %add3A_1443 : i32 to vector<16xi32>
    %add3A_1445 = arith.addi %add3A_1444, %iota3A : vector<16xi32>
    %ge3A_1446 = vector.broadcast %squeeze3A : i32 to vector<16xi32>
    %ge3A_1447 = arith.cmpi sge, %add3A_1445, %ge3A_1446 : vector<16xi32>
    %jit3A_1448 = arith.constant 1 : i32
    %jit3A_1449 = arith.constant 0 : i32
    %broadcast_in_dim3A_1450 = vector.broadcast %jit3A_1448 : i32 to vector<16xi32>
    %broadcast_in_dim3A_1451 = vector.broadcast %jit3A_1449 : i32 to vector<16xi32>
    %select_n3A_1452 = arith.select %ge3A_1447, %broadcast_in_dim3A_1450, %broadcast_in_dim3A_1451 : vector<16xi1>, vector<16xi32>
    %swap3A_1453 = arith.constant 1488 : index
    %swap3A_1454 = tpu.vector_load %arg8[%swap3A_1453] {strides = array<i32>} : memref<2048xi32, #tpu.memory_space<vmem>>, vector<16xi32>,
    %swap3A_1455 = vector.shape_cast %swap3A_1454 : vector<16xi32> to vector<16xi32>
    %swap3A_1456 = vector.shape_cast %select_n3A_1452 : vector<16xi32> to vector<16xi32>
    tpu.vector_store %arg8[%swap3A_1453], %swap3A_1456 {strides = array<i32>} : memref<2048xi32, #tpu.memory_space<vmem>>, vector<16xi32>,
    %add3A_1457 = arith.constant 1504 : i32
    %add3A_1458 = arith.addi %mul3A_32, %add3A_1457 : i32
    %add3A_1459 = vector.broadcast %add3A_1458 : i32 to vector<16xi32>
    %add3A_1460 = arith.addi %add3A_1459, %iota3A : vector<16xi32>
    %ge3A_1461 = vector.broadcast %squeeze3A : i32 to vector<16xi32>
    %ge3A_1462 = arith.cmpi sge, %add3A_1460, %ge3A_1461 : vector<16xi32>
    %jit3A_1463 = arith.constant 1 : i32
    %jit3A_1464 = arith.constant 0 : i32
    %broadcast_in_dim3A_1465 = vector.broadcast %jit3A_1463 : i32 to vector<16xi32>
    %broadcast_in_dim3A_1466 = vector.broadcast %jit3A_1464 : i32 to vector<16xi32>
    %select_n3A_1467 = arith.select %ge3A_1462, %broadcast_in_dim3A_1465, %broadcast_in_dim3A_1466 : vector<16xi1>, vector<16xi32>
    %swap3A_1468 = arith.constant 1504 : index
    %swap3A_1469 = tpu.vector_load %arg8[%swap3A_1468] {strides = array<i32>} : memref<2048xi32, #tpu.memory_space<vmem>>, vector<16xi32>,
    %swap3A_1470 = vector.shape_cast %swap3A_1469 : vector<16xi32> to vector<16xi32>
    %swap3A_1471 = vector.shape_cast %select_n3A_1467 : vector<16xi32> to vector<16xi32>
    tpu.vector_store %arg8[%swap3A_1468], %swap3A_1471 {strides = array<i32>} : memref<2048xi32, #tpu.memory_space<vmem>>, vector<16xi32>,
    %add3A_1472 = arith.constant 1520 : i32
    %add3A_1473 = arith.addi %mul3A_32, %add3A_1472 : i32
    %add3A_1474 = vector.broadcast %add3A_1473 : i32 to vector<16xi32>
    %add3A_1475 = arith.addi %add3A_1474, %iota3A : vector<16xi32>
    %ge3A_1476 = vector.broadcast %squeeze3A : i32 to vector<16xi32>
    %ge3A_1477 = arith.cmpi sge, %add3A_1475, %ge3A_1476 : vector<16xi32>
    %jit3A_1478 = arith.constant 1 : i32
    %jit3A_1479 = arith.constant 0 : i32
    %broadcast_in_dim3A_1480 = vector.broadcast %jit3A_1478 : i32 to vector<16xi32>
    %broadcast_in_dim3A_1481 = vector.broadcast %jit3A_1479 : i32 to vector<16xi32>
    %select_n3A_1482 = arith.select %ge3A_1477, %broadcast_in_dim3A_1480, %broadcast_in_dim3A_1481 : vector<16xi1>, vector<16xi32>
    %swap3A_1483 = arith.constant 1520 : index
    %swap3A_1484 = tpu.vector_load %arg8[%swap3A_1483] {strides = array<i32>} : memref<2048xi32, #tpu.memory_space<vmem>>, vector<16xi32>,
    %swap3A_1485 = vector.shape_cast %swap3A_1484 : vector<16xi32> to vector<16xi32>
    %swap3A_1486 = vector.shape_cast %select_n3A_1482 : vector<16xi32> to vector<16xi32>
    tpu.vector_store %arg8[%swap3A_1483], %swap3A_1486 {strides = array<i32>} : memref<2048xi32, #tpu.memory_space<vmem>>, vector<16xi32>,
    %add3A_1487 = arith.constant 1536 : i32
    %add3A_1488 = arith.addi %mul3A_32, %add3A_1487 : i32
    %add3A_1489 = vector.broadcast %add3A_1488 : i32 to vector<16xi32>
    %add3A_1490 = arith.addi %add3A_1489, %iota3A : vector<16xi32>
    %ge3A_1491 = vector.broadcast %squeeze3A : i32 to vector<16xi32>
    %ge3A_1492 = arith.cmpi sge, %add3A_1490, %ge3A_1491 : vector<16xi32>
    %jit3A_1493 = arith.constant 1 : i32
    %jit3A_1494 = arith.constant 0 : i32
    %broadcast_in_dim3A_1495 = vector.broadcast %jit3A_1493 : i32 to vector<16xi32>
    %broadcast_in_dim3A_1496 = vector.broadcast %jit3A_1494 : i32 to vector<16xi32>
    %select_n3A_1497 = arith.select %ge3A_1492, %broadcast_in_dim3A_1495, %broadcast_in_dim3A_1496 : vector<16xi1>, vector<16xi32>
    %swap3A_1498 = arith.constant 1536 : index
    %swap3A_1499 = tpu.vector_load %arg8[%swap3A_1498] {strides = array<i32>} : memref<2048xi32, #tpu.memory_space<vmem>>, vector<16xi32>,
    %swap3A_1500 = vector.shape_cast %swap3A_1499 : vector<16xi32> to vector<16xi32>
    %swap3A_1501 = vector.shape_cast %select_n3A_1497 : vector<16xi32> to vector<16xi32>
    tpu.vector_store %arg8[%swap3A_1498], %swap3A_1501 {strides = array<i32>} : memref<2048xi32, #tpu.memory_space<vmem>>, vector<16xi32>,
    %add3A_1502 = arith.constant 1552 : i32
    %add3A_1503 = arith.addi %mul3A_32, %add3A_1502 : i32
    %add3A_1504 = vector.broadcast %add3A_1503 : i32 to vector<16xi32>
    %add3A_1505 = arith.addi %add3A_1504, %iota3A : vector<16xi32>
    %ge3A_1506 = vector.broadcast %squeeze3A : i32 to vector<16xi32>
    %ge3A_1507 = arith.cmpi sge, %add3A_1505, %ge3A_1506 : vector<16xi32>
    %jit3A_1508 = arith.constant 1 : i32
    %jit3A_1509 = arith.constant 0 : i32
    %broadcast_in_dim3A_1510 = vector.broadcast %jit3A_1508 : i32 to vector<16xi32>
    %broadcast_in_dim3A_1511 = vector.broadcast %jit3A_1509 : i32 to vector<16xi32>
    %select_n3A_1512 = arith.select %ge3A_1507, %broadcast_in_dim3A_1510, %broadcast_in_dim3A_1511 : vector<16xi1>, vector<16xi32>
    %swap3A_1513 = arith.constant 1552 : index
    %swap3A_1514 = tpu.vector_load %arg8[%swap3A_1513] {strides = array<i32>} : memref<2048xi32, #tpu.memory_space<vmem>>, vector<16xi32>,
    %swap3A_1515 = vector.shape_cast %swap3A_1514 : vector<16xi32> to vector<16xi32>
    %swap3A_1516 = vector.shape_cast %select_n3A_1512 : vector<16xi32> to vector<16xi32>
    tpu.vector_store %arg8[%swap3A_1513], %swap3A_1516 {strides = array<i32>} : memref<2048xi32, #tpu.memory_space<vmem>>, vector<16xi32>,
    %add3A_1517 = arith.constant 1568 : i32
    %add3A_1518 = arith.addi %mul3A_32, %add3A_1517 : i32
    %add3A_1519 = vector.broadcast %add3A_1518 : i32 to vector<16xi32>
    %add3A_1520 = arith.addi %add3A_1519, %iota3A : vector<16xi32>
    %ge3A_1521 = vector.broadcast %squeeze3A : i32 to vector<16xi32>
    %ge3A_1522 = arith.cmpi sge, %add3A_1520, %ge3A_1521 : vector<16xi32>
    %jit3A_1523 = arith.constant 1 : i32
    %jit3A_1524 = arith.constant 0 : i32
    %broadcast_in_dim3A_1525 = vector.broadcast %jit3A_1523 : i32 to vector<16xi32>
    %broadcast_in_dim3A_1526 = vector.broadcast %jit3A_1524 : i32 to vector<16xi32>
    %select_n3A_1527 = arith.select %ge3A_1522, %broadcast_in_dim3A_1525, %broadcast_in_dim3A_1526 : vector<16xi1>, vector<16xi32>
    %swap3A_1528 = arith.constant 1568 : index
    %swap3A_1529 = tpu.vector_load %arg8[%swap3A_1528] {strides = array<i32>} : memref<2048xi32, #tpu.memory_space<vmem>>, vector<16xi32>,
    %swap3A_1530 = vector.shape_cast %swap3A_1529 : vector<16xi32> to vector<16xi32>
    %swap3A_1531 = vector.shape_cast %select_n3A_1527 : vector<16xi32> to vector<16xi32>
    tpu.vector_store %arg8[%swap3A_1528], %swap3A_1531 {strides = array<i32>} : memref<2048xi32, #tpu.memory_space<vmem>>, vector<16xi32>,
    %add3A_1532 = arith.constant 1584 : i32
    %add3A_1533 = arith.addi %mul3A_32, %add3A_1532 : i32
    %add3A_1534 = vector.broadcast %add3A_1533 : i32 to vector<16xi32>
    %add3A_1535 = arith.addi %add3A_1534, %iota3A : vector<16xi32>
    %ge3A_1536 = vector.broadcast %squeeze3A : i32 to vector<16xi32>
    %ge3A_1537 = arith.cmpi sge, %add3A_1535, %ge3A_1536 : vector<16xi32>
    %jit3A_1538 = arith.constant 1 : i32
    %jit3A_1539 = arith.constant 0 : i32
    %broadcast_in_dim3A_1540 = vector.broadcast %jit3A_1538 : i32 to vector<16xi32>
    %broadcast_in_dim3A_1541 = vector.broadcast %jit3A_1539 : i32 to vector<16xi32>
    %select_n3A_1542 = arith.select %ge3A_1537, %broadcast_in_dim3A_1540, %broadcast_in_dim3A_1541 : vector<16xi1>, vector<16xi32>
    %swap3A_1543 = arith.constant 1584 : index
    %swap3A_1544 = tpu.vector_load %arg8[%swap3A_1543] {strides = array<i32>} : memref<2048xi32, #tpu.memory_space<vmem>>, vector<16xi32>,
    %swap3A_1545 = vector.shape_cast %swap3A_1544 : vector<16xi32> to vector<16xi32>
    %swap3A_1546 = vector.shape_cast %select_n3A_1542 : vector<16xi32> to vector<16xi32>
    tpu.vector_store %arg8[%swap3A_1543], %swap3A_1546 {strides = array<i32>} : memref<2048xi32, #tpu.memory_space<vmem>>, vector<16xi32>,
    %add3A_1547 = arith.constant 1600 : i32
    %add3A_1548 = arith.addi %mul3A_32, %add3A_1547 : i32
    %add3A_1549 = vector.broadcast %add3A_1548 : i32 to vector<16xi32>
    %add3A_1550 = arith.addi %add3A_1549, %iota3A : vector<16xi32>
    %ge3A_1551 = vector.broadcast %squeeze3A : i32 to vector<16xi32>
    %ge3A_1552 = arith.cmpi sge, %add3A_1550, %ge3A_1551 : vector<16xi32>
    %jit3A_1553 = arith.constant 1 : i32
    %jit3A_1554 = arith.constant 0 : i32
    %broadcast_in_dim3A_1555 = vector.broadcast %jit3A_1553 : i32 to vector<16xi32>
    %broadcast_in_dim3A_1556 = vector.broadcast %jit3A_1554 : i32 to vector<16xi32>
    %select_n3A_1557 = arith.select %ge3A_1552, %broadcast_in_dim3A_1555, %broadcast_in_dim3A_1556 : vector<16xi1>, vector<16xi32>
    %swap3A_1558 = arith.constant 1600 : index
    %swap3A_1559 = tpu.vector_load %arg8[%swap3A_1558] {strides = array<i32>} : memref<2048xi32, #tpu.memory_space<vmem>>, vector<16xi32>,
    %swap3A_1560 = vector.shape_cast %swap3A_1559 : vector<16xi32> to vector<16xi32>
    %swap3A_1561 = vector.shape_cast %select_n3A_1557 : vector<16xi32> to vector<16xi32>
    tpu.vector_store %arg8[%swap3A_1558], %swap3A_1561 {strides = array<i32>} : memref<2048xi32, #tpu.memory_space<vmem>>, vector<16xi32>,
    %add3A_1562 = arith.constant 1616 : i32
    %add3A_1563 = arith.addi %mul3A_32, %add3A_1562 : i32
    %add3A_1564 = vector.broadcast %add3A_1563 : i32 to vector<16xi32>
    %add3A_1565 = arith.addi %add3A_1564, %iota3A : vector<16xi32>
    %ge3A_1566 = vector.broadcast %squeeze3A : i32 to vector<16xi32>
    %ge3A_1567 = arith.cmpi sge, %add3A_1565, %ge3A_1566 : vector<16xi32>
    %jit3A_1568 = arith.constant 1 : i32
    %jit3A_1569 = arith.constant 0 : i32
    %broadcast_in_dim3A_1570 = vector.broadcast %jit3A_1568 : i32 to vector<16xi32>
    %broadcast_in_dim3A_1571 = vector.broadcast %jit3A_1569 : i32 to vector<16xi32>
    %select_n3A_1572 = arith.select %ge3A_1567, %broadcast_in_dim3A_1570, %broadcast_in_dim3A_1571 : vector<16xi1>, vector<16xi32>
    %swap3A_1573 = arith.constant 1616 : index
    %swap3A_1574 = tpu.vector_load %arg8[%swap3A_1573] {strides = array<i32>} : memref<2048xi32, #tpu.memory_space<vmem>>, vector<16xi32>,
    %swap3A_1575 = vector.shape_cast %swap3A_1574 : vector<16xi32> to vector<16xi32>
    %swap3A_1576 = vector.shape_cast %select_n3A_1572 : vector<16xi32> to vector<16xi32>
    tpu.vector_store %arg8[%swap3A_1573], %swap3A_1576 {strides = array<i32>} : memref<2048xi32, #tpu.memory_space<vmem>>, vector<16xi32>,
    %add3A_1577 = arith.constant 1632 : i32
    %add3A_1578 = arith.addi %mul3A_32, %add3A_1577 : i32
    %add3A_1579 = vector.broadcast %add3A_1578 : i32 to vector<16xi32>
    %add3A_1580 = arith.addi %add3A_1579, %iota3A : vector<16xi32>
    %ge3A_1581 = vector.broadcast %squeeze3A : i32 to vector<16xi32>
    %ge3A_1582 = arith.cmpi sge, %add3A_1580, %ge3A_1581 : vector<16xi32>
    %jit3A_1583 = arith.constant 1 : i32
    %jit3A_1584 = arith.constant 0 : i32
    %broadcast_in_dim3A_1585 = vector.broadcast %jit3A_1583 : i32 to vector<16xi32>
    %broadcast_in_dim3A_1586 = vector.broadcast %jit3A_1584 : i32 to vector<16xi32>
    %select_n3A_1587 = arith.select %ge3A_1582, %broadcast_in_dim3A_1585, %broadcast_in_dim3A_1586 : vector<16xi1>, vector<16xi32>
    %swap3A_1588 = arith.constant 1632 : index
    %swap3A_1589 = tpu.vector_load %arg8[%swap3A_1588] {strides = array<i32>} : memref<2048xi32, #tpu.memory_space<vmem>>, vector<16xi32>,
    %swap3A_1590 = vector.shape_cast %swap3A_1589 : vector<16xi32> to vector<16xi32>
    %swap3A_1591 = vector.shape_cast %select_n3A_1587 : vector<16xi32> to vector<16xi32>
    tpu.vector_store %arg8[%swap3A_1588], %swap3A_1591 {strides = array<i32>} : memref<2048xi32, #tpu.memory_space<vmem>>, vector<16xi32>,
    %add3A_1592 = arith.constant 1648 : i32
    %add3A_1593 = arith.addi %mul3A_32, %add3A_1592 : i32
    %add3A_1594 = vector.broadcast %add3A_1593 : i32 to vector<16xi32>
    %add3A_1595 = arith.addi %add3A_1594, %iota3A : vector<16xi32>
    %ge3A_1596 = vector.broadcast %squeeze3A : i32 to vector<16xi32>
    %ge3A_1597 = arith.cmpi sge, %add3A_1595, %ge3A_1596 : vector<16xi32>
    %jit3A_1598 = arith.constant 1 : i32
    %jit3A_1599 = arith.constant 0 : i32
    %broadcast_in_dim3A_1600 = vector.broadcast %jit3A_1598 : i32 to vector<16xi32>
    %broadcast_in_dim3A_1601 = vector.broadcast %jit3A_1599 : i32 to vector<16xi32>
    %select_n3A_1602 = arith.select %ge3A_1597, %broadcast_in_dim3A_1600, %broadcast_in_dim3A_1601 : vector<16xi1>, vector<16xi32>
    %swap3A_1603 = arith.constant 1648 : index
    %swap3A_1604 = tpu.vector_load %arg8[%swap3A_1603] {strides = array<i32>} : memref<2048xi32, #tpu.memory_space<vmem>>, vector<16xi32>,
    %swap3A_1605 = vector.shape_cast %swap3A_1604 : vector<16xi32> to vector<16xi32>
    %swap3A_1606 = vector.shape_cast %select_n3A_1602 : vector<16xi32> to vector<16xi32>
    tpu.vector_store %arg8[%swap3A_1603], %swap3A_1606 {strides = array<i32>} : memref<2048xi32, #tpu.memory_space<vmem>>, vector<16xi32>,
    %add3A_1607 = arith.constant 1664 : i32
    %add3A_1608 = arith.addi %mul3A_32, %add3A_1607 : i32
    %add3A_1609 = vector.broadcast %add3A_1608 : i32 to vector<16xi32>
    %add3A_1610 = arith.addi %add3A_1609, %iota3A : vector<16xi32>
    %ge3A_1611 = vector.broadcast %squeeze3A : i32 to vector<16xi32>
    %ge3A_1612 = arith.cmpi sge, %add3A_1610, %ge3A_1611 : vector<16xi32>
    %jit3A_1613 = arith.constant 1 : i32
    %jit3A_1614 = arith.constant 0 : i32
    %broadcast_in_dim3A_1615 = vector.broadcast %jit3A_1613 : i32 to vector<16xi32>
    %broadcast_in_dim3A_1616 = vector.broadcast %jit3A_1614 : i32 to vector<16xi32>
    %select_n3A_1617 = arith.select %ge3A_1612, %broadcast_in_dim3A_1615, %broadcast_in_dim3A_1616 : vector<16xi1>, vector<16xi32>
    %swap3A_1618 = arith.constant 1664 : index
    %swap3A_1619 = tpu.vector_load %arg8[%swap3A_1618] {strides = array<i32>} : memref<2048xi32, #tpu.memory_space<vmem>>, vector<16xi32>,
    %swap3A_1620 = vector.shape_cast %swap3A_1619 : vector<16xi32> to vector<16xi32>
    %swap3A_1621 = vector.shape_cast %select_n3A_1617 : vector<16xi32> to vector<16xi32>
    tpu.vector_store %arg8[%swap3A_1618], %swap3A_1621 {strides = array<i32>} : memref<2048xi32, #tpu.memory_space<vmem>>, vector<16xi32>,
    %add3A_1622 = arith.constant 1680 : i32
    %add3A_1623 = arith.addi %mul3A_32, %add3A_1622 : i32
    %add3A_1624 = vector.broadcast %add3A_1623 : i32 to vector<16xi32>
    %add3A_1625 = arith.addi %add3A_1624, %iota3A : vector<16xi32>
    %ge3A_1626 = vector.broadcast %squeeze3A : i32 to vector<16xi32>
    %ge3A_1627 = arith.cmpi sge, %add3A_1625, %ge3A_1626 : vector<16xi32>
    %jit3A_1628 = arith.constant 1 : i32
    %jit3A_1629 = arith.constant 0 : i32
    %broadcast_in_dim3A_1630 = vector.broadcast %jit3A_1628 : i32 to vector<16xi32>
    %broadcast_in_dim3A_1631 = vector.broadcast %jit3A_1629 : i32 to vector<16xi32>
    %select_n3A_1632 = arith.select %ge3A_1627, %broadcast_in_dim3A_1630, %broadcast_in_dim3A_1631 : vector<16xi1>, vector<16xi32>
    %swap3A_1633 = arith.constant 1680 : index
    %swap3A_1634 = tpu.vector_load %arg8[%swap3A_1633] {strides = array<i32>} : memref<2048xi32, #tpu.memory_space<vmem>>, vector<16xi32>,
    %swap3A_1635 = vector.shape_cast %swap3A_1634 : vector<16xi32> to vector<16xi32>
    %swap3A_1636 = vector.shape_cast %select_n3A_1632 : vector<16xi32> to vector<16xi32>
    tpu.vector_store %arg8[%swap3A_1633], %swap3A_1636 {strides = array<i32>} : memref<2048xi32, #tpu.memory_space<vmem>>, vector<16xi32>,
    %add3A_1637 = arith.constant 1696 : i32
    %add3A_1638 = arith.addi %mul3A_32, %add3A_1637 : i32
    %add3A_1639 = vector.broadcast %add3A_1638 : i32 to vector<16xi32>
    %add3A_1640 = arith.addi %add3A_1639, %iota3A : vector<16xi32>
    %ge3A_1641 = vector.broadcast %squeeze3A : i32 to vector<16xi32>
    %ge3A_1642 = arith.cmpi sge, %add3A_1640, %ge3A_1641 : vector<16xi32>
    %jit3A_1643 = arith.constant 1 : i32
    %jit3A_1644 = arith.constant 0 : i32
    %broadcast_in_dim3A_1645 = vector.broadcast %jit3A_1643 : i32 to vector<16xi32>
    %broadcast_in_dim3A_1646 = vector.broadcast %jit3A_1644 : i32 to vector<16xi32>
    %select_n3A_1647 = arith.select %ge3A_1642, %broadcast_in_dim3A_1645, %broadcast_in_dim3A_1646 : vector<16xi1>, vector<16xi32>
    %swap3A_1648 = arith.constant 1696 : index
    %swap3A_1649 = tpu.vector_load %arg8[%swap3A_1648] {strides = array<i32>} : memref<2048xi32, #tpu.memory_space<vmem>>, vector<16xi32>,
    %swap3A_1650 = vector.shape_cast %swap3A_1649 : vector<16xi32> to vector<16xi32>
    %swap3A_1651 = vector.shape_cast %select_n3A_1647 : vector<16xi32> to vector<16xi32>
    tpu.vector_store %arg8[%swap3A_1648], %swap3A_1651 {strides = array<i32>} : memref<2048xi32, #tpu.memory_space<vmem>>, vector<16xi32>,
    %add3A_1652 = arith.constant 1712 : i32
    %add3A_1653 = arith.addi %mul3A_32, %add3A_1652 : i32
    %add3A_1654 = vector.broadcast %add3A_1653 : i32 to vector<16xi32>
    %add3A_1655 = arith.addi %add3A_1654, %iota3A : vector<16xi32>
    %ge3A_1656 = vector.broadcast %squeeze3A : i32 to vector<16xi32>
    %ge3A_1657 = arith.cmpi sge, %add3A_1655, %ge3A_1656 : vector<16xi32>
    %jit3A_1658 = arith.constant 1 : i32
    %jit3A_1659 = arith.constant 0 : i32
    %broadcast_in_dim3A_1660 = vector.broadcast %jit3A_1658 : i32 to vector<16xi32>
    %broadcast_in_dim3A_1661 = vector.broadcast %jit3A_1659 : i32 to vector<16xi32>
    %select_n3A_1662 = arith.select %ge3A_1657, %broadcast_in_dim3A_1660, %broadcast_in_dim3A_1661 : vector<16xi1>, vector<16xi32>
    %swap3A_1663 = arith.constant 1712 : index
    %swap3A_1664 = tpu.vector_load %arg8[%swap3A_1663] {strides = array<i32>} : memref<2048xi32, #tpu.memory_space<vmem>>, vector<16xi32>,
    %swap3A_1665 = vector.shape_cast %swap3A_1664 : vector<16xi32> to vector<16xi32>
    %swap3A_1666 = vector.shape_cast %select_n3A_1662 : vector<16xi32> to vector<16xi32>
    tpu.vector_store %arg8[%swap3A_1663], %swap3A_1666 {strides = array<i32>} : memref<2048xi32, #tpu.memory_space<vmem>>, vector<16xi32>,
    %add3A_1667 = arith.constant 1728 : i32
    %add3A_1668 = arith.addi %mul3A_32, %add3A_1667 : i32
    %add3A_1669 = vector.broadcast %add3A_1668 : i32 to vector<16xi32>
    %add3A_1670 = arith.addi %add3A_1669, %iota3A : vector<16xi32>
    %ge3A_1671 = vector.broadcast %squeeze3A : i32 to vector<16xi32>
    %ge3A_1672 = arith.cmpi sge, %add3A_1670, %ge3A_1671 : vector<16xi32>
    %jit3A_1673 = arith.constant 1 : i32
    %jit3A_1674 = arith.constant 0 : i32
    %broadcast_in_dim3A_1675 = vector.broadcast %jit3A_1673 : i32 to vector<16xi32>
    %broadcast_in_dim3A_1676 = vector.broadcast %jit3A_1674 : i32 to vector<16xi32>
    %select_n3A_1677 = arith.select %ge3A_1672, %broadcast_in_dim3A_1675, %broadcast_in_dim3A_1676 : vector<16xi1>, vector<16xi32>
    %swap3A_1678 = arith.constant 1728 : index
    %swap3A_1679 = tpu.vector_load %arg8[%swap3A_1678] {strides = array<i32>} : memref<2048xi32, #tpu.memory_space<vmem>>, vector<16xi32>,
    %swap3A_1680 = vector.shape_cast %swap3A_1679 : vector<16xi32> to vector<16xi32>
    %swap3A_1681 = vector.shape_cast %select_n3A_1677 : vector<16xi32> to vector<16xi32>
    tpu.vector_store %arg8[%swap3A_1678], %swap3A_1681 {strides = array<i32>} : memref<2048xi32, #tpu.memory_space<vmem>>, vector<16xi32>,
    %add3A_1682 = arith.constant 1744 : i32
    %add3A_1683 = arith.addi %mul3A_32, %add3A_1682 : i32
    %add3A_1684 = vector.broadcast %add3A_1683 : i32 to vector<16xi32>
    %add3A_1685 = arith.addi %add3A_1684, %iota3A : vector<16xi32>
    %ge3A_1686 = vector.broadcast %squeeze3A : i32 to vector<16xi32>
    %ge3A_1687 = arith.cmpi sge, %add3A_1685, %ge3A_1686 : vector<16xi32>
    %jit3A_1688 = arith.constant 1 : i32
    %jit3A_1689 = arith.constant 0 : i32
    %broadcast_in_dim3A_1690 = vector.broadcast %jit3A_1688 : i32 to vector<16xi32>
    %broadcast_in_dim3A_1691 = vector.broadcast %jit3A_1689 : i32 to vector<16xi32>
    %select_n3A_1692 = arith.select %ge3A_1687, %broadcast_in_dim3A_1690, %broadcast_in_dim3A_1691 : vector<16xi1>, vector<16xi32>
    %swap3A_1693 = arith.constant 1744 : index
    %swap3A_1694 = tpu.vector_load %arg8[%swap3A_1693] {strides = array<i32>} : memref<2048xi32, #tpu.memory_space<vmem>>, vector<16xi32>,
    %swap3A_1695 = vector.shape_cast %swap3A_1694 : vector<16xi32> to vector<16xi32>
    %swap3A_1696 = vector.shape_cast %select_n3A_1692 : vector<16xi32> to vector<16xi32>
    tpu.vector_store %arg8[%swap3A_1693], %swap3A_1696 {strides = array<i32>} : memref<2048xi32, #tpu.memory_space<vmem>>, vector<16xi32>,
    %add3A_1697 = arith.constant 1760 : i32
    %add3A_1698 = arith.addi %mul3A_32, %add3A_1697 : i32
    %add3A_1699 = vector.broadcast %add3A_1698 : i32 to vector<16xi32>
    %add3A_1700 = arith.addi %add3A_1699, %iota3A : vector<16xi32>
    %ge3A_1701 = vector.broadcast %squeeze3A : i32 to vector<16xi32>
    %ge3A_1702 = arith.cmpi sge, %add3A_1700, %ge3A_1701 : vector<16xi32>
    %jit3A_1703 = arith.constant 1 : i32
    %jit3A_1704 = arith.constant 0 : i32
    %broadcast_in_dim3A_1705 = vector.broadcast %jit3A_1703 : i32 to vector<16xi32>
    %broadcast_in_dim3A_1706 = vector.broadcast %jit3A_1704 : i32 to vector<16xi32>
    %select_n3A_1707 = arith.select %ge3A_1702, %broadcast_in_dim3A_1705, %broadcast_in_dim3A_1706 : vector<16xi1>, vector<16xi32>
    %swap3A_1708 = arith.constant 1760 : index
    %swap3A_1709 = tpu.vector_load %arg8[%swap3A_1708] {strides = array<i32>} : memref<2048xi32, #tpu.memory_space<vmem>>, vector<16xi32>,
    %swap3A_1710 = vector.shape_cast %swap3A_1709 : vector<16xi32> to vector<16xi32>
    %swap3A_1711 = vector.shape_cast %select_n3A_1707 : vector<16xi32> to vector<16xi32>
    tpu.vector_store %arg8[%swap3A_1708], %swap3A_1711 {strides = array<i32>} : memref<2048xi32, #tpu.memory_space<vmem>>, vector<16xi32>,
    %add3A_1712 = arith.constant 1776 : i32
    %add3A_1713 = arith.addi %mul3A_32, %add3A_1712 : i32
    %add3A_1714 = vector.broadcast %add3A_1713 : i32 to vector<16xi32>
    %add3A_1715 = arith.addi %add3A_1714, %iota3A : vector<16xi32>
    %ge3A_1716 = vector.broadcast %squeeze3A : i32 to vector<16xi32>
    %ge3A_1717 = arith.cmpi sge, %add3A_1715, %ge3A_1716 : vector<16xi32>
    %jit3A_1718 = arith.constant 1 : i32
    %jit3A_1719 = arith.constant 0 : i32
    %broadcast_in_dim3A_1720 = vector.broadcast %jit3A_1718 : i32 to vector<16xi32>
    %broadcast_in_dim3A_1721 = vector.broadcast %jit3A_1719 : i32 to vector<16xi32>
    %select_n3A_1722 = arith.select %ge3A_1717, %broadcast_in_dim3A_1720, %broadcast_in_dim3A_1721 : vector<16xi1>, vector<16xi32>
    %swap3A_1723 = arith.constant 1776 : index
    %swap3A_1724 = tpu.vector_load %arg8[%swap3A_1723] {strides = array<i32>} : memref<2048xi32, #tpu.memory_space<vmem>>, vector<16xi32>,
    %swap3A_1725 = vector.shape_cast %swap3A_1724 : vector<16xi32> to vector<16xi32>
    %swap3A_1726 = vector.shape_cast %select_n3A_1722 : vector<16xi32> to vector<16xi32>
    tpu.vector_store %arg8[%swap3A_1723], %swap3A_1726 {strides = array<i32>} : memref<2048xi32, #tpu.memory_space<vmem>>, vector<16xi32>,
    %add3A_1727 = arith.constant 1792 : i32
    %add3A_1728 = arith.addi %mul3A_32, %add3A_1727 : i32
    %add3A_1729 = vector.broadcast %add3A_1728 : i32 to vector<16xi32>
    %add3A_1730 = arith.addi %add3A_1729, %iota3A : vector<16xi32>
    %ge3A_1731 = vector.broadcast %squeeze3A : i32 to vector<16xi32>
    %ge3A_1732 = arith.cmpi sge, %add3A_1730, %ge3A_1731 : vector<16xi32>
    %jit3A_1733 = arith.constant 1 : i32
    %jit3A_1734 = arith.constant 0 : i32
    %broadcast_in_dim3A_1735 = vector.broadcast %jit3A_1733 : i32 to vector<16xi32>
    %broadcast_in_dim3A_1736 = vector.broadcast %jit3A_1734 : i32 to vector<16xi32>
    %select_n3A_1737 = arith.select %ge3A_1732, %broadcast_in_dim3A_1735, %broadcast_in_dim3A_1736 : vector<16xi1>, vector<16xi32>
    %swap3A_1738 = arith.constant 1792 : index
    %swap3A_1739 = tpu.vector_load %arg8[%swap3A_1738] {strides = array<i32>} : memref<2048xi32, #tpu.memory_space<vmem>>, vector<16xi32>,
    %swap3A_1740 = vector.shape_cast %swap3A_1739 : vector<16xi32> to vector<16xi32>
    %swap3A_1741 = vector.shape_cast %select_n3A_1737 : vector<16xi32> to vector<16xi32>
    tpu.vector_store %arg8[%swap3A_1738], %swap3A_1741 {strides = array<i32>} : memref<2048xi32, #tpu.memory_space<vmem>>, vector<16xi32>,
    %add3A_1742 = arith.constant 1808 : i32
    %add3A_1743 = arith.addi %mul3A_32, %add3A_1742 : i32
    %add3A_1744 = vector.broadcast %add3A_1743 : i32 to vector<16xi32>
    %add3A_1745 = arith.addi %add3A_1744, %iota3A : vector<16xi32>
    %ge3A_1746 = vector.broadcast %squeeze3A : i32 to vector<16xi32>
    %ge3A_1747 = arith.cmpi sge, %add3A_1745, %ge3A_1746 : vector<16xi32>
    %jit3A_1748 = arith.constant 1 : i32
    %jit3A_1749 = arith.constant 0 : i32
    %broadcast_in_dim3A_1750 = vector.broadcast %jit3A_1748 : i32 to vector<16xi32>
    %broadcast_in_dim3A_1751 = vector.broadcast %jit3A_1749 : i32 to vector<16xi32>
    %select_n3A_1752 = arith.select %ge3A_1747, %broadcast_in_dim3A_1750, %broadcast_in_dim3A_1751 : vector<16xi1>, vector<16xi32>
    %swap3A_1753 = arith.constant 1808 : index
    %swap3A_1754 = tpu.vector_load %arg8[%swap3A_1753] {strides = array<i32>} : memref<2048xi32, #tpu.memory_space<vmem>>, vector<16xi32>,
    %swap3A_1755 = vector.shape_cast %swap3A_1754 : vector<16xi32> to vector<16xi32>
    %swap3A_1756 = vector.shape_cast %select_n3A_1752 : vector<16xi32> to vector<16xi32>
    tpu.vector_store %arg8[%swap3A_1753], %swap3A_1756 {strides = array<i32>} : memref<2048xi32, #tpu.memory_space<vmem>>, vector<16xi32>,
    %add3A_1757 = arith.constant 1824 : i32
    %add3A_1758 = arith.addi %mul3A_32, %add3A_1757 : i32
    %add3A_1759 = vector.broadcast %add3A_1758 : i32 to vector<16xi32>
    %add3A_1760 = arith.addi %add3A_1759, %iota3A : vector<16xi32>
    %ge3A_1761 = vector.broadcast %squeeze3A : i32 to vector<16xi32>
    %ge3A_1762 = arith.cmpi sge, %add3A_1760, %ge3A_1761 : vector<16xi32>
    %jit3A_1763 = arith.constant 1 : i32
    %jit3A_1764 = arith.constant 0 : i32
    %broadcast_in_dim3A_1765 = vector.broadcast %jit3A_1763 : i32 to vector<16xi32>
    %broadcast_in_dim3A_1766 = vector.broadcast %jit3A_1764 : i32 to vector<16xi32>
    %select_n3A_1767 = arith.select %ge3A_1762, %broadcast_in_dim3A_1765, %broadcast_in_dim3A_1766 : vector<16xi1>, vector<16xi32>
    %swap3A_1768 = arith.constant 1824 : index
    %swap3A_1769 = tpu.vector_load %arg8[%swap3A_1768] {strides = array<i32>} : memref<2048xi32, #tpu.memory_space<vmem>>, vector<16xi32>,
    %swap3A_1770 = vector.shape_cast %swap3A_1769 : vector<16xi32> to vector<16xi32>
    %swap3A_1771 = vector.shape_cast %select_n3A_1767 : vector<16xi32> to vector<16xi32>
    tpu.vector_store %arg8[%swap3A_1768], %swap3A_1771 {strides = array<i32>} : memref<2048xi32, #tpu.memory_space<vmem>>, vector<16xi32>,
    %add3A_1772 = arith.constant 1840 : i32
    %add3A_1773 = arith.addi %mul3A_32, %add3A_1772 : i32
    %add3A_1774 = vector.broadcast %add3A_1773 : i32 to vector<16xi32>
    %add3A_1775 = arith.addi %add3A_1774, %iota3A : vector<16xi32>
    %ge3A_1776 = vector.broadcast %squeeze3A : i32 to vector<16xi32>
    %ge3A_1777 = arith.cmpi sge, %add3A_1775, %ge3A_1776 : vector<16xi32>
    %jit3A_1778 = arith.constant 1 : i32
    %jit3A_1779 = arith.constant 0 : i32
    %broadcast_in_dim3A_1780 = vector.broadcast %jit3A_1778 : i32 to vector<16xi32>
    %broadcast_in_dim3A_1781 = vector.broadcast %jit3A_1779 : i32 to vector<16xi32>
    %select_n3A_1782 = arith.select %ge3A_1777, %broadcast_in_dim3A_1780, %broadcast_in_dim3A_1781 : vector<16xi1>, vector<16xi32>
    %swap3A_1783 = arith.constant 1840 : index
    %swap3A_1784 = tpu.vector_load %arg8[%swap3A_1783] {strides = array<i32>} : memref<2048xi32, #tpu.memory_space<vmem>>, vector<16xi32>,
    %swap3A_1785 = vector.shape_cast %swap3A_1784 : vector<16xi32> to vector<16xi32>
    %swap3A_1786 = vector.shape_cast %select_n3A_1782 : vector<16xi32> to vector<16xi32>
    tpu.vector_store %arg8[%swap3A_1783], %swap3A_1786 {strides = array<i32>} : memref<2048xi32, #tpu.memory_space<vmem>>, vector<16xi32>,
    %add3A_1787 = arith.constant 1856 : i32
    %add3A_1788 = arith.addi %mul3A_32, %add3A_1787 : i32
    %add3A_1789 = vector.broadcast %add3A_1788 : i32 to vector<16xi32>
    %add3A_1790 = arith.addi %add3A_1789, %iota3A : vector<16xi32>
    %ge3A_1791 = vector.broadcast %squeeze3A : i32 to vector<16xi32>
    %ge3A_1792 = arith.cmpi sge, %add3A_1790, %ge3A_1791 : vector<16xi32>
    %jit3A_1793 = arith.constant 1 : i32
    %jit3A_1794 = arith.constant 0 : i32
    %broadcast_in_dim3A_1795 = vector.broadcast %jit3A_1793 : i32 to vector<16xi32>
    %broadcast_in_dim3A_1796 = vector.broadcast %jit3A_1794 : i32 to vector<16xi32>
    %select_n3A_1797 = arith.select %ge3A_1792, %broadcast_in_dim3A_1795, %broadcast_in_dim3A_1796 : vector<16xi1>, vector<16xi32>
    %swap3A_1798 = arith.constant 1856 : index
    %swap3A_1799 = tpu.vector_load %arg8[%swap3A_1798] {strides = array<i32>} : memref<2048xi32, #tpu.memory_space<vmem>>, vector<16xi32>,
    %swap3A_1800 = vector.shape_cast %swap3A_1799 : vector<16xi32> to vector<16xi32>
    %swap3A_1801 = vector.shape_cast %select_n3A_1797 : vector<16xi32> to vector<16xi32>
    tpu.vector_store %arg8[%swap3A_1798], %swap3A_1801 {strides = array<i32>} : memref<2048xi32, #tpu.memory_space<vmem>>, vector<16xi32>,
    %add3A_1802 = arith.constant 1872 : i32
    %add3A_1803 = arith.addi %mul3A_32, %add3A_1802 : i32
    %add3A_1804 = vector.broadcast %add3A_1803 : i32 to vector<16xi32>
    %add3A_1805 = arith.addi %add3A_1804, %iota3A : vector<16xi32>
    %ge3A_1806 = vector.broadcast %squeeze3A : i32 to vector<16xi32>
    %ge3A_1807 = arith.cmpi sge, %add3A_1805, %ge3A_1806 : vector<16xi32>
    %jit3A_1808 = arith.constant 1 : i32
    %jit3A_1809 = arith.constant 0 : i32
    %broadcast_in_dim3A_1810 = vector.broadcast %jit3A_1808 : i32 to vector<16xi32>
    %broadcast_in_dim3A_1811 = vector.broadcast %jit3A_1809 : i32 to vector<16xi32>
    %select_n3A_1812 = arith.select %ge3A_1807, %broadcast_in_dim3A_1810, %broadcast_in_dim3A_1811 : vector<16xi1>, vector<16xi32>
    %swap3A_1813 = arith.constant 1872 : index
    %swap3A_1814 = tpu.vector_load %arg8[%swap3A_1813] {strides = array<i32>} : memref<2048xi32, #tpu.memory_space<vmem>>, vector<16xi32>,
    %swap3A_1815 = vector.shape_cast %swap3A_1814 : vector<16xi32> to vector<16xi32>
    %swap3A_1816 = vector.shape_cast %select_n3A_1812 : vector<16xi32> to vector<16xi32>
    tpu.vector_store %arg8[%swap3A_1813], %swap3A_1816 {strides = array<i32>} : memref<2048xi32, #tpu.memory_space<vmem>>, vector<16xi32>,
    %add3A_1817 = arith.constant 1888 : i32
    %add3A_1818 = arith.addi %mul3A_32, %add3A_1817 : i32
    %add3A_1819 = vector.broadcast %add3A_1818 : i32 to vector<16xi32>
    %add3A_1820 = arith.addi %add3A_1819, %iota3A : vector<16xi32>
    %ge3A_1821 = vector.broadcast %squeeze3A : i32 to vector<16xi32>
    %ge3A_1822 = arith.cmpi sge, %add3A_1820, %ge3A_1821 : vector<16xi32>
    %jit3A_1823 = arith.constant 1 : i32
    %jit3A_1824 = arith.constant 0 : i32
    %broadcast_in_dim3A_1825 = vector.broadcast %jit3A_1823 : i32 to vector<16xi32>
    %broadcast_in_dim3A_1826 = vector.broadcast %jit3A_1824 : i32 to vector<16xi32>
    %select_n3A_1827 = arith.select %ge3A_1822, %broadcast_in_dim3A_1825, %broadcast_in_dim3A_1826 : vector<16xi1>, vector<16xi32>
    %swap3A_1828 = arith.constant 1888 : index
    %swap3A_1829 = tpu.vector_load %arg8[%swap3A_1828] {strides = array<i32>} : memref<2048xi32, #tpu.memory_space<vmem>>, vector<16xi32>,
    %swap3A_1830 = vector.shape_cast %swap3A_1829 : vector<16xi32> to vector<16xi32>
    %swap3A_1831 = vector.shape_cast %select_n3A_1827 : vector<16xi32> to vector<16xi32>
    tpu.vector_store %arg8[%swap3A_1828], %swap3A_1831 {strides = array<i32>} : memref<2048xi32, #tpu.memory_space<vmem>>, vector<16xi32>,
    %add3A_1832 = arith.constant 1904 : i32
    %add3A_1833 = arith.addi %mul3A_32, %add3A_1832 : i32
    %add3A_1834 = vector.broadcast %add3A_1833 : i32 to vector<16xi32>
    %add3A_1835 = arith.addi %add3A_1834, %iota3A : vector<16xi32>
    %ge3A_1836 = vector.broadcast %squeeze3A : i32 to vector<16xi32>
    %ge3A_1837 = arith.cmpi sge, %add3A_1835, %ge3A_1836 : vector<16xi32>
    %jit3A_1838 = arith.constant 1 : i32
    %jit3A_1839 = arith.constant 0 : i32
    %broadcast_in_dim3A_1840 = vector.broadcast %jit3A_1838 : i32 to vector<16xi32>
    %broadcast_in_dim3A_1841 = vector.broadcast %jit3A_1839 : i32 to vector<16xi32>
    %select_n3A_1842 = arith.select %ge3A_1837, %broadcast_in_dim3A_1840, %broadcast_in_dim3A_1841 : vector<16xi1>, vector<16xi32>
    %swap3A_1843 = arith.constant 1904 : index
    %swap3A_1844 = tpu.vector_load %arg8[%swap3A_1843] {strides = array<i32>} : memref<2048xi32, #tpu.memory_space<vmem>>, vector<16xi32>,
    %swap3A_1845 = vector.shape_cast %swap3A_1844 : vector<16xi32> to vector<16xi32>
    %swap3A_1846 = vector.shape_cast %select_n3A_1842 : vector<16xi32> to vector<16xi32>
    tpu.vector_store %arg8[%swap3A_1843], %swap3A_1846 {strides = array<i32>} : memref<2048xi32, #tpu.memory_space<vmem>>, vector<16xi32>,
    %add3A_1847 = arith.constant 1920 : i32
    %add3A_1848 = arith.addi %mul3A_32, %add3A_1847 : i32
    %add3A_1849 = vector.broadcast %add3A_1848 : i32 to vector<16xi32>
    %add3A_1850 = arith.addi %add3A_1849, %iota3A : vector<16xi32>
    %ge3A_1851 = vector.broadcast %squeeze3A : i32 to vector<16xi32>
    %ge3A_1852 = arith.cmpi sge, %add3A_1850, %ge3A_1851 : vector<16xi32>
    %jit3A_1853 = arith.constant 1 : i32
    %jit3A_1854 = arith.constant 0 : i32
    %broadcast_in_dim3A_1855 = vector.broadcast %jit3A_1853 : i32 to vector<16xi32>
    %broadcast_in_dim3A_1856 = vector.broadcast %jit3A_1854 : i32 to vector<16xi32>
    %select_n3A_1857 = arith.select %ge3A_1852, %broadcast_in_dim3A_1855, %broadcast_in_dim3A_1856 : vector<16xi1>, vector<16xi32>
    %swap3A_1858 = arith.constant 1920 : index
    %swap3A_1859 = tpu.vector_load %arg8[%swap3A_1858] {strides = array<i32>} : memref<2048xi32, #tpu.memory_space<vmem>>, vector<16xi32>,
    %swap3A_1860 = vector.shape_cast %swap3A_1859 : vector<16xi32> to vector<16xi32>
    %swap3A_1861 = vector.shape_cast %select_n3A_1857 : vector<16xi32> to vector<16xi32>
    tpu.vector_store %arg8[%swap3A_1858], %swap3A_1861 {strides = array<i32>} : memref<2048xi32, #tpu.memory_space<vmem>>, vector<16xi32>,
    %add3A_1862 = arith.constant 1936 : i32
    %add3A_1863 = arith.addi %mul3A_32, %add3A_1862 : i32
    %add3A_1864 = vector.broadcast %add3A_1863 : i32 to vector<16xi32>
    %add3A_1865 = arith.addi %add3A_1864, %iota3A : vector<16xi32>
    %ge3A_1866 = vector.broadcast %squeeze3A : i32 to vector<16xi32>
    %ge3A_1867 = arith.cmpi sge, %add3A_1865, %ge3A_1866 : vector<16xi32>
    %jit3A_1868 = arith.constant 1 : i32
    %jit3A_1869 = arith.constant 0 : i32
    %broadcast_in_dim3A_1870 = vector.broadcast %jit3A_1868 : i32 to vector<16xi32>
    %broadcast_in_dim3A_1871 = vector.broadcast %jit3A_1869 : i32 to vector<16xi32>
    %select_n3A_1872 = arith.select %ge3A_1867, %broadcast_in_dim3A_1870, %broadcast_in_dim3A_1871 : vector<16xi1>, vector<16xi32>
    %swap3A_1873 = arith.constant 1936 : index
    %swap3A_1874 = tpu.vector_load %arg8[%swap3A_1873] {strides = array<i32>} : memref<2048xi32, #tpu.memory_space<vmem>>, vector<16xi32>,
    %swap3A_1875 = vector.shape_cast %swap3A_1874 : vector<16xi32> to vector<16xi32>
    %swap3A_1876 = vector.shape_cast %select_n3A_1872 : vector<16xi32> to vector<16xi32>
    tpu.vector_store %arg8[%swap3A_1873], %swap3A_1876 {strides = array<i32>} : memref<2048xi32, #tpu.memory_space<vmem>>, vector<16xi32>,
    %add3A_1877 = arith.constant 1952 : i32
    %add3A_1878 = arith.addi %mul3A_32, %add3A_1877 : i32
    %add3A_1879 = vector.broadcast %add3A_1878 : i32 to vector<16xi32>
    %add3A_1880 = arith.addi %add3A_1879, %iota3A : vector<16xi32>
    %ge3A_1881 = vector.broadcast %squeeze3A : i32 to vector<16xi32>
    %ge3A_1882 = arith.cmpi sge, %add3A_1880, %ge3A_1881 : vector<16xi32>
    %jit3A_1883 = arith.constant 1 : i32
    %jit3A_1884 = arith.constant 0 : i32
    %broadcast_in_dim3A_1885 = vector.broadcast %jit3A_1883 : i32 to vector<16xi32>
    %broadcast_in_dim3A_1886 = vector.broadcast %jit3A_1884 : i32 to vector<16xi32>
    %select_n3A_1887 = arith.select %ge3A_1882, %broadcast_in_dim3A_1885, %broadcast_in_dim3A_1886 : vector<16xi1>, vector<16xi32>
    %swap3A_1888 = arith.constant 1952 : index
    %swap3A_1889 = tpu.vector_load %arg8[%swap3A_1888] {strides = array<i32>} : memref<2048xi32, #tpu.memory_space<vmem>>, vector<16xi32>,
    %swap3A_1890 = vector.shape_cast %swap3A_1889 : vector<16xi32> to vector<16xi32>
    %swap3A_1891 = vector.shape_cast %select_n3A_1887 : vector<16xi32> to vector<16xi32>
    tpu.vector_store %arg8[%swap3A_1888], %swap3A_1891 {strides = array<i32>} : memref<2048xi32, #tpu.memory_space<vmem>>, vector<16xi32>,
    %add3A_1892 = arith.constant 1968 : i32
    %add3A_1893 = arith.addi %mul3A_32, %add3A_1892 : i32
    %add3A_1894 = vector.broadcast %add3A_1893 : i32 to vector<16xi32>
    %add3A_1895 = arith.addi %add3A_1894, %iota3A : vector<16xi32>
    %ge3A_1896 = vector.broadcast %squeeze3A : i32 to vector<16xi32>
    %ge3A_1897 = arith.cmpi sge, %add3A_1895, %ge3A_1896 : vector<16xi32>
    %jit3A_1898 = arith.constant 1 : i32
    %jit3A_1899 = arith.constant 0 : i32
    %broadcast_in_dim3A_1900 = vector.broadcast %jit3A_1898 : i32 to vector<16xi32>
    %broadcast_in_dim3A_1901 = vector.broadcast %jit3A_1899 : i32 to vector<16xi32>
    %select_n3A_1902 = arith.select %ge3A_1897, %broadcast_in_dim3A_1900, %broadcast_in_dim3A_1901 : vector<16xi1>, vector<16xi32>
    %swap3A_1903 = arith.constant 1968 : index
    %swap3A_1904 = tpu.vector_load %arg8[%swap3A_1903] {strides = array<i32>} : memref<2048xi32, #tpu.memory_space<vmem>>, vector<16xi32>,
    %swap3A_1905 = vector.shape_cast %swap3A_1904 : vector<16xi32> to vector<16xi32>
    %swap3A_1906 = vector.shape_cast %select_n3A_1902 : vector<16xi32> to vector<16xi32>
    tpu.vector_store %arg8[%swap3A_1903], %swap3A_1906 {strides = array<i32>} : memref<2048xi32, #tpu.memory_space<vmem>>, vector<16xi32>,
    %add3A_1907 = arith.constant 1984 : i32
    %add3A_1908 = arith.addi %mul3A_32, %add3A_1907 : i32
    %add3A_1909 = vector.broadcast %add3A_1908 : i32 to vector<16xi32>
    %add3A_1910 = arith.addi %add3A_1909, %iota3A : vector<16xi32>
    %ge3A_1911 = vector.broadcast %squeeze3A : i32 to vector<16xi32>
    %ge3A_1912 = arith.cmpi sge, %add3A_1910, %ge3A_1911 : vector<16xi32>
    %jit3A_1913 = arith.constant 1 : i32
    %jit3A_1914 = arith.constant 0 : i32
    %broadcast_in_dim3A_1915 = vector.broadcast %jit3A_1913 : i32 to vector<16xi32>
    %broadcast_in_dim3A_1916 = vector.broadcast %jit3A_1914 : i32 to vector<16xi32>
    %select_n3A_1917 = arith.select %ge3A_1912, %broadcast_in_dim3A_1915, %broadcast_in_dim3A_1916 : vector<16xi1>, vector<16xi32>
    %swap3A_1918 = arith.constant 1984 : index
    %swap3A_1919 = tpu.vector_load %arg8[%swap3A_1918] {strides = array<i32>} : memref<2048xi32, #tpu.memory_space<vmem>>, vector<16xi32>,
    %swap3A_1920 = vector.shape_cast %swap3A_1919 : vector<16xi32> to vector<16xi32>
    %swap3A_1921 = vector.shape_cast %select_n3A_1917 : vector<16xi32> to vector<16xi32>
    tpu.vector_store %arg8[%swap3A_1918], %swap3A_1921 {strides = array<i32>} : memref<2048xi32, #tpu.memory_space<vmem>>, vector<16xi32>,
    %add3A_1922 = arith.constant 2000 : i32
    %add3A_1923 = arith.addi %mul3A_32, %add3A_1922 : i32
    %add3A_1924 = vector.broadcast %add3A_1923 : i32 to vector<16xi32>
    %add3A_1925 = arith.addi %add3A_1924, %iota3A : vector<16xi32>
    %ge3A_1926 = vector.broadcast %squeeze3A : i32 to vector<16xi32>
    %ge3A_1927 = arith.cmpi sge, %add3A_1925, %ge3A_1926 : vector<16xi32>
    %jit3A_1928 = arith.constant 1 : i32
    %jit3A_1929 = arith.constant 0 : i32
    %broadcast_in_dim3A_1930 = vector.broadcast %jit3A_1928 : i32 to vector<16xi32>
    %broadcast_in_dim3A_1931 = vector.broadcast %jit3A_1929 : i32 to vector<16xi32>
    %select_n3A_1932 = arith.select %ge3A_1927, %broadcast_in_dim3A_1930, %broadcast_in_dim3A_1931 : vector<16xi1>, vector<16xi32>
    %swap3A_1933 = arith.constant 2000 : index
    %swap3A_1934 = tpu.vector_load %arg8[%swap3A_1933] {strides = array<i32>} : memref<2048xi32, #tpu.memory_space<vmem>>, vector<16xi32>,
    %swap3A_1935 = vector.shape_cast %swap3A_1934 : vector<16xi32> to vector<16xi32>
    %swap3A_1936 = vector.shape_cast %select_n3A_1932 : vector<16xi32> to vector<16xi32>
    tpu.vector_store %arg8[%swap3A_1933], %swap3A_1936 {strides = array<i32>} : memref<2048xi32, #tpu.memory_space<vmem>>, vector<16xi32>,
    %add3A_1937 = arith.constant 2016 : i32
    %add3A_1938 = arith.addi %mul3A_32, %add3A_1937 : i32
    %add3A_1939 = vector.broadcast %add3A_1938 : i32 to vector<16xi32>
    %add3A_1940 = arith.addi %add3A_1939, %iota3A : vector<16xi32>
    %ge3A_1941 = vector.broadcast %squeeze3A : i32 to vector<16xi32>
    %ge3A_1942 = arith.cmpi sge, %add3A_1940, %ge3A_1941 : vector<16xi32>
    %jit3A_1943 = arith.constant 1 : i32
    %jit3A_1944 = arith.constant 0 : i32
    %broadcast_in_dim3A_1945 = vector.broadcast %jit3A_1943 : i32 to vector<16xi32>
    %broadcast_in_dim3A_1946 = vector.broadcast %jit3A_1944 : i32 to vector<16xi32>
    %select_n3A_1947 = arith.select %ge3A_1942, %broadcast_in_dim3A_1945, %broadcast_in_dim3A_1946 : vector<16xi1>, vector<16xi32>
    %swap3A_1948 = arith.constant 2016 : index
    %swap3A_1949 = tpu.vector_load %arg8[%swap3A_1948] {strides = array<i32>} : memref<2048xi32, #tpu.memory_space<vmem>>, vector<16xi32>,
    %swap3A_1950 = vector.shape_cast %swap3A_1949 : vector<16xi32> to vector<16xi32>
    %swap3A_1951 = vector.shape_cast %select_n3A_1947 : vector<16xi32> to vector<16xi32>
    tpu.vector_store %arg8[%swap3A_1948], %swap3A_1951 {strides = array<i32>} : memref<2048xi32, #tpu.memory_space<vmem>>, vector<16xi32>,
    %add3A_1952 = arith.constant 2032 : i32
    %add3A_1953 = arith.addi %mul3A_32, %add3A_1952 : i32
    %add3A_1954 = vector.broadcast %add3A_1953 : i32 to vector<16xi32>
    %add3A_1955 = arith.addi %add3A_1954, %iota3A : vector<16xi32>
    %ge3A_1956 = vector.broadcast %squeeze3A : i32 to vector<16xi32>
    %ge3A_1957 = arith.cmpi sge, %add3A_1955, %ge3A_1956 : vector<16xi32>
    %jit3A_1958 = arith.constant 1 : i32
    %jit3A_1959 = arith.constant 0 : i32
    %broadcast_in_dim3A_1960 = vector.broadcast %jit3A_1958 : i32 to vector<16xi32>
    %broadcast_in_dim3A_1961 = vector.broadcast %jit3A_1959 : i32 to vector<16xi32>
    %select_n3A_1962 = arith.select %ge3A_1957, %broadcast_in_dim3A_1960, %broadcast_in_dim3A_1961 : vector<16xi1>, vector<16xi32>
    %swap3A_1963 = arith.constant 2032 : index
    %swap3A_1964 = tpu.vector_load %arg8[%swap3A_1963] {strides = array<i32>} : memref<2048xi32, #tpu.memory_space<vmem>>, vector<16xi32>,
    %swap3A_1965 = vector.shape_cast %swap3A_1964 : vector<16xi32> to vector<16xi32>
    %swap3A_1966 = vector.shape_cast %select_n3A_1962 : vector<16xi32> to vector<16xi32>
    tpu.vector_store %arg8[%swap3A_1963], %swap3A_1966 {strides = array<i32>} : memref<2048xi32, #tpu.memory_space<vmem>>, vector<16xi32>,
    %mul3A_1967 = arith.constant 2048 : i32
    %mul3A_1968 = arith.muli %add3A, %mul3A_1967 : i32
    "tpu.region"() ({
      %run_scoped3A = tpu.sem_alloc : memref<!tpu.dma_semaphore, #tpu.memory_space<semaphore_mem>>
      %dma_start3A = tpu.memref_slice %arg4[%mul3A_1968] : memref<65536xi32, #tpu.memory_space<hbm>> -> memref<2048xi32, #tpu.memory_space<hbm>>
      %dma_start3A_1969 = tpu.memref_slice %arg4[%mul3A_1968] : memref<65536xi32, #tpu.memory_space<hbm>> -> memref<2048xi32, #tpu.memory_space<hbm>>
      tpu.enqueue_dma source(%arg8 : memref<2048xi32, #tpu.memory_space<vmem>>) target(%dma_start3A_1969 : memref<2048xi32, #tpu.memory_space<hbm>>) target_semaphore(%run_scoped3A : memref<!tpu.dma_semaphore, #tpu.memory_space<semaphore_mem>>)
      %dma_wait3A = tpu.memref_slice %arg4[%mul3A_1968] : memref<65536xi32, #tpu.memory_space<hbm>> -> memref<2048xi32, #tpu.memory_space<hbm>>
      %dma_wait3A_1970 = tpu.memref_slice %arg4[%mul3A_1968] : memref<65536xi32, #tpu.memory_space<hbm>> -> memref<2048xi32, #tpu.memory_space<hbm>>
      tpu.wait_dma2 semaphore(%run_scoped3A : memref<!tpu.dma_semaphore, #tpu.memory_space<semaphore_mem>>) src(%arg8 : memref<2048xi32, #tpu.memory_space<vmem>>) dst(%dma_wait3A_1970 : memref<2048xi32, #tpu.memory_space<hbm>>)
      tpu.yield
    }) : () -> ()
    return
  }
}

module attributes {stable_mosaic.version = 14 : i64} {
  func.func @_tc_body(%arg0: i32, %arg1: memref<16xi32, #tpu.memory_space<smem>>, %arg2: memref<256x80xf32, #tpu.memory_space<vmem>>, %arg3: memref<6144x80xf32, #tpu.memory_space<vmem>>, %arg4: memref<1x80xi32, #tpu.memory_space<vmem>>, %arg5: memref<80x12288xf32, #tpu.memory_space<vmem>>, %arg6: memref<256x16x768xf32, #tpu.memory_space<vmem>>) attributes {dimension_semantics = [#tpu.dimension_semantics<arbitrary>], iteration_bounds = array<i64: 16>, scalar_prefetch = 1 : i64, scratch_operands = 0 : i64, tpu.core_type = #tpu.core_type<tc>, window_params = [{transform_indices = @transform_0, window_bounds = array<i64: 256, 80>}, {pipeline_mode = #tpu.pipeline_mode<synchronous>, transform_indices = @transform_1, window_bounds = array<i64: 6144, 80>}, {pipeline_mode = #tpu.pipeline_mode<synchronous>, transform_indices = @transform_2, window_bounds = array<i64: 1, 80>}, {pipeline_mode = #tpu.pipeline_mode<synchronous>, transform_indices = @transform_3, window_bounds = array<i64: 80, 12288>}, {transform_indices = @transform_4, window_bounds = array<i64: 256, 16, 768>}]} {
    %mul3A = arith.constant 256 : i32
    %mul3A_0 = arith.muli %arg0, %mul3A : i32
    %iota3A = tpu.iota {dimensions = array<i32: 0>} : vector<256x1xi32>
    %add3A = vector.broadcast %mul3A_0 : i32 to vector<256x1xi32>
    %add3A_1 = arith.addi %add3A, %iota3A : vector<256x1xi32>
    %iota3A_2 = tpu.iota {dimensions = array<i32: 1>} : vector<256x80xi32>
    %jit3A = arith.constant 5 : i32
    %div3A = vector.broadcast %jit3A : i32 to vector<256x80xi32>
    %div3A_3 = arith.divsi %iota3A_2, %div3A : vector<256x80xi32>
    %sign3A = arith.constant 0 : i32
    %sign3A_4 = vector.broadcast %sign3A : i32 to vector<256x80xi32>
    %sign3A_5 = arith.cmpi sgt, %iota3A_2, %sign3A_4 : vector<256x80xi32>
    %sign3A_6 = arith.extui %sign3A_5 : vector<256x80xi1> to vector<256x80xi32>
    %sign3A_7 = arith.constant 0 : i32
    %sign3A_8 = vector.broadcast %sign3A_7 : i32 to vector<256x80xi32>
    %sign3A_9 = arith.cmpi slt, %iota3A_2, %sign3A_8 : vector<256x80xi32>
    %sign3A_10 = arith.extui %sign3A_9 : vector<256x80xi1> to vector<256x80xi32>
    %sign3A_11 = arith.subi %sign3A_6, %sign3A_10 : vector<256x80xi32>
    %sign3A_12 = arith.constant 0 : i32
    %sign3A_13 = arith.cmpi sgt, %jit3A, %sign3A_12 : i32
    %sign3A_14 = arith.extui %sign3A_13 : i1 to i32
    %sign3A_15 = arith.constant 0 : i32
    %sign3A_16 = arith.cmpi slt, %jit3A, %sign3A_15 : i32
    %sign3A_17 = arith.extui %sign3A_16 : i1 to i32
    %sign3A_18 = arith.subi %sign3A_14, %sign3A_17 : i32
    %ne3A = vector.broadcast %sign3A_18 : i32 to vector<256x80xi32>
    %ne3A_19 = arith.cmpi ne, %sign3A_11, %ne3A : vector<256x80xi32>
    %rem3A = vector.broadcast %jit3A : i32 to vector<256x80xi32>
    %rem3A_20 = arith.remsi %iota3A_2, %rem3A : vector<256x80xi32>
    %ne3A_21 = arith.constant 0 : i32
    %ne3A_22 = vector.broadcast %ne3A_21 : i32 to vector<256x80xi32>
    %ne3A_23 = arith.cmpi ne, %rem3A_20, %ne3A_22 : vector<256x80xi32>
    %and3A = arith.andi %ne3A_19, %ne3A_23 : vector<256x80xi1>
    %sub3A = arith.constant 1 : i32
    %sub3A_24 = vector.broadcast %sub3A : i32 to vector<256x80xi32>
    %sub3A_25 = arith.subi %div3A_3, %sub3A_24 : vector<256x80xi32>
    %select_n3A = arith.select %and3A, %sub3A_25, %div3A_3 : vector<256x80xi1>, vector<256x80xi32>
    %broadcast_in_dim3A = arith.constant 0.000000e+00 : f32
    %broadcast_in_dim3A_26 = vector.broadcast %broadcast_in_dim3A : f32 to vector<256x80xf32>
    %add3A_27 = arith.constant 2048 : i32
    %add3A_28 = arith.addi %add3A_27, %mul3A_0 : i32
    %get3A = arith.constant 0 : index
    %get3A_29 = memref.load %arg1[%get3A] : memref<16xi32, #tpu.memory_space<smem>>
    %sub3A_30 = arith.subi %add3A_28, %get3A_29 : i32
    %get3A_31 = arith.index_cast %sub3A_30 : i32 to index
    %get3A_32 = arith.constant 0 : index
    %get3A_33 = vector.load %arg3[%get3A_31, %get3A_32] : memref<6144x80xf32, #tpu.memory_space<vmem>>, vector<256x80xf32>
    %eq3A = arith.constant 0 : i32
    %eq3A_34 = vector.broadcast %eq3A : i32 to vector<256x80xi32>
    %eq3A_35 = arith.cmpi eq, %select_n3A, %eq3A_34 : vector<256x80xi32>
    %select_n3A_36 = arith.select %eq3A_35, %get3A_33, %broadcast_in_dim3A_26 : vector<256x80xi1>, vector<256x80xf32>
    %add3A_37 = arith.constant 2048 : i32
    %add3A_38 = arith.addi %add3A_37, %mul3A_0 : i32
    %get3A_39 = arith.constant 1 : index
    %get3A_40 = memref.load %arg1[%get3A_39] : memref<16xi32, #tpu.memory_space<smem>>
    %sub3A_41 = arith.subi %add3A_38, %get3A_40 : i32
    %get3A_42 = arith.index_cast %sub3A_41 : i32 to index
    %get3A_43 = arith.constant 0 : index
    %get3A_44 = vector.load %arg3[%get3A_42, %get3A_43] : memref<6144x80xf32, #tpu.memory_space<vmem>>, vector<256x80xf32>
    %eq3A_45 = arith.constant 1 : i32
    %eq3A_46 = vector.broadcast %eq3A_45 : i32 to vector<256x80xi32>
    %eq3A_47 = arith.cmpi eq, %select_n3A, %eq3A_46 : vector<256x80xi32>
    %select_n3A_48 = arith.select %eq3A_47, %get3A_44, %select_n3A_36 : vector<256x80xi1>, vector<256x80xf32>
    %add3A_49 = arith.constant 2048 : i32
    %add3A_50 = arith.addi %add3A_49, %mul3A_0 : i32
    %get3A_51 = arith.constant 2 : index
    %get3A_52 = memref.load %arg1[%get3A_51] : memref<16xi32, #tpu.memory_space<smem>>
    %sub3A_53 = arith.subi %add3A_50, %get3A_52 : i32
    %get3A_54 = arith.index_cast %sub3A_53 : i32 to index
    %get3A_55 = arith.constant 0 : index
    %get3A_56 = vector.load %arg3[%get3A_54, %get3A_55] : memref<6144x80xf32, #tpu.memory_space<vmem>>, vector<256x80xf32>
    %eq3A_57 = arith.constant 2 : i32
    %eq3A_58 = vector.broadcast %eq3A_57 : i32 to vector<256x80xi32>
    %eq3A_59 = arith.cmpi eq, %select_n3A, %eq3A_58 : vector<256x80xi32>
    %select_n3A_60 = arith.select %eq3A_59, %get3A_56, %select_n3A_48 : vector<256x80xi1>, vector<256x80xf32>
    %add3A_61 = arith.constant 2048 : i32
    %add3A_62 = arith.addi %add3A_61, %mul3A_0 : i32
    %get3A_63 = arith.constant 3 : index
    %get3A_64 = memref.load %arg1[%get3A_63] : memref<16xi32, #tpu.memory_space<smem>>
    %sub3A_65 = arith.subi %add3A_62, %get3A_64 : i32
    %get3A_66 = arith.index_cast %sub3A_65 : i32 to index
    %get3A_67 = arith.constant 0 : index
    %get3A_68 = vector.load %arg3[%get3A_66, %get3A_67] : memref<6144x80xf32, #tpu.memory_space<vmem>>, vector<256x80xf32>
    %eq3A_69 = arith.constant 3 : i32
    %eq3A_70 = vector.broadcast %eq3A_69 : i32 to vector<256x80xi32>
    %eq3A_71 = arith.cmpi eq, %select_n3A, %eq3A_70 : vector<256x80xi32>
    %select_n3A_72 = arith.select %eq3A_71, %get3A_68, %select_n3A_60 : vector<256x80xi1>, vector<256x80xf32>
    %add3A_73 = arith.constant 2048 : i32
    %add3A_74 = arith.addi %add3A_73, %mul3A_0 : i32
    %get3A_75 = arith.constant 4 : index
    %get3A_76 = memref.load %arg1[%get3A_75] : memref<16xi32, #tpu.memory_space<smem>>
    %sub3A_77 = arith.subi %add3A_74, %get3A_76 : i32
    %get3A_78 = arith.index_cast %sub3A_77 : i32 to index
    %get3A_79 = arith.constant 0 : index
    %get3A_80 = vector.load %arg3[%get3A_78, %get3A_79] : memref<6144x80xf32, #tpu.memory_space<vmem>>, vector<256x80xf32>
    %eq3A_81 = arith.constant 4 : i32
    %eq3A_82 = vector.broadcast %eq3A_81 : i32 to vector<256x80xi32>
    %eq3A_83 = arith.cmpi eq, %select_n3A, %eq3A_82 : vector<256x80xi32>
    %select_n3A_84 = arith.select %eq3A_83, %get3A_80, %select_n3A_72 : vector<256x80xi1>, vector<256x80xf32>
    %add3A_85 = arith.constant 2048 : i32
    %add3A_86 = arith.addi %add3A_85, %mul3A_0 : i32
    %get3A_87 = arith.constant 5 : index
    %get3A_88 = memref.load %arg1[%get3A_87] : memref<16xi32, #tpu.memory_space<smem>>
    %sub3A_89 = arith.subi %add3A_86, %get3A_88 : i32
    %get3A_90 = arith.index_cast %sub3A_89 : i32 to index
    %get3A_91 = arith.constant 0 : index
    %get3A_92 = vector.load %arg3[%get3A_90, %get3A_91] : memref<6144x80xf32, #tpu.memory_space<vmem>>, vector<256x80xf32>
    %eq3A_93 = arith.constant 5 : i32
    %eq3A_94 = vector.broadcast %eq3A_93 : i32 to vector<256x80xi32>
    %eq3A_95 = arith.cmpi eq, %select_n3A, %eq3A_94 : vector<256x80xi32>
    %select_n3A_96 = arith.select %eq3A_95, %get3A_92, %select_n3A_84 : vector<256x80xi1>, vector<256x80xf32>
    %add3A_97 = arith.constant 2048 : i32
    %add3A_98 = arith.addi %add3A_97, %mul3A_0 : i32
    %get3A_99 = arith.constant 6 : index
    %get3A_100 = memref.load %arg1[%get3A_99] : memref<16xi32, #tpu.memory_space<smem>>
    %sub3A_101 = arith.subi %add3A_98, %get3A_100 : i32
    %get3A_102 = arith.index_cast %sub3A_101 : i32 to index
    %get3A_103 = arith.constant 0 : index
    %get3A_104 = vector.load %arg3[%get3A_102, %get3A_103] : memref<6144x80xf32, #tpu.memory_space<vmem>>, vector<256x80xf32>
    %eq3A_105 = arith.constant 6 : i32
    %eq3A_106 = vector.broadcast %eq3A_105 : i32 to vector<256x80xi32>
    %eq3A_107 = arith.cmpi eq, %select_n3A, %eq3A_106 : vector<256x80xi32>
    %select_n3A_108 = arith.select %eq3A_107, %get3A_104, %select_n3A_96 : vector<256x80xi1>, vector<256x80xf32>
    %add3A_109 = arith.constant 2048 : i32
    %add3A_110 = arith.addi %add3A_109, %mul3A_0 : i32
    %get3A_111 = arith.constant 7 : index
    %get3A_112 = memref.load %arg1[%get3A_111] : memref<16xi32, #tpu.memory_space<smem>>
    %sub3A_113 = arith.subi %add3A_110, %get3A_112 : i32
    %get3A_114 = arith.index_cast %sub3A_113 : i32 to index
    %get3A_115 = arith.constant 0 : index
    %get3A_116 = vector.load %arg3[%get3A_114, %get3A_115] : memref<6144x80xf32, #tpu.memory_space<vmem>>, vector<256x80xf32>
    %eq3A_117 = arith.constant 7 : i32
    %eq3A_118 = vector.broadcast %eq3A_117 : i32 to vector<256x80xi32>
    %eq3A_119 = arith.cmpi eq, %select_n3A, %eq3A_118 : vector<256x80xi32>
    %select_n3A_120 = arith.select %eq3A_119, %get3A_116, %select_n3A_108 : vector<256x80xi1>, vector<256x80xf32>
    %add3A_121 = arith.constant 2048 : i32
    %add3A_122 = arith.addi %add3A_121, %mul3A_0 : i32
    %get3A_123 = arith.constant 8 : index
    %get3A_124 = memref.load %arg1[%get3A_123] : memref<16xi32, #tpu.memory_space<smem>>
    %sub3A_125 = arith.subi %add3A_122, %get3A_124 : i32
    %get3A_126 = arith.index_cast %sub3A_125 : i32 to index
    %get3A_127 = arith.constant 0 : index
    %get3A_128 = vector.load %arg3[%get3A_126, %get3A_127] : memref<6144x80xf32, #tpu.memory_space<vmem>>, vector<256x80xf32>
    %eq3A_129 = arith.constant 8 : i32
    %eq3A_130 = vector.broadcast %eq3A_129 : i32 to vector<256x80xi32>
    %eq3A_131 = arith.cmpi eq, %select_n3A, %eq3A_130 : vector<256x80xi32>
    %select_n3A_132 = arith.select %eq3A_131, %get3A_128, %select_n3A_120 : vector<256x80xi1>, vector<256x80xf32>
    %add3A_133 = arith.constant 2048 : i32
    %add3A_134 = arith.addi %add3A_133, %mul3A_0 : i32
    %get3A_135 = arith.constant 9 : index
    %get3A_136 = memref.load %arg1[%get3A_135] : memref<16xi32, #tpu.memory_space<smem>>
    %sub3A_137 = arith.subi %add3A_134, %get3A_136 : i32
    %get3A_138 = arith.index_cast %sub3A_137 : i32 to index
    %get3A_139 = arith.constant 0 : index
    %get3A_140 = vector.load %arg3[%get3A_138, %get3A_139] : memref<6144x80xf32, #tpu.memory_space<vmem>>, vector<256x80xf32>
    %eq3A_141 = arith.constant 9 : i32
    %eq3A_142 = vector.broadcast %eq3A_141 : i32 to vector<256x80xi32>
    %eq3A_143 = arith.cmpi eq, %select_n3A, %eq3A_142 : vector<256x80xi32>
    %select_n3A_144 = arith.select %eq3A_143, %get3A_140, %select_n3A_132 : vector<256x80xi1>, vector<256x80xf32>
    %add3A_145 = arith.constant 2048 : i32
    %add3A_146 = arith.addi %add3A_145, %mul3A_0 : i32
    %get3A_147 = arith.constant 10 : index
    %get3A_148 = memref.load %arg1[%get3A_147] : memref<16xi32, #tpu.memory_space<smem>>
    %sub3A_149 = arith.subi %add3A_146, %get3A_148 : i32
    %get3A_150 = arith.index_cast %sub3A_149 : i32 to index
    %get3A_151 = arith.constant 0 : index
    %get3A_152 = vector.load %arg3[%get3A_150, %get3A_151] : memref<6144x80xf32, #tpu.memory_space<vmem>>, vector<256x80xf32>
    %eq3A_153 = arith.constant 10 : i32
    %eq3A_154 = vector.broadcast %eq3A_153 : i32 to vector<256x80xi32>
    %eq3A_155 = arith.cmpi eq, %select_n3A, %eq3A_154 : vector<256x80xi32>
    %select_n3A_156 = arith.select %eq3A_155, %get3A_152, %select_n3A_144 : vector<256x80xi1>, vector<256x80xf32>
    %add3A_157 = arith.constant 2048 : i32
    %add3A_158 = arith.addi %add3A_157, %mul3A_0 : i32
    %get3A_159 = arith.constant 11 : index
    %get3A_160 = memref.load %arg1[%get3A_159] : memref<16xi32, #tpu.memory_space<smem>>
    %sub3A_161 = arith.subi %add3A_158, %get3A_160 : i32
    %get3A_162 = arith.index_cast %sub3A_161 : i32 to index
    %get3A_163 = arith.constant 0 : index
    %get3A_164 = vector.load %arg3[%get3A_162, %get3A_163] : memref<6144x80xf32, #tpu.memory_space<vmem>>, vector<256x80xf32>
    %eq3A_165 = arith.constant 11 : i32
    %eq3A_166 = vector.broadcast %eq3A_165 : i32 to vector<256x80xi32>
    %eq3A_167 = arith.cmpi eq, %select_n3A, %eq3A_166 : vector<256x80xi32>
    %select_n3A_168 = arith.select %eq3A_167, %get3A_164, %select_n3A_156 : vector<256x80xi1>, vector<256x80xf32>
    %add3A_169 = arith.constant 2048 : i32
    %add3A_170 = arith.addi %add3A_169, %mul3A_0 : i32
    %get3A_171 = arith.constant 12 : index
    %get3A_172 = memref.load %arg1[%get3A_171] : memref<16xi32, #tpu.memory_space<smem>>
    %sub3A_173 = arith.subi %add3A_170, %get3A_172 : i32
    %get3A_174 = arith.index_cast %sub3A_173 : i32 to index
    %get3A_175 = arith.constant 0 : index
    %get3A_176 = vector.load %arg3[%get3A_174, %get3A_175] : memref<6144x80xf32, #tpu.memory_space<vmem>>, vector<256x80xf32>
    %eq3A_177 = arith.constant 12 : i32
    %eq3A_178 = vector.broadcast %eq3A_177 : i32 to vector<256x80xi32>
    %eq3A_179 = arith.cmpi eq, %select_n3A, %eq3A_178 : vector<256x80xi32>
    %select_n3A_180 = arith.select %eq3A_179, %get3A_176, %select_n3A_168 : vector<256x80xi1>, vector<256x80xf32>
    %add3A_181 = arith.constant 2048 : i32
    %add3A_182 = arith.addi %add3A_181, %mul3A_0 : i32
    %get3A_183 = arith.constant 13 : index
    %get3A_184 = memref.load %arg1[%get3A_183] : memref<16xi32, #tpu.memory_space<smem>>
    %sub3A_185 = arith.subi %add3A_182, %get3A_184 : i32
    %get3A_186 = arith.index_cast %sub3A_185 : i32 to index
    %get3A_187 = arith.constant 0 : index
    %get3A_188 = vector.load %arg3[%get3A_186, %get3A_187] : memref<6144x80xf32, #tpu.memory_space<vmem>>, vector<256x80xf32>
    %eq3A_189 = arith.constant 13 : i32
    %eq3A_190 = vector.broadcast %eq3A_189 : i32 to vector<256x80xi32>
    %eq3A_191 = arith.cmpi eq, %select_n3A, %eq3A_190 : vector<256x80xi32>
    %select_n3A_192 = arith.select %eq3A_191, %get3A_188, %select_n3A_180 : vector<256x80xi1>, vector<256x80xf32>
    %add3A_193 = arith.constant 2048 : i32
    %add3A_194 = arith.addi %add3A_193, %mul3A_0 : i32
    %get3A_195 = arith.constant 14 : index
    %get3A_196 = memref.load %arg1[%get3A_195] : memref<16xi32, #tpu.memory_space<smem>>
    %sub3A_197 = arith.subi %add3A_194, %get3A_196 : i32
    %get3A_198 = arith.index_cast %sub3A_197 : i32 to index
    %get3A_199 = arith.constant 0 : index
    %get3A_200 = vector.load %arg3[%get3A_198, %get3A_199] : memref<6144x80xf32, #tpu.memory_space<vmem>>, vector<256x80xf32>
    %eq3A_201 = arith.constant 14 : i32
    %eq3A_202 = vector.broadcast %eq3A_201 : i32 to vector<256x80xi32>
    %eq3A_203 = arith.cmpi eq, %select_n3A, %eq3A_202 : vector<256x80xi32>
    %select_n3A_204 = arith.select %eq3A_203, %get3A_200, %select_n3A_192 : vector<256x80xi1>, vector<256x80xf32>
    %add3A_205 = arith.constant 2048 : i32
    %add3A_206 = arith.addi %add3A_205, %mul3A_0 : i32
    %get3A_207 = arith.constant 15 : index
    %get3A_208 = memref.load %arg1[%get3A_207] : memref<16xi32, #tpu.memory_space<smem>>
    %sub3A_209 = arith.subi %add3A_206, %get3A_208 : i32
    %get3A_210 = arith.index_cast %sub3A_209 : i32 to index
    %get3A_211 = arith.constant 0 : index
    %get3A_212 = vector.load %arg3[%get3A_210, %get3A_211] : memref<6144x80xf32, #tpu.memory_space<vmem>>, vector<256x80xf32>
    %eq3A_213 = arith.constant 15 : i32
    %eq3A_214 = vector.broadcast %eq3A_213 : i32 to vector<256x80xi32>
    %eq3A_215 = arith.cmpi eq, %select_n3A, %eq3A_214 : vector<256x80xi32>
    %select_n3A_216 = arith.select %eq3A_215, %get3A_212, %select_n3A_204 : vector<256x80xi1>, vector<256x80xf32>
    %get3A_217 = arith.constant 0 : index
    %get3A_218 = arith.constant 0 : index
    %get3A_219 = vector.load %arg4[%get3A_217, %get3A_218] : memref<1x80xi32, #tpu.memory_space<vmem>>, vector<1x80xi32>
    %lt3A = vector.broadcast %add3A_1 : vector<256x1xi32> to vector<256x80xi32>
    %lt3A_220 = vector.broadcast %get3A_219 : vector<1x80xi32> to vector<256x80xi32>
    %lt3A_221 = arith.cmpi slt, %lt3A, %lt3A_220 : vector<256x80xi32>
    %get3A_222 = arith.constant 0 : index
    %get3A_223 = arith.constant 0 : index
    %get3A_224 = vector.load %arg2[%get3A_222, %get3A_223] : memref<256x80xf32, #tpu.memory_space<vmem>>, vector<256x80xf32>
    %select_n3A_225 = arith.select %lt3A_221, %get3A_224, %select_n3A_216 : vector<256x80xi1>, vector<256x80xf32>
    %broadcast_in_dim3A_226 = arith.constant 0.000000e+00 : f32
    %broadcast_in_dim3A_227 = vector.broadcast %broadcast_in_dim3A_226 : f32 to vector<256x16x768xf32>
    %slice3A = vector.extract_strided_slice %select_n3A_225 {offsets = [0, 0], sizes = [1, 1], strides = [1, 1]} : vector<256x80xf32> to vector<1x1xf32>
    %squeeze3A = vector.extract %slice3A[0, 0] : f32 from vector<1x1xf32>
    %add3A_228 = vector.broadcast %squeeze3A : f32 to vector<256x16x768xf32>
    %add3A_229 = arith.addf %broadcast_in_dim3A_227, %add3A_228 : vector<256x16x768xf32>
    %swap3A = arith.constant 0 : index
    %swap3A_230 = arith.constant 0 : index
    %swap3A_231 = arith.constant 0 : index
    %swap3A_232 = vector.load %arg6[%swap3A, %swap3A_230, %swap3A_231] : memref<256x16x768xf32, #tpu.memory_space<vmem>>, vector<256x16x768xf32>
    tpu.vector_store %arg6[%swap3A, %swap3A_230, %swap3A_231], %add3A_229 {strides = array<i32>} : memref<256x16x768xf32, #tpu.memory_space<vmem>>, vector<256x16x768xf32>,
    return
  }
  func.func @transform_0(%arg0: i32, %arg1: memref<16xi32, #tpu.memory_space<smem>>) -> (i32, i32) {
    %c0_i32 = arith.constant 0 : i32
    %c0_i32_0 = arith.constant 0 : i32
    return %arg0, %c0_i32 : i32, i32
  }
  func.func @transform_1(%arg0: i32, %arg1: memref<16xi32, #tpu.memory_space<smem>>) -> (i32, i32) {
    %c0_i32 = arith.constant 0 : i32
    %c0_i32_0 = arith.constant 0 : i32
    %c0_i32_1 = arith.constant 0 : i32
    return %c0_i32, %c0_i32_0 : i32, i32
  }
  func.func @transform_2(%arg0: i32, %arg1: memref<16xi32, #tpu.memory_space<smem>>) -> (i32, i32) {
    %c0_i32 = arith.constant 0 : i32
    %c0_i32_0 = arith.constant 0 : i32
    %c0_i32_1 = arith.constant 0 : i32
    return %c0_i32, %c0_i32_0 : i32, i32
  }
  func.func @transform_3(%arg0: i32, %arg1: memref<16xi32, #tpu.memory_space<smem>>) -> (i32, i32) {
    %c0_i32 = arith.constant 0 : i32
    %c0_i32_0 = arith.constant 0 : i32
    %c0_i32_1 = arith.constant 0 : i32
    return %c0_i32, %c0_i32_0 : i32, i32
  }
  func.func @transform_4(%arg0: i32, %arg1: memref<16xi32, #tpu.memory_space<smem>>) -> (i32, i32, i32) {
    %c0_i32 = arith.constant 0 : i32
    %c0_i32_0 = arith.constant 0 : i32
    %c0_i32_1 = arith.constant 0 : i32
    return %arg0, %c0_i32, %c0_i32_0 : i32, i32, i32
  }
}

</mosaic_0001>

<sc_bundles>
// kernel: kernel.4.cloned.1.call-start
scs
__scs_entry_jumppad:
0x0: {  	(pc) =	sbr.rel $0x88, $3  }
0x1: {  	(tag) =	ssettag $0x0;
	lr =	simm.s32 $0x1  }
0x2: {  	[smem:$0x3F9B] =	sst lr;
	_ =	strace $0xD0000000  }
0x3: {  	_ = 	snop  }
0x4: {  	_ = 	snop  }
0x5: {  	_ = 	snop  }
0x6: {  	_ = 	snop  }
0x7: {  	_ = 	snop  }
__scs_overlays_trampoline_lowered:
0x8: {  	[smem:$0x3FAA] =	sst s0  }
0x9: {  	[smem:$0x3FAB] =	sst s1  }
0xa: {  	[smem:$0x3FAC] =	sst s2  }
0xb: {  	[smem:$0x3FAD] =	sst s3  }
0xc: {  	[smem:$0x3FAE] =	sst s4  }
0xd: {  	[smem:$0x3FAF] =	sst s5  }
0xe: {  	[smem:$0x3FB0] =	sst s6  }
0xf: {  	[smem:$0x3FB1] =	sst s7  }
0x10: {  	[smem:$0x3FB2] =	sst s8  }
0x11: {  	[smem:$0x3FB3] =	sst s9;
	s0 =	simm.s32 @!p0 $0x0  }
0x12: {  	s1 =	sld [smem:$0x3F99];
	s0 =	simm.s32 @p0 $0x1  }
0x13: {  	[smem:$0x3FB4] =	sst s0;
	s0 =	simm.s32 @!p1 $0x0  }
0x14: {  	s2 =	sld [smem:$0x3F98];
	s0 =	simm.s32 @p1 $0x1  }
0x15: {  	[smem:$0x3FB5] =	sst s0;
	s0 =	simm.s32 @!p2 $0x0  }
0x16: {  	s3 =	sld [smem:$0x3FDB];
	s0 =	simm.s32 @p2 $0x1  }
0x17: {  	s4 =	simm.s32 $0x1BF5;
	[smem:$0x3FB7] =	sst s0  }
0x18: {  	s0 =	sld [smem:$0x3F9A];
	_ =	swait.ge [sflag:s4], $0x0  }
0x19: {  	s7 =	sld [smem:$0x3F9B]  }
0x1a: {  	s8 =	sadd.s32 $0xFFFFE003, lr  }
0x1b: {  	s9 =	sadd.s32 $0xFFFFFEF7, lr;
	s5 =	simm.s32 $0xFFFFFFFF;
	p2 =	slt.u32 s8, $0xFFFFF086  }
0x1c: {  	p1 =	slt.u32 s9, $0xF7A;
	s5 =	simm.s32 @!p2 $0x0  }
0x1d: {  	s5 =	simm.s32 @p1 $0x1;
	p0 =	seq.s32 s7, s2  }
0x1e: {  	s7 =	smul.u32 @!p0 $0xF7A, s2;
	p2 =	seq.s32 @!p0 s5, $0x0  }
0x1f: {  	s9 =	smul.u32 $0xF7A, s1;
	s8 =	simm.s32 @!p0 $0x1BF5;
	p2 =	por !p2, p0  }
0x20: {  	[sflag:s8] =	ssyncset.s32 @!p0 $0xFFFFF086;
	s6 =	sadd.s32 @!p0 s3, s7;
	s7 =	simm.s32 @!p0 $0x108  }
0x21: {  	s3 =	sadd.s32 s3, s9;
	s6 =	sadd.s32 @!p0 $0x88, s6;
	s7 =	simm.s32 @p2 $0x1082  }
0x22: {  	[simem:s7], [sflag:s8] =	dma.local @!p0 [hbm:s6], $0xF7A  }
0x23: {  	s9 =	sor.u32 $0xD0000000, s2;
	s6 =	simm.s32 $0x108;
	_ =	swait.ge @!p0 [sflag:s8], $0x0  }
0x24: {  	s3 =	sadd.s32 $0x88, s3;
	s6 =	simm.s32 @!p1 $0x1082;
	[sflag:s4] =	ssyncset.s32 $0xFFFFF086  }
0x25: {  	[simem:s6], [sflag:s4] =	dma.local [hbm:s3], $0xF7A  }
0x26: {  	[smem:$0x3F9B] =	sst s1;
	(tag) =	ssettag s2;
	_ =	strace s9  }
0x27: {  	s1 =	sld [smem:$0x3FAB]  }
0x28: {  	s2 =	sld [smem:$0x3FAC]  }
0x29: {  	s4 =	sld [smem:$0x3FAE]  }
0x2a: {  	p0 =	seq.s32 s5, $0x0;
	s5 =	sld [smem:$0x3FAF]  }
0x2b: {  	s6 =	sld [smem:$0x3FB0]  }
0x2c: {  	s7 =	sld [smem:$0x3FB1]  }
0x2d: {  	s3 =	simm.s32 $0x108;
	s8 =	sld [smem:$0x3FB2]  }
0x2e: {  	s3 =	simm.s32 @!p0 $0x1082;
	s9 =	sld [smem:$0x3FB3]  }
0x2f: {  	lr =	sadd.s32 s0, s3;
	s0 =	sld [smem:$0x3FAA]  }
0x30: {  	s3 =	sld [smem:$0x3FAD]  }
0x31: {  	[smem:$0x3FB6] =	sst s10  }
0x32: {  	s10 =	sld [smem:$0x3FB4];
	_ =	sdelay $0x3  }
0x33: {  	p0 =	seq.s32 s10, $0x1;
	s10 =	sld [smem:$0x3FB6];
	_ =	sdelay $0x3  }
0x34: {  	[smem:$0x3FB6] =	sst s10  }
0x35: {  	s10 =	sld [smem:$0x3FB5];
	_ =	sdelay $0x3  }
0x36: {  	p1 =	seq.s32 s10, $0x1;
	s10 =	sld [smem:$0x3FB6];
	_ =	sdelay $0x3  }
0x37: {  	[smem:$0x3FB6] =	sst s10  }
0x38: {  	s10 =	sld [smem:$0x3FB7]  }
0x39: {  	_ = 	snop;
	(pc) =	sbr.ind lr, $3  }
0x3a: {  	_ = 	snop  }
0x3b: {  	_ = 	snop  }
0x3c: {  	p2 =	seq.s32 s10, $0x1;
	s10 =	sld [smem:$0x3FB6]  }
0x3d: {  	_ =	shalt  }
0x3e: {  	_ =	shalt  }
0x3f: {  	_ =	shalt  }
0x40: {  	_ =	shalt  }
0x41: {  	_ =	shalt  }
0x42: {  	_ =	shalt  }
0x43: {  	_ =	shalt  }
0x44: {  	_ =	shalt  }
0x45: {  	_ =	shalt  }
0x46: {  	_ =	shalt  }
0x47: {  	_ =	shalt  }
0x48: {  	_ =	shalt  }
0x49: {  	_ =	shalt  }
0x4a: {  	_ =	shalt  }
0x4b: {  	_ =	shalt  }
0x4c: {  	_ =	shalt  }
0x4d: {  	_ =	shalt  }
0x4e: {  	_ =	shalt  }
0x4f: {  	_ =	shalt  }
0x50: {  	_ =	shalt  }
0x51: {  	_ =	shalt  }
0x52: {  	_ =	shalt  }
0x53: {  	_ =	shalt  }
0x54: {  	_ =	shalt  }
0x55: {  	_ =	shalt  }
0x56: {  	_ =	shalt  }
0x57: {  	_ =	shalt  }
0x58: {  	_ =	shalt  }
0x59: {  	_ =	shalt  }
0x5a: {  	_ =	shalt  }
0x5b: {  	_ =	shalt  }
0x5c: {  	_ =	shalt  }
0x5d: {  	_ =	shalt  }
0x5e: {  	_ =	shalt  }
0x5f: {  	_ =	shalt  }
0x60: {  	_ =	shalt  }
0x61: {  	_ =	shalt  }
0x62: {  	_ =	shalt  }
0x63: {  	_ =	shalt  }
0x64: {  	_ =	shalt  }
0x65: {  	_ =	shalt  }
0x66: {  	_ =	shalt  }
0x67: {  	_ =	shalt  }
0x68: {  	_ =	shalt  }
0x69: {  	_ =	shalt  }
0x6a: {  	_ =	shalt  }
0x6b: {  	_ =	shalt  }
0x6c: {  	_ =	shalt  }
0x6d: {  	_ =	shalt  }
0x6e: {  	_ =	shalt  }
0x6f: {  	_ =	shalt  }
0x70: {  	_ =	shalt  }
0x71: {  	_ =	shalt  }
0x72: {  	_ =	shalt  }
0x73: {  	_ =	shalt  }
0x74: {  	_ =	shalt  }
0x75: {  	_ =	shalt  }
0x76: {  	_ =	shalt  }
0x77: {  	_ =	shalt  }
0x78: {  	_ =	shalt  }
0x79: {  	_ =	shalt  }
0x7a: {  	_ =	shalt  }
0x7b: {  	_ =	shalt  }
0x7c: {  	_ =	shalt  }
0x7d: {  	_ =	shalt  }
0x7e: {  	_ =	shalt  }
0x7f: {  	_ =	shalt  }
0x80: {  	_ =	shalt  }
0x81: {  	_ =	shalt  }
0x82: {  	_ =	shalt  }
0x83: {  	_ =	shalt  }
0x84: {  	_ =	shalt  }
0x85: {  	_ =	shalt  }
0x86: {  	_ =	shalt  }
0x87: {  	_ =	shalt  }
.Lfunc_end0:
.L_simem_size_0:
called_computation_lowered:
.L_overlay_start_0:
0x88: {  	s2 =	sld [smem:$0x3FD9]  }
0x89: {  	s3 =	sld [smem:$0x3FFE];
	_ =	sdelay $0x1  }
0x8a: {  	s1 =	srdreg.scid  }
0x8b: {  	s0 =	sand.u32 $0x1, s1  }
0x8c: {  	s17 =	sshll.u32 s0, $0xA;
	s2 =	sadd.s32 s3, s2  }
0x8d: {  	s2 =	sadd.s32 s2, s17  }
0x8e: {  	[smem:$0x3FC2] =	sst s2  }
0x8f: {  	_ = 	snop  }
0x90: {  	s2 =	sld [smem:$0x3FC8]  }
0x91: {  	s18 =	sld [smem:$0x3FC6];
	(tm) =	ssettm $0x1  }
0x92: {  	s4 =	sld [smem:$0x3FFB];
	_ =	sdelay $0x3  }
0x93: {  	_ =	strace s4  }
0x94: {  	s4 =	sld [smem:$0x3FFC];
	_ =	sdelay $0x3  }
0x95: {  	_ =	strace s4  }
0x96: {  	s4 =	sld [smem:$0x3FFD];
	_ =	sdelay $0x3  }
0x97: {  	_ =	strace s4  }
0x98: {  	_ =	strace $0x8FFFFFFF  }
0x99: {  	s19 =	sld [smem:$0x3FDB];
	_ =	sdelay $0x1  }
0x9a: {  	s5 =	simm.s32 $_scs_section_size  }
0x9b: {  	s6 =	simm.s32 $_size__tile_overlayer_lowered;
	s7 =	simm.s32 $_tile_overlayer_lowered  }
0x9c: {  	s22 =	simm.s32 $0x1BFF;
	s21 =	sshll.u32 s7, $0x1;
	s4 =	sadd.s32 s5, s19  }
0x9d: {  	s8 =	simm.s32 $0x0;
	s20 =	sshll.u32 s6, $0x1;
	s6 =	sadd.s32 s21, s4  }
0x9e: {  	[timem:s8], [sflag:s22] =	dma.local [hbm:s6], s20  }
0x9f: {  	_ =	swait.ge [sflag:s22], s20  }
0xa0: {  	s5 =	ssub.s32 $0x0, s20;
	[sflag:s22] =	ssyncset.done $0x0  }
0xa1: {  	[sflag:s22] =	ssyncadd.s32 s5;
	_ =	sdelay $0x1  }
0xa2: {  	s23 =	simm.s32 $0x1B8B  }
0xa3: {  	_ =	swait.ge [sflag:s23], $0x1  }
0xa4: {  	[sflag:s23] =	ssyncset.done $0x0  }
0xa5: {  	s25 =	simm.s32 $0x1B8E;
	s24 =	sld [smem:$0x3FFE];
	[sflag:s23] =	ssyncadd.s32 $0xFFFFFFFF  }
0xa6: {  	s26 =	simm.s32 $execute0_lowered;
	[smem:$0x3FD2] =	sst s25  }
0xa7: {  	s6 =	sshll.u32 s26, $0x1;
	_ =	strace $0x80000046;
	[dreg:$0x1] =	wrdreg $0xFFFFFFFF  }
0xa8: {  	s28 =	simm.s32 $_size_execute0_lowered;
	s4 =	sadd.s32 s4, s6;
	[dreg:$0x0] =	wrdreg $0x0  }
0xa9: {  	s6 =	sshll.u32 s28, $0x1;
	[dreg:$0x2] =	wrdreg s4  }
0xaa: {  	[dreg:$0x3] =	wrdreg s6  }
0xab: {  	[dreg:$0x4] =	wrdreg $0xC0  }
0xac: {  	_ =	task [dreg:s8], $0x5FFFF  }
0xad: {  	[dreg:$0x1] =	wrdreg $0xFFFFFFFF  }
0xae: {  	[dreg:$0x0] =	wrdreg $0x60  }
0xaf: {  	[dreg:$0x2] =	wrdreg s2  }
0xb0: {  	[dreg:$0x3] =	wrdreg s18  }
0xb1: {  	[dreg:$0x4] =	wrdreg s24  }
0xb2: {  	[dreg:$0x5] =	wrdreg $0x9  }
0xb3: {  	_ =	task.clear_ibuf [dreg:s8], $0x6FFFF;
	_ =	strace $0x90000046  }
0xb4: {  	s29 =	simm.s32 $0x9;
	_ =	strace $0x80000048  }
0xb5: {  	_ =	swait.ge [sflag:s29], $0x1  }
0xb6: {  	[sflag:s29] =	ssyncadd.s32 $0xFFFFFFFF  }
0xb7: {  	_ =	strace $0x90000048  }
0xb8: {  	_ =	sfence  }
0xb9: {  	s30 =	sld [smem:$0x0];
	_ =	sdelay $0x2  }
0xba: {  	s31 =	sshll.u32 s1, $0xD;
	s1 =	sshrl.u32 s1, $0x2  }
0xbb: {  	s3 =	sand.u32 $0x4000, s31;
	s1 =	sadd.s32 s1, s30  }
0xbc: {  	s0 =	sor.u32 s3, s0;
	s1 =	sshll.u32 s1, $0x11  }
0xbd: {  	s0 =	sor.u32 s1, s0  }
0xbe: {  	s0 =	sadd.s32 $0x8F2B, s0  }
0xbf: {  	[sflag:s0] =	ssyncadd.remote.s32 $0x1  }
0xc0: {  	_ =	sfence.sel $0xFFFF  }
0xc1: {  	[dreg:$0x0] =	wrdreg $0xFFFFFFFF;
	(pc) =	sbr.abs _section_cstart, $3  }
0xc2: {  	[dreg:$0x1] =	wrdreg $0xFFFFFFFF  }
0xc3: {  	_ =	task.clear_ibuf [dreg:s8], $0x2FFFF;
	_ =	strace $0x9FFFFFFF  }
0xc4: {  	(tm) =	ssettm $0x7FFFFFFF  }
0xc5: {  	_ =	shalt  }
tec
execute0_lowered:
.L_overlay_start_1:
0x0: {  	(tag) =	ssettag $0x1  }
0x1: {  	s6 =	srdreg.scid  }
0x2: {  	s6 =	sand.u32 $0x1, s6  }
0x3: {  	s8 =	ssub.s32 $0x2, s6  }
0x4: {  	s1 =	rddreg [dreg:$0x0];
	s9 =	sshrl.u32 s8, $0x1  }
0x5: {  	s3 =	rddreg [dreg:$0x1];
	s8 =	ssub.s32 s8, s9;
	s9 =	sshll.u32 s6, $0xB  }
0x6: {  	s5 =	rddreg [dreg:$0x2];
	s4 =	simm.s32 $0x0;
	v0 =	vlaneseq.u32;
	s28 =	sor.u32 $0x10, s9  }
0x7: {  	[smem:$0x7FF] =	sst s4;
	s11 =	sor.u32 $0x20, s9;
	v1 =	vor.u32 s28, v0  }
0x8: {  	s0 =	rddreg [dreg:$0x3];
	_ =	strace $0x80000047;
	s12 =	sor.u32 $0x30, s9;
	[tilespmem:$0x1FBC0] =	vst v1;
	v1 =	vor.u32 s11, v0  }
0x9: {  	s29 =	sor.u32 $0x40, s9;
	[tilespmem:$0x1FBD0] =	vst v1;
	v1 =	vor.u32 s12, v0  }
0xa: {  	s30 =	sor.u32 $0x50, s9;
	[tilespmem:$0x1FBE0] =	vst v1;
	v1 =	vor.u32 s29, v0  }
0xb: {  	s31 =	sor.u32 $0x60, s9;
	[tilespmem:$0x1FBF0] =	vst v1;
	v1 =	vor.u32 s30, v0  }
0xc: {  	s13 =	sor.u32 $0x70, s9;
	[tilespmem:$0x1FC00] =	vst v1;
	v1 =	vor.u32 s31, v0  }
0xd: {  	s14 =	sor.u32 $0x80, s9;
	[tilespmem:$0x1FC10] =	vst v1;
	v1 =	vor.u32 s13, v0  }
0xe: {  	s15 =	sor.u32 $0x90, s9;
	[tilespmem:$0x1FC20] =	vst v1;
	v1 =	vor.u32 s14, v0  }
0xf: {  	s16 =	sor.u32 $0xA0, s9;
	[tilespmem:$0x1FC30] =	vst v1;
	v1 =	vor.u32 s15, v0  }
0x10: {  	s17 =	sor.u32 $0xB0, s9;
	[tilespmem:$0x1FC40] =	vst v1;
	v1 =	vor.u32 s16, v0  }
0x11: {  	s18 =	sor.u32 $0xC0, s9;
	[tilespmem:$0x1FC50] =	vst v1;
	v1 =	vor.u32 s17, v0  }
0x12: {  	s19 =	sor.u32 $0xD0, s9;
	[tilespmem:$0x1FC60] =	vst v1;
	v1 =	vor.u32 s18, v0  }
0x13: {  	s20 =	sor.u32 $0xE0, s9;
	[tilespmem:$0x1FC70] =	vst v1;
	v1 =	vor.u32 s19, v0  }
0x14: {  	s21 =	sor.u32 $0xF0, s9;
	[tilespmem:$0x1FC80] =	vst v1;
	v1 =	vor.u32 s20, v0  }
0x15: {  	s22 =	sor.u32 $0x100, s9;
	[tilespmem:$0x1FC90] =	vst v1;
	v1 =	vor.u32 s21, v0  }
0x16: {  	s23 =	sor.u32 $0x110, s9;
	[tilespmem:$0x1FCA0] =	vst v1;
	v1 =	vor.u32 s22, v0  }
0x17: {  	s24 =	sor.u32 $0x120, s9;
	[tilespmem:$0x1FCB0] =	vst v1;
	v1 =	vor.u32 s23, v0  }
0x18: {  	s25 =	sor.u32 $0x130, s9;
	[tilespmem:$0x1FCC0] =	vst v1;
	v1 =	vor.u32 s24, v0  }
0x19: {  	s26 =	sor.u32 $0x140, s9;
	[tilespmem:$0x1FCD0] =	vst v1;
	v1 =	vor.u32 s25, v0  }
0x1a: {  	s28 =	sor.u32 $0x150, s9;
	[tilespmem:$0x1FCE0] =	vst v1;
	v1 =	vor.u32 s26, v0  }
0x1b: {  	s29 =	sor.u32 $0x160, s9;
	[tilespmem:$0x1FCF0] =	vst v1;
	v1 =	vor.u32 s28, v0  }
0x1c: {  	s30 =	sor.u32 $0x170, s9;
	[tilespmem:$0x1FD00] =	vst v1;
	v1 =	vor.u32 s29, v0  }
0x1d: {  	s31 =	sor.u32 $0x180, s9;
	[tilespmem:$0x1FD10] =	vst v1;
	v1 =	vor.u32 s30, v0  }
0x1e: {  	s13 =	sor.u32 $0x190, s9;
	[tilespmem:$0x1FD20] =	vst v1;
	v1 =	vor.u32 s31, v0  }
0x1f: {  	s14 =	sor.u32 $0x1A0, s9;
	[tilespmem:$0x1FD30] =	vst v1;
	v1 =	vor.u32 s13, v0  }
0x20: {  	s15 =	sor.u32 $0x1B0, s9;
	[tilespmem:$0x1FD40] =	vst v1;
	v1 =	vor.u32 s14, v0  }
0x21: {  	s16 =	sor.u32 $0x1C0, s9;
	[tilespmem:$0x1FD50] =	vst v1;
	v1 =	vor.u32 s15, v0  }
0x22: {  	s17 =	sor.u32 $0x1D0, s9;
	[tilespmem:$0x1FD60] =	vst v1;
	v1 =	vor.u32 s16, v0  }
0x23: {  	s18 =	sor.u32 $0x1E0, s9;
	[tilespmem:$0x1FD70] =	vst v1;
	v1 =	vor.u32 s17, v0  }
0x24: {  	s19 =	sor.u32 $0x1F0, s9;
	[tilespmem:$0x1FD80] =	vst v1;
	v1 =	vor.u32 s18, v0  }
0x25: {  	s20 =	sor.u32 $0x200, s9;
	[tilespmem:$0x1FD90] =	vst v1;
	v1 =	vor.u32 s19, v0  }
0x26: {  	s21 =	sor.u32 $0x210, s9;
	[tilespmem:$0x1FDA0] =	vst v1;
	v1 =	vor.u32 s20, v0  }
0x27: {  	s22 =	sor.u32 $0x220, s9;
	[tilespmem:$0x1FDB0] =	vst v1;
	v1 =	vor.u32 s21, v0  }
0x28: {  	s23 =	sor.u32 $0x230, s9;
	[tilespmem:$0x1FDC0] =	vst v1;
	v1 =	vor.u32 s22, v0  }
0x29: {  	s24 =	sor.u32 $0x240, s9;
	[tilespmem:$0x1FDD0] =	vst v1;
	v1 =	vor.u32 s23, v0  }
0x2a: {  	s25 =	sor.u32 $0x250, s9;
	[tilespmem:$0x1FDE0] =	vst v1;
	v1 =	vor.u32 s24, v0  }
0x2b: {  	s26 =	sor.u32 $0x260, s9;
	[tilespmem:$0x1FDF0] =	vst v1;
	v1 =	vor.u32 s25, v0  }
0x2c: {  	s28 =	sor.u32 $0x270, s9;
	[tilespmem:$0x1FE00] =	vst v1;
	v1 =	vor.u32 s26, v0  }
0x2d: {  	s29 =	sor.u32 $0x280, s9;
	[tilespmem:$0x1FE10] =	vst v1;
	v1 =	vor.u32 s28, v0  }
0x2e: {  	s30 =	sor.u32 $0x290, s9;
	[tilespmem:$0x1FE20] =	vst v1;
	v1 =	vor.u32 s29, v0  }
0x2f: {  	s31 =	sor.u32 $0x2A0, s9;
	[tilespmem:$0x1FE30] =	vst v1;
	v1 =	vor.u32 s30, v0  }
0x30: {  	s2 =	stileid.u32;
	s13 =	sor.u32 $0x2B0, s9;
	[tilespmem:$0x1FE40] =	vst v1;
	v1 =	vor.u32 s31, v0  }
0x31: {  	s7 =	sshll.u32 s2, $0x1;
	s14 =	sor.u32 $0x2C0, s9;
	[tilespmem:$0x1FE50] =	vst v1;
	v1 =	vor.u32 s13, v0  }
0x32: {  	s10 =	simm.s32 $0x1;
	s7 =	sor.u32 s6, s7;
	s15 =	sor.u32 $0x2D0, s9;
	[tilespmem:$0x1FE60] =	vst v1;
	v1 =	vor.u32 s14, v0  }
0x33: {  	p1 =	seq.s32 s6, $0x1;
	p0 =	seq.s32 s7, $0x0;
	s16 =	sor.u32 $0x2E0, s9;
	[tilespmem:$0x1FE70] =	vst v1;
	v1 =	vor.u32 s15, v0  }
0x34: {  	s7 =	sshll.u32 s7, $0x8;
	p0 =	por !p0, !p1;
	s17 =	sor.u32 $0x2F0, s9;
	[tilespmem:$0x1FE80] =	vst v1;
	v1 =	vor.u32 s16, v0  }
0x35: {  	s7 =	sadd.s32 s7, s5;
	s5 =	simm.s32 $0x1;
	s18 =	sor.u32 $0x300, s9;
	[tilespmem:$0x1FE90] =	vst v1;
	v1 =	vor.u32 s17, v0  }
0x36: {  	p0 =	por !p0, !p0;
	s7 =	sadd.s32 $0xA00, s7;
	s19 =	sor.u32 $0x310, s9;
	[tilespmem:$0x1FEA0] =	vst v1;
	v1 =	vor.u32 s18, v0  }
0x37: {  	s8 =	smax.u32 s8, $0x1;
	s10 =	simm.s32 @!p0 $0x0;
	s20 =	sor.u32 $0x320, s9;
	[tilespmem:$0x1FEB0] =	vst v1;
	v1 =	vor.u32 s19, v0  }
0x38: {  	v57 =	vor.u32 s9, v0;
	s21 =	sor.u32 $0x330, s9;
	s19 =	sor.u32 $0x460, s9;
	[tilespmem:$0x1FEC0] =	vst v1;
	v1 =	vor.u32 s20, v0;
	s20 =	sor.u32 $0x470, s9  }
0x39: {  	s22 =	sor.u32 $0x340, s9;
	v5 =	vor.u32 s19, v0;
	s19 =	sor.u32 $0x550, s9;
	[tilespmem:$0x1FED0] =	vst v1;
	v1 =	vor.u32 s21, v0;
	s21 =	sor.u32 $0x480, s9;
	v6 =	vor.u32 s20, v0  }
0x3a: {  	s23 =	sor.u32 $0x350, s9;
	s20 =	sor.u32 $0x560, s9;
	v20 =	vor.u32 s19, v0;
	s19 =	sor.u32 $0x640, s9;
	[tilespmem:$0x1FEE0] =	vst v1;
	v1 =	vor.u32 s22, v0;
	v7 =	vor.u32 s21, v0  }
0x3b: {  	s22 =	sor.u32 $0x490, s9;
	s21 =	sor.u32 $0x570, s9;
	v21 =	vor.u32 s20, v0;
	s20 =	sor.u32 $0x650, s9;
	v35 =	vor.u32 s19, v0;
	[tilespmem:$0x1FEF0] =	vst v1;
	v1 =	vor.u32 s23, v0  }
0x3c: {  	s24 =	sor.u32 $0x360, s9;
	s19 =	sor.u32 $0x730, s9;
	s23 =	sor.u32 $0x4A0, s9;
	v8 =	vor.u32 s22, v0;
	v22 =	vor.u32 s21, v0;
	v36 =	vor.u32 s20, v0  }
0x3d: {  	s22 =	sor.u32 $0x580, s9;
	s21 =	sor.u32 $0x660, s9;
	s20 =	sor.u32 $0x740, s9;
	v50 =	vor.u32 s19, v0;
	[tilespmem:$0x1FF00] =	vst v1;
	v1 =	vor.u32 s24, v0;
	v9 =	vor.u32 s23, v0  }
0x3e: {  	s25 =	sor.u32 $0x370, s9;
	s24 =	sor.u32 $0x4B0, s9;
	s23 =	sor.u32 $0x590, s9;
	v23 =	vor.u32 s22, v0;
	v37 =	vor.u32 s21, v0;
	v51 =	vor.u32 s20, v0  }
0x3f: {  	s26 =	sor.u32 $0x380, s9;
	s22 =	sor.u32 $0x670, s9;
	s21 =	sor.u32 $0x750, s9;
	[tilespmem:$0x1FF10] =	vst v1;
	v1 =	vor.u32 s25, v0;
	v10 =	vor.u32 s24, v0;
	v24 =	vor.u32 s23, v0  }
0x40: {  	s25 =	sor.u32 $0x4C0, s9;
	s24 =	sor.u32 $0x5A0, s9;
	s23 =	sor.u32 $0x680, s9;
	v38 =	vor.u32 s22, v0;
	v52 =	vor.u32 s21, v0;
	[tilespmem:$0x1FF20] =	vst v1;
	v1 =	vor.u32 s26, v0  }
0x41: {  	s28 =	sor.u32 $0x390, s9;
	s22 =	sor.u32 $0x760, s9;
	s26 =	sor.u32 $0x4D0, s9;
	v11 =	vor.u32 s25, v0;
	v25 =	vor.u32 s24, v0;
	v39 =	vor.u32 s23, v0  }
0x42: {  	s25 =	sor.u32 $0x5B0, s9;
	s24 =	sor.u32 $0x690, s9;
	s23 =	sor.u32 $0x770, s9;
	v53 =	vor.u32 s22, v0;
	[tilespmem:$0x1FF30] =	vst v1;
	v1 =	vor.u32 s28, v0;
	v12 =	vor.u32 s26, v0  }
0x43: {  	s29 =	sor.u32 $0x3A0, s9;
	s28 =	sor.u32 $0x4E0, s9;
	s26 =	sor.u32 $0x5C0, s9;
	v26 =	vor.u32 s25, v0;
	v40 =	vor.u32 s24, v0;
	v54 =	vor.u32 s23, v0  }
0x44: {  	s30 =	sor.u32 $0x3B0, s9;
	s25 =	sor.u32 $0x6A0, s9;
	s24 =	sor.u32 $0x780, s9;
	[tilespmem:$0x1FF40] =	vst v1;
	v1 =	vor.u32 s29, v0;
	v13 =	vor.u32 s28, v0;
	v27 =	vor.u32 s26, v0  }
0x45: {  	s29 =	sor.u32 $0x4F0, s9;
	s28 =	sor.u32 $0x5D0, s9;
	s26 =	sor.u32 $0x6B0, s9;
	v41 =	vor.u32 s25, v0;
	v55 =	vor.u32 s24, v0;
	[tilespmem:$0x1FF50] =	vst v1;
	v1 =	vor.u32 s30, v0  }
0x46: {  	s31 =	sor.u32 $0x3C0, s9;
	s25 =	sor.u32 $0x790, s9;
	s30 =	sor.u32 $0x500, s9;
	v14 =	vor.u32 s29, v0;
	v28 =	vor.u32 s28, v0;
	v42 =	vor.u32 s26, v0  }
0x47: {  	s29 =	sor.u32 $0x5E0, s9;
	s28 =	sor.u32 $0x6C0, s9;
	s26 =	sor.u32 $0x7A0, s9;
	v56 =	vor.u32 s25, v0;
	[tilespmem:$0x1FF60] =	vst v1;
	v1 =	vor.u32 s31, v0;
	v15 =	vor.u32 s30, v0  }
0x48: {  	s13 =	sor.u32 $0x3D0, s9;
	s31 =	sor.u32 $0x510, s9;
	s30 =	sor.u32 $0x5F0, s9;
	v29 =	vor.u32 s29, v0;
	v43 =	vor.u32 s28, v0;
	v58 =	vor.u32 s26, v0  }
0x49: {  	s14 =	sor.u32 $0x3E0, s9;
	s29 =	sor.u32 $0x6D0, s9;
	s28 =	sor.u32 $0x7B0, s9;
	[tilespmem:$0x1FF70] =	vst v1;
	v1 =	vor.u32 s13, v0;
	v16 =	vor.u32 s31, v0;
	v30 =	vor.u32 s30, v0  }
0x4a: {  	s15 =	sor.u32 $0x3F0, s9;
	s31 =	sor.u32 $0x600, s9;
	s30 =	sor.u32 $0x6E0, s9;
	v44 =	vor.u32 s29, v0;
	v59 =	vor.u32 s28, v0;
	[tilespmem:$0x1FF80] =	vst v1;
	v1 =	vor.u32 s14, v0  }
0x4b: {  	s16 =	sor.u32 $0x400, s9;
	s29 =	sor.u32 $0x7C0, s9;
	v31 =	vor.u32 s31, v0;
	s31 =	sor.u32 $0x6F0, s9;
	v45 =	vor.u32 s30, v0;
	[tilespmem:$0x1FF90] =	vst v1;
	v1 =	vor.u32 s15, v0  }
0x4c: {  	s17 =	sor.u32 $0x410, s9;
	s30 =	sor.u32 $0x7D0, s9;
	v60 =	vor.u32 s29, v0;
	s15 =	sor.u32 $0x450, s9;
	v46 =	vor.u32 s31, v0;
	[tilespmem:$0x1FFA0] =	vst v1;
	v1 =	vor.u32 s16, v0  }
0x4d: {  	s18 =	sor.u32 $0x420, s9;
	s31 =	sor.u32 $0x7E0, s9;
	v61 =	vor.u32 s30, v0;
	v4 =	vor.u32 s15, v0;
	s16 =	sor.u32 $0x520, s9;
	[tilespmem:$0x1FFB0] =	vst v1;
	v1 =	vor.u32 s17, v0  }
0x4e: {  	s13 =	sor.u32 $0x430, s9;
	v62 =	vor.u32 s31, v0;
	s17 =	sor.u32 $0x530, s9;
	v17 =	vor.u32 s16, v0;
	s16 =	sor.u32 $0x610, s9;
	[tilespmem:$0x1FFC0] =	vst v1;
	v1 =	vor.u32 s18, v0  }
0x4f: {  	s18 =	sor.u32 $0x540, s9;
	v18 =	vor.u32 s17, v0;
	s17 =	sor.u32 $0x620, s9;
	v32 =	vor.u32 s16, v0;
	s16 =	sor.u32 $0x700, s9;
	[tilespmem:$0x1FFD0] =	vst v1;
	v1 =	vor.u32 s13, v0  }
0x50: {  	s14 =	sor.u32 $0x440, s9;
	v19 =	vor.u32 s18, v0;
	s18 =	sor.u32 $0x630, s9;
	v33 =	vor.u32 s17, v0;
	s17 =	sor.u32 $0x710, s9;
	v47 =	vor.u32 s16, v0  }
0x51: {  	s6 =	ssub.s32 s2, s10;
	[tilespmem:$0x1FFE0] =	vst v1;
	v1 =	vor.u32 s14, v0;
	v34 =	vor.u32 s18, v0;
	s18 =	sor.u32 $0x720, s9;
	v48 =	vor.u32 s17, v0;
	s9 =	sor.u32 $0x7F0, s9  }
0x52: {  	s10 =	simm.s32 $0x180;
	s6 =	sadd.s32 $0x100, s6;
	[tilespmem:$0x1FFF0] =	vst v1;
	v49 =	vor.u32 s18, v0;
	v63 =	vor.u32 s9, v0;
	s9 =	simm.s32 $0x80;
	v0 =	vimm.s32 $0x0  }
.LBB2_1:
0x53: {  	[tilespmem:s4], [sflag:$0x1] =	stream.linear.gather [hbm4b:s1+s4], $0x80, $0x38;
	[tilespmem:$0x980] =	vst v63  }
0x54: {  	_ =	swait.ge [sflag:s5], $0x80  }
0x55: {  	[sflag:s5] =	ssyncset.done $0x0  }
0x56: {  	[sflag:s5] =	ssyncadd.s32 $0xFFFFFF80  }
0x57: {  	[tilespmem:s9], [sflag:$0x1] =	stream.linear.gather [hbm4b:s3+s4], $0x80, $0x38;
	[tilespmem:$0x980] =	vst v63  }
0x58: {  	_ =	swait.ge [sflag:s5], $0x80  }
0x59: {  	[sflag:s5] =	ssyncset.done $0x0  }
0x5a: {  	[sflag:s5] =	ssyncadd.s32 $0xFFFFFF80  }
0x5b: {  	v1 =	vld [tilespmem:$0x0]  }
0x5c: {  	v2 =	vld [tilespmem:$0x80];
	_ =	sdelay $0x4  }
0x5d: {  	v1 =	vadd.s32 v1, v2  }
0x5e: {  	[tilespmem:$0x100] =	vst v1  }
0x5f: {  	v3 =	vld [tilespmem:$0x1FBC0];
	[tilespmem:$0x110] =	vst v1  }
0x60: {  	v1 =	vld.msk [tilespmem:s6+$0x0 ss:$0x0], $0xffff;
	_ =	sdelay $0x4  }
0x61: {  	vm10 =	vge.s32 v3, v1;
	v3 =	vld [tilespmem:$0x1FBD0];
	_ =	sdelay $0x4  }
0x62: {  	vm11 =	vge.s32 v3, v1;
	v3 =	vld [tilespmem:$0x1FBE0];
	_ =	sdelay $0x4  }
0x63: {  	vm12 =	vge.s32 v3, v1;
	v3 =	vld [tilespmem:$0x1FBF0];
	_ =	sdelay $0x4  }
0x64: {  	vm13 =	vge.s32 v3, v1;
	v3 =	vld [tilespmem:$0x1FC00];
	_ =	sdelay $0x4  }
0x65: {  	vm14 =	vge.s32 v3, v1;
	v3 =	vld [tilespmem:$0x1FC10];
	_ =	sdelay $0x4  }
0x66: {  	vm15 =	vge.s32 v3, v1;
	v3 =	vld [tilespmem:$0x1FC20];
	_ =	sdelay $0x4  }
0x67: {  	vm4 =	vge.s32 v3, v1;
	v3 =	vld [tilespmem:$0x1FC30];
	_ =	sdelay $0x4  }
0x68: {  	vm5 =	vge.s32 v3, v1;
	v3 =	vld [tilespmem:$0x1FC40];
	_ =	sdelay $0x4  }
0x69: {  	vm6 =	vge.s32 v3, v1;
	v3 =	vld [tilespmem:$0x1FC50];
	_ =	sdelay $0x4  }
0x6a: {  	vm7 =	vge.s32 v3, v1;
	v3 =	vld [tilespmem:$0x1FC60];
	_ =	sdelay $0x4  }
0x6b: {  	vm8 =	vge.s32 v3, v1;
	v3 =	vld [tilespmem:$0x1FC70];
	_ =	sdelay $0x4  }
0x6c: {  	vm9 =	vge.s32 v3, v1;
	v3 =	vld [tilespmem:$0x1FC80];
	_ =	sdelay $0x2  }
0x6d: {  	vm0 =	vge.s32 v57, v1  }
0x6e: {  	v2 =	vsel vm0, $0x1, v0  }
0x6f: {  	[tilespmem:$0x180] =	vst v2;
	v2 =	vsel vm10, $0x1, v0;
	vm10 =	vge.s32 v3, v1;
	v3 =	vld [tilespmem:$0x1FC90];
	_ =	sdelay $0x4  }
0x70: {  	[tilespmem:$0x190] =	vst v2;
	v2 =	vsel vm11, $0x1, v0;
	vm11 =	vge.s32 v3, v1;
	v3 =	vld [tilespmem:$0x1FCA0];
	_ =	sdelay $0x4  }
0x71: {  	[tilespmem:$0x1A0] =	vst v2;
	v2 =	vsel vm12, $0x1, v0;
	vm12 =	vge.s32 v3, v1;
	v3 =	vld [tilespmem:$0x1FCB0];
	_ =	sdelay $0x4  }
0x72: {  	[tilespmem:$0x1B0] =	vst v2;
	v2 =	vsel vm13, $0x1, v0;
	vm13 =	vge.s32 v3, v1;
	v3 =	vld [tilespmem:$0x1FCC0];
	_ =	sdelay $0x4  }
0x73: {  	[tilespmem:$0x1C0] =	vst v2;
	v2 =	vsel vm14, $0x1, v0;
	vm14 =	vge.s32 v3, v1;
	v3 =	vld [tilespmem:$0x1FCD0];
	_ =	sdelay $0x4  }
0x74: {  	[tilespmem:$0x1D0] =	vst v2;
	v2 =	vsel vm15, $0x1, v0;
	vm15 =	vge.s32 v3, v1;
	v3 =	vld [tilespmem:$0x1FCE0];
	_ =	sdelay $0x4  }
0x75: {  	[tilespmem:$0x1E0] =	vst v2;
	v2 =	vsel vm4, $0x1, v0;
	vm4 =	vge.s32 v3, v1;
	v3 =	vld [tilespmem:$0x1FCF0];
	_ =	sdelay $0x4  }
0x76: {  	[tilespmem:$0x1F0] =	vst v2;
	v2 =	vsel vm5, $0x1, v0;
	vm5 =	vge.s32 v3, v1;
	v3 =	vld [tilespmem:$0x1FD00];
	_ =	sdelay $0x4  }
0x77: {  	[tilespmem:$0x200] =	vst v2;
	v2 =	vsel vm6, $0x1, v0;
	vm6 =	vge.s32 v3, v1;
	v3 =	vld [tilespmem:$0x1FD10];
	_ =	sdelay $0x4  }
0x78: {  	[tilespmem:$0x210] =	vst v2;
	v2 =	vsel vm7, $0x1, v0;
	vm7 =	vge.s32 v3, v1;
	v3 =	vld [tilespmem:$0x1FD20];
	_ =	sdelay $0x4  }
0x79: {  	[tilespmem:$0x220] =	vst v2;
	v2 =	vsel vm8, $0x1, v0;
	vm8 =	vge.s32 v3, v1;
	v3 =	vld [tilespmem:$0x1FD30];
	_ =	sdelay $0x4  }
0x7a: {  	[tilespmem:$0x230] =	vst v2;
	v2 =	vsel vm9, $0x1, v0;
	vm9 =	vge.s32 v3, v1;
	v3 =	vld [tilespmem:$0x1FD40];
	_ =	sdelay $0x4  }
0x7b: {  	[tilespmem:$0x240] =	vst v2;
	v2 =	vsel vm10, $0x1, v0;
	vm10 =	vge.s32 v3, v1;
	v3 =	vld [tilespmem:$0x1FD50];
	_ =	sdelay $0x4  }
0x7c: {  	[tilespmem:$0x250] =	vst v2;
	v2 =	vsel vm11, $0x1, v0;
	vm11 =	vge.s32 v3, v1;
	v3 =	vld [tilespmem:$0x1FD60];
	_ =	sdelay $0x4  }
0x7d: {  	[tilespmem:$0x260] =	vst v2;
	v2 =	vsel vm12, $0x1, v0;
	vm12 =	vge.s32 v3, v1;
	v3 =	vld [tilespmem:$0x1FD70];
	_ =	sdelay $0x4  }
0x7e: {  	[tilespmem:$0x270] =	vst v2;
	v2 =	vsel vm13, $0x1, v0;
	vm13 =	vge.s32 v3, v1;
	v3 =	vld [tilespmem:$0x1FD80];
	_ =	sdelay $0x4  }
0x7f: {  	[tilespmem:$0x280] =	vst v2;
	v2 =	vsel vm14, $0x1, v0;
	vm14 =	vge.s32 v3, v1;
	v3 =	vld [tilespmem:$0x1FD90];
	_ =	sdelay $0x4  }
0x80: {  	[tilespmem:$0x290] =	vst v2;
	v2 =	vsel vm15, $0x1, v0;
	vm15 =	vge.s32 v3, v1;
	v3 =	vld [tilespmem:$0x1FDA0];
	_ =	sdelay $0x4  }
0x81: {  	[tilespmem:$0x2A0] =	vst v2;
	v2 =	vsel vm4, $0x1, v0;
	vm4 =	vge.s32 v3, v1;
	v3 =	vld [tilespmem:$0x1FDB0];
	_ =	sdelay $0x4  }
0x82: {  	[tilespmem:$0x2B0] =	vst v2;
	v2 =	vsel vm5, $0x1, v0;
	vm5 =	vge.s32 v3, v1;
	v3 =	vld [tilespmem:$0x1FDC0];
	_ =	sdelay $0x4  }
0x83: {  	[tilespmem:$0x2C0] =	vst v2;
	v2 =	vsel vm6, $0x1, v0;
	vm6 =	vge.s32 v3, v1;
	v3 =	vld [tilespmem:$0x1FDD0];
	_ =	sdelay $0x4  }
0x84: {  	[tilespmem:$0x2D0] =	vst v2;
	v2 =	vsel vm7, $0x1, v0;
	vm7 =	vge.s32 v3, v1;
	v3 =	vld [tilespmem:$0x1FDE0];
	_ =	sdelay $0x4  }
0x85: {  	[tilespmem:$0x2E0] =	vst v2;
	v2 =	vsel vm8, $0x1, v0;
	vm8 =	vge.s32 v3, v1;
	v3 =	vld [tilespmem:$0x1FDF0];
	_ =	sdelay $0x4  }
0x86: {  	[tilespmem:$0x2F0] =	vst v2;
	v2 =	vsel vm9, $0x1, v0;
	vm9 =	vge.s32 v3, v1;
	v3 =	vld [tilespmem:$0x1FE00];
	_ =	sdelay $0x4  }
0x87: {  	[tilespmem:$0x300] =	vst v2;
	v2 =	vsel vm10, $0x1, v0;
	vm10 =	vge.s32 v3, v1;
	v3 =	vld [tilespmem:$0x1FE10];
	_ =	sdelay $0x4  }
0x88: {  	[tilespmem:$0x310] =	vst v2;
	v2 =	vsel vm11, $0x1, v0;
	vm11 =	vge.s32 v3, v1;
	v3 =	vld [tilespmem:$0x1FE20];
	_ =	sdelay $0x4  }
0x89: {  	[tilespmem:$0x320] =	vst v2;
	v2 =	vsel vm12, $0x1, v0;
	vm12 =	vge.s32 v3, v1;
	v3 =	vld [tilespmem:$0x1FE30];
	_ =	sdelay $0x4  }
0x8a: {  	[tilespmem:$0x330] =	vst v2;
	v2 =	vsel vm13, $0x1, v0;
	vm13 =	vge.s32 v3, v1;
	v3 =	vld [tilespmem:$0x1FE40];
	_ =	sdelay $0x4  }
0x8b: {  	[tilespmem:$0x340] =	vst v2;
	v2 =	vsel vm14, $0x1, v0;
	vm14 =	vge.s32 v3, v1;
	v3 =	vld [tilespmem:$0x1FE50];
	_ =	sdelay $0x4  }
0x8c: {  	[tilespmem:$0x350] =	vst v2;
	v2 =	vsel vm15, $0x1, v0;
	vm15 =	vge.s32 v3, v1;
	v3 =	vld [tilespmem:$0x1FE60];
	_ =	sdelay $0x4  }
0x8d: {  	[tilespmem:$0x360] =	vst v2;
	v2 =	vsel vm4, $0x1, v0;
	vm4 =	vge.s32 v3, v1;
	v3 =	vld [tilespmem:$0x1FE70];
	_ =	sdelay $0x4  }
0x8e: {  	[tilespmem:$0x370] =	vst v2;
	v2 =	vsel vm5, $0x1, v0;
	vm5 =	vge.s32 v3, v1;
	v3 =	vld [tilespmem:$0x1FE80];
	_ =	sdelay $0x4  }
0x8f: {  	[tilespmem:$0x380] =	vst v2;
	v2 =	vsel vm6, $0x1, v0;
	vm6 =	vge.s32 v3, v1;
	v3 =	vld [tilespmem:$0x1FE90];
	_ =	sdelay $0x4  }
0x90: {  	[tilespmem:$0x390] =	vst v2;
	v2 =	vsel vm7, $0x1, v0;
	vm7 =	vge.s32 v3, v1;
	v3 =	vld [tilespmem:$0x1FEA0];
	_ =	sdelay $0x4  }
0x91: {  	[tilespmem:$0x3A0] =	vst v2;
	v2 =	vsel vm8, $0x1, v0;
	vm8 =	vge.s32 v3, v1;
	v3 =	vld [tilespmem:$0x1FEB0];
	_ =	sdelay $0x4  }
0x92: {  	[tilespmem:$0x3B0] =	vst v2;
	v2 =	vsel vm9, $0x1, v0;
	vm9 =	vge.s32 v3, v1;
	v3 =	vld [tilespmem:$0x1FEC0];
	_ =	sdelay $0x4  }
0x93: {  	[tilespmem:$0x3C0] =	vst v2;
	v2 =	vsel vm10, $0x1, v0;
	vm10 =	vge.s32 v3, v1;
	v3 =	vld [tilespmem:$0x1FED0];
	_ =	sdelay $0x4  }
0x94: {  	[tilespmem:$0x3D0] =	vst v2;
	v2 =	vsel vm11, $0x1, v0;
	vm11 =	vge.s32 v3, v1;
	v3 =	vld [tilespmem:$0x1FEE0];
	_ =	sdelay $0x4  }
0x95: {  	[tilespmem:$0x3E0] =	vst v2;
	v2 =	vsel vm12, $0x1, v0;
	vm12 =	vge.s32 v3, v1;
	v3 =	vld [tilespmem:$0x1FEF0];
	_ =	sdelay $0x4  }
0x96: {  	[tilespmem:$0x3F0] =	vst v2;
	v2 =	vsel vm13, $0x1, v0;
	vm13 =	vge.s32 v3, v1;
	v3 =	vld [tilespmem:$0x1FF00];
	_ =	sdelay $0x4  }
0x97: {  	[tilespmem:$0x400] =	vst v2;
	v2 =	vsel vm14, $0x1, v0;
	vm14 =	vge.s32 v3, v1;
	v3 =	vld [tilespmem:$0x1FF10];
	_ =	sdelay $0x4  }
0x98: {  	[tilespmem:$0x410] =	vst v2;
	v2 =	vsel vm15, $0x1, v0;
	vm15 =	vge.s32 v3, v1;
	v3 =	vld [tilespmem:$0x1FF20];
	_ =	sdelay $0x4  }
0x99: {  	[tilespmem:$0x420] =	vst v2;
	v2 =	vsel vm4, $0x1, v0;
	vm4 =	vge.s32 v3, v1;
	v3 =	vld [tilespmem:$0x1FF30];
	_ =	sdelay $0x4  }
0x9a: {  	[tilespmem:$0x430] =	vst v2;
	v2 =	vsel vm5, $0x1, v0;
	vm5 =	vge.s32 v3, v1;
	v3 =	vld [tilespmem:$0x1FF40];
	_ =	sdelay $0x4  }
0x9b: {  	[tilespmem:$0x440] =	vst v2;
	v2 =	vsel vm6, $0x1, v0;
	vm6 =	vge.s32 v3, v1;
	v3 =	vld [tilespmem:$0x1FF50];
	_ =	sdelay $0x4  }
0x9c: {  	[tilespmem:$0x450] =	vst v2;
	v2 =	vsel vm7, $0x1, v0;
	vm7 =	vge.s32 v3, v1;
	v3 =	vld [tilespmem:$0x1FF60];
	_ =	sdelay $0x4  }
0x9d: {  	[tilespmem:$0x460] =	vst v2;
	v2 =	vsel vm8, $0x1, v0;
	vm8 =	vge.s32 v3, v1;
	v3 =	vld [tilespmem:$0x1FF70];
	_ =	sdelay $0x4  }
0x9e: {  	[tilespmem:$0x470] =	vst v2;
	v2 =	vsel vm9, $0x1, v0;
	vm9 =	vge.s32 v3, v1;
	v3 =	vld [tilespmem:$0x1FF80];
	_ =	sdelay $0x4  }
0x9f: {  	[tilespmem:$0x480] =	vst v2;
	v2 =	vsel vm10, $0x1, v0;
	vm10 =	vge.s32 v3, v1;
	v3 =	vld [tilespmem:$0x1FF90];
	_ =	sdelay $0x4  }
0xa0: {  	[tilespmem:$0x490] =	vst v2;
	v2 =	vsel vm11, $0x1, v0;
	vm11 =	vge.s32 v3, v1;
	v3 =	vld [tilespmem:$0x1FFA0];
	_ =	sdelay $0x4  }
0xa1: {  	[tilespmem:$0x4A0] =	vst v2;
	v2 =	vsel vm12, $0x1, v0;
	vm12 =	vge.s32 v3, v1;
	v3 =	vld [tilespmem:$0x1FFB0];
	_ =	sdelay $0x4  }
0xa2: {  	[tilespmem:$0x4B0] =	vst v2;
	v2 =	vsel vm13, $0x1, v0;
	vm13 =	vge.s32 v3, v1;
	v3 =	vld [tilespmem:$0x1FFC0];
	_ =	sdelay $0x4  }
0xa3: {  	[tilespmem:$0x4C0] =	vst v2;
	v2 =	vsel vm14, $0x1, v0;
	vm14 =	vge.s32 v3, v1;
	v3 =	vld [tilespmem:$0x1FFD0];
	_ =	sdelay $0x1  }
0xa4: {  	[tilespmem:$0x4D0] =	vst v2;
	v2 =	vsel vm15, $0x1, v0  }
0xa5: {  	[tilespmem:$0x4E0] =	vst v2;
	v2 =	vsel vm4, $0x1, v0  }
0xa6: {  	[tilespmem:$0x4F0] =	vst v2;
	v2 =	vsel vm5, $0x1, v0  }
0xa7: {  	[tilespmem:$0x500] =	vst v2;
	v2 =	vsel vm6, $0x1, v0;
	vm15 =	vge.s32 v3, v1;
	v3 =	vld [tilespmem:$0x1FFE0]  }
0xa8: {  	[tilespmem:$0x510] =	vst v2;
	v2 =	vsel vm7, $0x1, v0  }
0xa9: {  	[tilespmem:$0x520] =	vst v2;
	v2 =	vsel vm8, $0x1, v0  }
0xaa: {  	[tilespmem:$0x530] =	vst v2;
	v2 =	vsel vm9, $0x1, v0  }
0xab: {  	[tilespmem:$0x540] =	vst v2;
	v2 =	vsel vm10, $0x1, v0  }
0xac: {  	[tilespmem:$0x550] =	vst v2;
	v2 =	vsel vm11, $0x1, v0;
	vm4 =	vge.s32 v3, v1;
	v3 =	vld [tilespmem:$0x1FFF0]  }
0xad: {  	[tilespmem:$0x560] =	vst v2;
	v2 =	vsel vm12, $0x1, v0  }
0xae: {  	[tilespmem:$0x570] =	vst v2;
	v2 =	vsel vm13, $0x1, v0  }
0xaf: {  	[tilespmem:$0x580] =	vst v2;
	v2 =	vsel vm14, $0x1, v0  }
0xb0: {  	[tilespmem:$0x590] =	vst v2;
	v2 =	vsel vm15, $0x1, v0  }
0xb1: {  	[tilespmem:$0x5A0] =	vst v2;
	v2 =	vsel vm4, $0x1, v0;
	vm5 =	vge.s32 v3, v1  }
0xb2: {  	vm6 =	vge.s32 v4, v1;
	[tilespmem:$0x5B0] =	vst v2;
	v2 =	vsel vm5, $0x1, v0  }
0xb3: {  	vm7 =	vge.s32 v5, v1;
	[tilespmem:$0x5C0] =	vst v2;
	v2 =	vsel vm6, $0x1, v0  }
0xb4: {  	vm8 =	vge.s32 v6, v1;
	[tilespmem:$0x5D0] =	vst v2;
	v2 =	vsel vm7, $0x1, v0  }
0xb5: {  	vm9 =	vge.s32 v7, v1;
	[tilespmem:$0x5E0] =	vst v2;
	v2 =	vsel vm8, $0x1, v0  }
0xb6: {  	vm10 =	vge.s32 v8, v1;
	[tilespmem:$0x5F0] =	vst v2;
	v2 =	vsel vm9, $0x1, v0  }
0xb7: {  	vm11 =	vge.s32 v9, v1;
	[tilespmem:$0x600] =	vst v2;
	v2 =	vsel vm10, $0x1, v0  }
0xb8: {  	vm12 =	vge.s32 v10, v1;
	[tilespmem:$0x610] =	vst v2;
	v2 =	vsel vm11, $0x1, v0  }
0xb9: {  	vm13 =	vge.s32 v11, v1;
	[tilespmem:$0x620] =	vst v2;
	v2 =	vsel vm12, $0x1, v0  }
0xba: {  	vm14 =	vge.s32 v12, v1;
	[tilespmem:$0x630] =	vst v2;
	v2 =	vsel vm13, $0x1, v0  }
0xbb: {  	vm15 =	vge.s32 v13, v1;
	[tilespmem:$0x640] =	vst v2;
	v2 =	vsel vm14, $0x1, v0  }
0xbc: {  	vm4 =	vge.s32 v14, v1;
	[tilespmem:$0x650] =	vst v2;
	v2 =	vsel vm15, $0x1, v0  }
0xbd: {  	vm5 =	vge.s32 v15, v1;
	[tilespmem:$0x660] =	vst v2;
	v2 =	vsel vm4, $0x1, v0  }
0xbe: {  	vm6 =	vge.s32 v16, v1;
	[tilespmem:$0x670] =	vst v2;
	v2 =	vsel vm5, $0x1, v0  }
0xbf: {  	vm7 =	vge.s32 v17, v1;
	[tilespmem:$0x680] =	vst v2;
	v2 =	vsel vm6, $0x1, v0  }
0xc0: {  	vm8 =	vge.s32 v18, v1;
	[tilespmem:$0x690] =	vst v2;
	v2 =	vsel vm7, $0x1, v0  }
0xc1: {  	vm9 =	vge.s32 v19, v1;
	[tilespmem:$0x6A0] =	vst v2;
	v2 =	vsel vm8, $0x1, v0  }
0xc2: {  	vm10 =	vge.s32 v20, v1;
	[tilespmem:$0x6B0] =	vst v2;
	v2 =	vsel vm9, $0x1, v0  }
0xc3: {  	vm11 =	vge.s32 v21, v1;
	[tilespmem:$0x6C0] =	vst v2;
	v2 =	vsel vm10, $0x1, v0  }
0xc4: {  	vm12 =	vge.s32 v22, v1;
	[tilespmem:$0x6D0] =	vst v2;
	v2 =	vsel vm11, $0x1, v0  }
0xc5: {  	vm13 =	vge.s32 v23, v1;
	[tilespmem:$0x6E0] =	vst v2;
	v2 =	vsel vm12, $0x1, v0  }
0xc6: {  	vm14 =	vge.s32 v24, v1;
	[tilespmem:$0x6F0] =	vst v2;
	v2 =	vsel vm13, $0x1, v0  }
0xc7: {  	vm15 =	vge.s32 v25, v1;
	[tilespmem:$0x700] =	vst v2;
	v2 =	vsel vm14, $0x1, v0  }
0xc8: {  	vm4 =	vge.s32 v26, v1;
	[tilespmem:$0x710] =	vst v2;
	v2 =	vsel vm15, $0x1, v0  }
0xc9: {  	vm5 =	vge.s32 v27, v1;
	[tilespmem:$0x720] =	vst v2;
	v2 =	vsel vm4, $0x1, v0  }
0xca: {  	vm6 =	vge.s32 v28, v1;
	[tilespmem:$0x730] =	vst v2;
	v2 =	vsel vm5, $0x1, v0  }
0xcb: {  	vm7 =	vge.s32 v29, v1;
	[tilespmem:$0x740] =	vst v2;
	v2 =	vsel vm6, $0x1, v0  }
0xcc: {  	vm8 =	vge.s32 v30, v1;
	[tilespmem:$0x750] =	vst v2;
	v2 =	vsel vm7, $0x1, v0  }
0xcd: {  	vm9 =	vge.s32 v31, v1;
	[tilespmem:$0x760] =	vst v2;
	v2 =	vsel vm8, $0x1, v0  }
0xce: {  	vm10 =	vge.s32 v32, v1;
	[tilespmem:$0x770] =	vst v2;
	v2 =	vsel vm9, $0x1, v0  }
0xcf: {  	vm11 =	vge.s32 v33, v1;
	[tilespmem:$0x780] =	vst v2;
	v2 =	vsel vm10, $0x1, v0  }
0xd0: {  	vm12 =	vge.s32 v34, v1;
	[tilespmem:$0x790] =	vst v2;
	v2 =	vsel vm11, $0x1, v0  }
0xd1: {  	vm13 =	vge.s32 v35, v1;
	[tilespmem:$0x7A0] =	vst v2;
	v2 =	vsel vm12, $0x1, v0  }
0xd2: {  	vm14 =	vge.s32 v36, v1;
	[tilespmem:$0x7B0] =	vst v2;
	v2 =	vsel vm13, $0x1, v0  }
0xd3: {  	vm15 =	vge.s32 v37, v1;
	[tilespmem:$0x7C0] =	vst v2;
	v2 =	vsel vm14, $0x1, v0  }
0xd4: {  	vm4 =	vge.s32 v38, v1;
	[tilespmem:$0x7D0] =	vst v2;
	v2 =	vsel vm15, $0x1, v0  }
0xd5: {  	vm5 =	vge.s32 v39, v1;
	[tilespmem:$0x7E0] =	vst v2;
	v2 =	vsel vm4, $0x1, v0  }
0xd6: {  	vm6 =	vge.s32 v40, v1;
	[tilespmem:$0x7F0] =	vst v2;
	v2 =	vsel vm5, $0x1, v0  }
0xd7: {  	vm7 =	vge.s32 v41, v1;
	[tilespmem:$0x800] =	vst v2;
	v2 =	vsel vm6, $0x1, v0  }
0xd8: {  	vm8 =	vge.s32 v42, v1;
	[tilespmem:$0x810] =	vst v2;
	v2 =	vsel vm7, $0x1, v0  }
0xd9: {  	vm1 =	vge.s32 v63, v1;
	vm9 =	vge.s32 v43, v1;
	[tilespmem:$0x820] =	vst v2;
	v2 =	vsel vm8, $0x1, v0  }
0xda: {  	vm10 =	vge.s32 v44, v1;
	vm11 =	vge.s32 v45, v1;
	[tilespmem:$0x830] =	vst v2;
	v2 =	vsel vm9, $0x1, v0  }
0xdb: {  	vm12 =	vge.s32 v46, v1;
	vm13 =	vge.s32 v47, v1;
	[tilespmem:$0x840] =	vst v2;
	v2 =	vsel vm10, $0x1, v0  }
0xdc: {  	vm14 =	vge.s32 v48, v1;
	vm15 =	vge.s32 v49, v1;
	[tilespmem:$0x850] =	vst v2;
	v2 =	vsel vm11, $0x1, v0  }
0xdd: {  	vm4 =	vge.s32 v50, v1;
	vm5 =	vge.s32 v51, v1;
	[tilespmem:$0x860] =	vst v2;
	v2 =	vsel vm12, $0x1, v0  }
0xde: {  	vm6 =	vge.s32 v52, v1;
	vm7 =	vge.s32 v53, v1;
	[tilespmem:$0x870] =	vst v2;
	v2 =	vsel vm13, $0x1, v0  }
0xdf: {  	vm8 =	vge.s32 v54, v1;
	vm9 =	vge.s32 v55, v1;
	[tilespmem:$0x880] =	vst v2;
	v2 =	vsel vm14, $0x1, v0  }
0xe0: {  	vm10 =	vge.s32 v56, v1;
	vm11 =	vge.s32 v58, v1;
	[tilespmem:$0x890] =	vst v2;
	v2 =	vsel vm15, $0x1, v0  }
0xe1: {  	vm12 =	vge.s32 v59, v1;
	vm15 =	vge.s32 v62, v1;
	[tilespmem:$0x8A0] =	vst v2;
	v2 =	vsel vm4, $0x1, v0  }
0xe2: {  	vm13 =	vge.s32 v60, v1;
	vm14 =	vge.s32 v61, v1;
	v1 =	vsel vm15, $0x1, v0;
	[tilespmem:$0x8B0] =	vst v2  }
0xe3: {  	v2 =	vsel vm5, $0x1, v0;
	[tilespmem:$0x960] =	vst v1  }
0xe4: {  	v1 =	vsel vm1, $0x1, v0;
	[tilespmem:$0x8C0] =	vst v2  }
0xe5: {  	v2 =	vsel vm6, $0x1, v0;
	[tilespmem:$0x970] =	vst v1  }
0xe6: {  	[tilespmem:$0x8D0] =	vst v2;
	v2 =	vsel vm7, $0x1, v0  }
0xe7: {  	[tilespmem:$0x8E0] =	vst v2;
	v2 =	vsel vm8, $0x1, v0  }
0xe8: {  	[tilespmem:$0x8F0] =	vst v2;
	v2 =	vsel vm9, $0x1, v0  }
0xe9: {  	[tilespmem:$0x900] =	vst v2;
	v2 =	vsel vm10, $0x1, v0  }
0xea: {  	[tilespmem:$0x910] =	vst v2;
	v2 =	vsel vm11, $0x1, v0  }
0xeb: {  	[tilespmem:$0x920] =	vst v2;
	v2 =	vsel vm12, $0x1, v0  }
0xec: {  	[tilespmem:$0x930] =	vst v2;
	v2 =	vsel vm13, $0x1, v0  }
0xed: {  	p0 =	sne.s32 s8, $0x1;
	[tilespmem:$0x940] =	vst v2;
	v2 =	vsel vm14, $0x1, v0  }
.Ltmp0:
0xee: {  	[tilespmem:$0x950] =	vst v2;
	(pc) =	sbr.rel @p0 .LBB2_1-.Ltmp0, $4  }
0xef: {  	[hbm4b:s7+s4] =	stream.linear.scatter [tilespmem:s10], [sflag:$0x1], $0x800, $0x38;
	[tilespmem:$0x980] =	vst v63  }
0xf0: {  	_ =	swait.ge [sflag:s5], $0x800  }
0xf1: {  	[sflag:s5] =	ssyncset.done $0x0  }
0xf2: {  	s8 =	sadd.s32 $0xFFFFFFFF, s8;
	[sflag:s5] =	ssyncadd.s32 $0xFFFFF800  }
0xf3: {  	_ =	sfence.sel $0x180000  }
0xf4: {  	[bflag:$0x0] =	sbarrier.arrive $0xFFFF  }
0xf5: {  	p0 =	sne.s32 s2, $0x0;
	_ =	strace $0x90000047  }
0xf6: {  	s0 =	sadd.s32 @!p0 $0x100000, s0;
	[bflag:$0x2] =	sbarrier.arrive $0xFFFF  }
0xf7: {  	[sflag:s0] =	ssyncadd.tile.s32 @!p0 $0x1;
	_ =	shalt  }
.Lfunc_end2:
_tile_overlayer_lowered:
.L_overlay_start_2:
0xf8: {  	(tag) =	ssettag $0x2  }
0xf9: {  	s0 =	rddreg [dreg:$0x0];
	s2 =	stileid.u32  }
0xfa: {  	s1 =	rddreg [dreg:$0x1];
	p0 =	sne.s32 s2, $0x0  }
0xfb: {  	s3 =	rddreg [dreg:$0x2];
	[bflag:$0x3] =	sbarrier.arrive $0xFFFF;
	s2 =	simm.s32 @!p0 $0x1C01  }
0xfc: {  	[timem:s3], [sflag:s2] =	dma.local @!p0 [hbm:s0], s1  }
0xfd: {  	s0 =	simm.s32 @!p0 $0x1  }
0xfe: {  	_ =	swait.ge @!p0 [sflag:s0], s1  }
0xff: {  	s1 =	ssub.s32 @!p0 $0x0, s1;
	[sflag:s0] =	ssyncset.done @!p0 $0x0  }
0x100: {  	[sflag:s0] =	ssyncadd.s32 @!p0 s1  }
0x101: {  	[bflag:$0x3] =	sbarrier.arrive $0xFFFF  }
0x102: {  	_ =	shalt  }

</sc_bundles>
